<compile_context>
chip_gen: v7x
topology: tpu7x:2x2x1
jax: 0.10.2.dev20260603
libtpu: 0.0.44.dev20260713+nightly
codegen_flags: <defaults>
</compile_context>

<pallas_src>
import functools
import math

import jax
import jax.numpy as jnp
from jax import lax
from jax.experimental import pallas as pl
from jax.experimental.pallas import tpu as pltpu
from jax.experimental.pallas import tpu_sc as plsc

_TI = 128
_DIAG_LEN = 4608
_WHALF = _DIAG_LEN // 2
_THRESH = [16, 19, 21, 24, 27, 31, 35, 40, 46, 52, 59, 67, 77, 87, 99, 113]


def _bucket_py(d):
    if d < 16:
        return d
    return 15 + sum(1 for th in _THRESH if d >= th)


def _band_layout(t_len):
    es = t_len - 1 + 128
    kinds, band_rows = [], []
    for hf in (0, 1):
        row = []
        for i in range(_WHALF // 16):
            b = [
                _bucket_py(max(es - (hf * _WHALF + 16 * i + l), 0))
                for l in range(16)
            ]
            if all(x == 31 for x in b):
                row.append("v31")
            elif all(x == 0 for x in b):
                row.append("v0")
            else:
                row.append(len(band_rows))
                band_rows.append(
                    [min(x, 15) for x in b]
                    + [max(x - 16, 0) for x in b]
                    + [1 if x < 16 else 0 for x in b]
                )
        kinds.append(row)
    return kinds, band_rows


def _make_diag_sc(t_len, num_heads, num_buckets, kinds, n_band):
    mesh = plsc.VectorSubcoreMesh(core_axis_name="c", subcore_axis_name="s")

    @functools.partial(
        pl.kernel,
        mesh=mesh,
        out_type=jax.ShapeDtypeStruct((num_heads, _DIAG_LEN), jnp.float32),
        scratch_types=[
            pltpu.VMEM((num_buckets,), jnp.float32),
            pltpu.VMEM((n_band * 48,), jnp.int32),
            pltpu.VMEM((_WHALF,), jnp.float32),
        ],
    )
    def diag_kernel(tab_hbm, band_hbm, out_hbm, tab_v, band_v, buf_v):
        h = lax.axis_index("s")
        half = lax.axis_index("c")
        pltpu.sync_copy(tab_hbm.at[h], tab_v)
        pltpu.sync_copy(band_hbm, band_v)
        lo = tab_v[0:16]
        hi = tab_v[16:32]
        zeros = lax.iota(jnp.int32, 16) * 0
        v0 = lo.at[zeros].get(mode="promise_in_bounds")
        v31 = hi.at[zeros + 15].get(mode="promise_in_bounds")

        def fill_half(hf):
            for i in range(_WHALF // 16):
                kind = kinds[hf][i]
                if kind == "v31":
                    buf_v[pl.ds(16 * i, 16)] = v31
                elif kind == "v0":
                    buf_v[pl.ds(16 * i, 16)] = v0
                else:
                    p = kind * 48
                    idx_lo = band_v[pl.ds(p, 16)]
                    idx_hi = band_v[pl.ds(p + 16, 16)]
                    small = band_v[pl.ds(p + 32, 16)]
                    buf_v[pl.ds(16 * i, 16)] = jnp.where(
                        small == 1,
                        lo.at[idx_lo].get(mode="promise_in_bounds"),
                        hi.at[idx_hi].get(mode="promise_in_bounds"),
                    )

        @pl.when(half == 0)
        def _():
            fill_half(0)

        @pl.when(half == 1)
        def _():
            fill_half(1)

        pltpu.sync_copy(buf_v, out_hbm.at[h, pl.ds(half * _WHALF, _WHALF)])

    return diag_kernel


def _diag_vals(m0, n, t_len, off, tab_ref, h, num_buckets, max_distance):
    k = (m0 - 128) + jax.lax.broadcasted_iota(jnp.int32, (1, n), 1)
    d = jnp.maximum(t_len - 1 + off - k, 0)
    max_exact = num_buckets // 2
    is_small = d < max_exact
    d_f = d.astype(jnp.float32)
    large = max_exact + (
        jnp.log(d_f / max_exact)
        / math.log(max_distance / max_exact)
        * (num_buckets - max_exact)
    ).astype(jnp.int32)
    large = jnp.minimum(large, num_buckets - 1)
    bucket = jnp.where(is_small, d, large)
    val = jnp.zeros((1, n), jnp.float32)
    for b in range(num_buckets):
        val = jnp.where(bucket == b, tab_ref[b, h], val)
    return val


def _expand_tile_kernel(diag_ref, out_ref, diag8_ref, *, t_len):
    ti = out_ref.shape[2]
    s_len = out_ref.shape[3]
    t = pl.program_id(1)
    w0 = (t_len - ti) - t * ti

    @pl.when(t == 0)
    def _():
        n = ((t_len + 2 * ti + s_len + 127) // 128) * 128 - ti
        big = diag_ref[0, 0:1, ti : ti + n + 128]
        for r in range(8):
            diag8_ref[r : r + 1, ti : ti + n] = jax.lax.slice(
                big, (0, 7 - r), (1, 7 - r + n)
            )

    win_len = ((120 + s_len + 127) // 128) * 128
    tile8 = diag8_ref[:, pl.ds(w0 + ti, win_len)]
    for g in range(ti // 8):
        x = 120 - 8 * g
        out_ref[0, 0, 8 * g : 8 * g + 8, :] = jax.lax.slice(
            tile8, (0, x), (8, x + s_len)
        )


def _general_tile_kernel(off_ref, tab_ref, out_ref, diag_ref, diag8_ref, *,
                         t_len, num_buckets, max_distance):
    ti = out_ref.shape[2]
    s_len = out_ref.shape[3]
    h = pl.program_id(0)
    t = pl.program_id(1)
    w0 = (t_len - ti) - t * ti
    vals = functools.partial(
        _diag_vals,
        t_len=t_len,
        off=off_ref[0],
        tab_ref=tab_ref,
        h=h,
        num_buckets=num_buckets,
        max_distance=max_distance,
    )

    @pl.when(t == 0)
    def _():
        n = ((t_len + 2 * ti + s_len + 127) // 128) * 128 - ti
        diag_ref[0:1, ti : ti + n + 128] = vals(ti, n + 128)
        big = diag_ref[0:1, ti : ti + n + 128]
        for r in range(8):
            diag8_ref[r : r + 1, ti : ti + n] = jax.lax.slice(
                big, (0, 7 - r), (1, 7 - r + n)
            )

    win_len = ((120 + s_len + 127) // 128) * 128
    tile8 = diag8_ref[:, pl.ds(w0 + ti, win_len)]
    for g in range(ti // 8):
        x = 120 - 8 * g
        out_ref[0, 0, 8 * g : 8 * g + 8, :] = jax.lax.slice(
            tile8, (0, x), (8, x + s_len)
        )


def kernel(query, key, offset, rel_bias_table):
    t_len = query.shape[1]
    s_len = key.shape[1]
    num_buckets, num_heads = rel_bias_table.shape
    out_shape = jax.ShapeDtypeStruct((1, num_heads, t_len, s_len), jnp.float32)
    off = jnp.asarray(offset, jnp.int32)

    def sc_path():
        tab_t = rel_bias_table.T
        kinds, band_rows = _band_layout(t_len)
        band = jnp.asarray(band_rows, jnp.int32).reshape(-1)
        diag = _make_diag_sc(
            t_len, num_heads, num_buckets, kinds, len(band_rows)
        )(tab_t, band)
        diag = diag.reshape(num_heads, 1, _DIAG_LEN)
        body = functools.partial(_expand_tile_kernel, t_len=t_len)
        return pl.pallas_call(
            body,
            grid=(num_heads, t_len // _TI),
            in_specs=[pl.BlockSpec((1, 1, _DIAG_LEN), lambda h, t: (h, 0, 0))],
            out_specs=pl.BlockSpec((1, 1, _TI, s_len), lambda h, t: (0, h, t, 0)),
            out_shape=out_shape,
            scratch_shapes=[pltpu.VMEM((8, _DIAG_LEN), jnp.float32)],
        )(diag)

    def tc_path():
        body = functools.partial(
            _general_tile_kernel,
            t_len=t_len,
            num_buckets=num_buckets,
            max_distance=128,
        )
        return pl.pallas_call(
            body,
            grid=(num_heads, t_len // _TI),
            in_specs=[
                pl.BlockSpec(memory_space=pltpu.SMEM),
                pl.BlockSpec(memory_space=pltpu.SMEM),
            ],
            out_specs=pl.BlockSpec((1, 1, _TI, s_len), lambda h, t: (0, h, t, 0)),
            out_shape=out_shape,
            scratch_shapes=[
                pltpu.VMEM((1, _DIAG_LEN), jnp.float32),
                pltpu.VMEM((8, _DIAG_LEN), jnp.float32),
            ],
        )(off.reshape(1), rel_bias_table)

    return lax.cond(off == 0, sc_path, tc_path)

# --- scband reference (transcript-rebuilt; emitter-appended) ---
"""Pipeline reference for scband-t5-embedding-89223650607339 (READ-ONLY COPY).

The authoritative reference and input builder live on the scoring server;
editing this copy changes nothing except your own understanding.
"""

import jax, jax.numpy as jnp
import numpy as np
import math

NUM_HEADS = 16
NUM_BUCKETS = 32
MAX_DISTANCE = 128
CAUSAL = True


def _relative_position_bucket(relative_position):
    # causal=True branch, faithful to HF T5
    num_buckets = NUM_BUCKETS
    relative_position = -jnp.minimum(relative_position, jnp.zeros_like(relative_position))
    max_exact = num_buckets // 2
    is_small = relative_position < max_exact
    relative_position_if_large = max_exact + (
        jnp.log(relative_position.astype(jnp.float32) / max_exact)
        / math.log(MAX_DISTANCE / max_exact)
        * (num_buckets - max_exact)
    ).astype(jnp.int32)
    relative_position_if_large = jnp.minimum(
        relative_position_if_large,
        jnp.full_like(relative_position_if_large, num_buckets - 1),
    )
    relative_buckets = jnp.where(is_small, relative_position, relative_position_if_large)
    return relative_buckets


def setup_inputs(seed: int = 0) -> dict:
    key = jax.random.key(seed)
    k1, k2, k3 = jax.random.split(key, 3)
    B, T, S, H, D = 2, 2048, 2048, NUM_HEADS, 64
    query = jax.random.normal(k1, (B, T, H, D), dtype=jnp.float32)
    key_t = jax.random.normal(k2, (B, S, H, D), dtype=jnp.float32)
    rel_bias_table = jax.random.normal(k3, (NUM_BUCKETS, NUM_HEADS), dtype=jnp.float32) * 0.02
    return {"query": query, "key": key_t, "offset": 0, "rel_bias_table": rel_bias_table}


def reference(query, key, offset, rel_bias_table):
    query_len = query.shape[1]
    key_len = key.shape[1]
    query_position = jnp.arange(query_len, dtype=jnp.int32)[None, :, None]
    key_position = jnp.arange(key_len, dtype=jnp.int32)[None, None, :]
    query_position = query_position + offset
    relative_position = key_position - query_position
    relative_position_bucket = _relative_position_bucket(relative_position)
    values = jnp.take(rel_bias_table, relative_position_bucket, axis=0)  # (1, T, S, H)
    values = jnp.transpose(values, (0, 3, 1, 2))  # (1, H, T, S)
    return values

if __name__ == "__main__":
    import jax
    _d = setup_inputs()
    print(jax.jit(kernel)(*tuple(_d.values())))

</pallas_src>

<mosaic_0001>
#map = affine_map<(d0, d1) -> (0, 0)>
#map1 = affine_map<(d0, d1) -> (0)>
module attributes {stable_mosaic.version = 14 : i64} {
  func.func @diag_kernel(%arg0: i32, %arg1: i32, %arg2: memref<16x32xf32, #tpu.memory_space<hbm>>, %arg3: memref<384xi32, #tpu.memory_space<hbm>>, %arg4: memref<16x4608xf32, #tpu.memory_space<hbm>>, %arg5: memref<32xf32, #tpu.memory_space<vmem>>, %arg6: memref<384xi32, #tpu.memory_space<vmem>>, %arg7: memref<2304xf32, #tpu.memory_space<vmem>>) attributes {dimension_semantics = [#tpu.dimension_semantics<core_parallel>, #tpu.dimension_semantics<subcore_parallel>], iteration_bounds = array<i64: 2, 16>, scalar_prefetch = 0 : i64, scratch_operands = 3 : i64, tpu.core_type = #tpu.core_type<sc_vector_subcore>, window_params = [{transform_indices = #map}, {transform_indices = #map1}, {transform_indices = #map}]} {
    "tpu.region"() ({
      %run_scoped3A = tpu.sem_alloc : memref<!tpu.dma_semaphore, #tpu.memory_space<semaphore_mem>>
      %dma_start3A = arith.constant 0 : i32
      %dma_start3A_34 = tpu.memref_slice %arg2[%arg1, %dma_start3A] : memref<16x32xf32, #tpu.memory_space<hbm>> -> memref<1x32xf32, #tpu.memory_space<hbm>>
      %dma_start3A_35 = tpu.memref_squeeze %dma_start3A_34 : memref<1x32xf32, #tpu.memory_space<hbm>> -> memref<32xf32, #tpu.memory_space<hbm>>
      %dma_start3A_36 = arith.constant 0 : i32
      %dma_start3A_37 = tpu.memref_slice %arg2[%arg1, %dma_start3A_36] : memref<16x32xf32, #tpu.memory_space<hbm>> -> memref<1x32xf32, #tpu.memory_space<hbm>>
      %dma_start3A_38 = tpu.memref_squeeze %dma_start3A_37 : memref<1x32xf32, #tpu.memory_space<hbm>> -> memref<32xf32, #tpu.memory_space<hbm>>
      tpu.enqueue_dma source(%dma_start3A_38 : memref<32xf32, #tpu.memory_space<hbm>>) target(%arg5 : memref<32xf32, #tpu.memory_space<vmem>>) target_semaphore(%run_scoped3A : memref<!tpu.dma_semaphore, #tpu.memory_space<semaphore_mem>>)
      %dma_wait3A = arith.constant 0 : i32
      %dma_wait3A_39 = tpu.memref_slice %arg2[%arg1, %dma_wait3A] : memref<16x32xf32, #tpu.memory_space<hbm>> -> memref<1x32xf32, #tpu.memory_space<hbm>>
      %dma_wait3A_40 = tpu.memref_squeeze %dma_wait3A_39 : memref<1x32xf32, #tpu.memory_space<hbm>> -> memref<32xf32, #tpu.memory_space<hbm>>
      %dma_wait3A_41 = arith.constant 0 : i32
      %dma_wait3A_42 = tpu.memref_slice %arg2[%arg1, %dma_wait3A_41] : memref<16x32xf32, #tpu.memory_space<hbm>> -> memref<1x32xf32, #tpu.memory_space<hbm>>
      %dma_wait3A_43 = tpu.memref_squeeze %dma_wait3A_42 : memref<1x32xf32, #tpu.memory_space<hbm>> -> memref<32xf32, #tpu.memory_space<hbm>>
      tpu.wait_dma2 semaphore(%run_scoped3A : memref<!tpu.dma_semaphore, #tpu.memory_space<semaphore_mem>>) src(%dma_wait3A_43 : memref<32xf32, #tpu.memory_space<hbm>>) dst(%arg5 : memref<32xf32, #tpu.memory_space<vmem>>)
      tpu.yield
    }) : () -> ()
    "tpu.region"() ({
      %run_scoped3A = tpu.sem_alloc : memref<!tpu.dma_semaphore, #tpu.memory_space<semaphore_mem>>
      tpu.enqueue_dma source(%arg3 : memref<384xi32, #tpu.memory_space<hbm>>) target(%arg6 : memref<384xi32, #tpu.memory_space<vmem>>) target_semaphore(%run_scoped3A : memref<!tpu.dma_semaphore, #tpu.memory_space<semaphore_mem>>)
      tpu.wait_dma2 semaphore(%run_scoped3A : memref<!tpu.dma_semaphore, #tpu.memory_space<semaphore_mem>>) src(%arg3 : memref<384xi32, #tpu.memory_space<hbm>>) dst(%arg6 : memref<384xi32, #tpu.memory_space<vmem>>)
      tpu.yield
    }) : () -> ()
    %get3A = arith.constant 0 : index
    %get3A_0 = tpu.vector_load %arg5[%get3A] {strides = array<i32>} : memref<32xf32, #tpu.memory_space<vmem>>, vector<16xf32>,
    %get3A_1 = vector.shape_cast %get3A_0 : vector<16xf32> to vector<16xf32>
    %get3A_2 = arith.constant 16 : index
    %get3A_3 = tpu.vector_load %arg5[%get3A_2] {strides = array<i32>} : memref<32xf32, #tpu.memory_space<vmem>>, vector<16xf32>,
    %get3A_4 = vector.shape_cast %get3A_3 : vector<16xf32> to vector<16xf32>
    %iota3A = tpu.iota {dimensions = array<i32: 0>} : vector<16xi32>
    %mul3A = arith.constant 0 : i32
    %mul3A_5 = vector.broadcast %mul3A : i32 to vector<16xi32>
    %mul3A_6 = arith.muli %iota3A, %mul3A_5 : vector<16xi32>
    %lt3A = arith.constant 0 : i32
    %lt3A_7 = vector.broadcast %lt3A : i32 to vector<16xi32>
    %lt3A_8 = arith.cmpi slt, %mul3A_6, %lt3A_7 : vector<16xi32>
    %add3A = arith.constant 16 : i32
    %add3A_9 = vector.broadcast %add3A : i32 to vector<16xi32>
    %add3A_10 = arith.addi %mul3A_6, %add3A_9 : vector<16xi32>
    %select_n3A = arith.select %lt3A_8, %add3A_10, %mul3A_6 : vector<16xi1>, vector<16xi32>
    %broadcast_in_dim3A = vector.shape_cast %select_n3A : vector<16xi32> to vector<16x1xi32>
    %gather3A = vector.shape_cast %broadcast_in_dim3A : vector<16x1xi32> to vector<16xi32>
    %gather3A_11 = tpu.dynamic_gather %get3A_1[%gather3A] in [0] : vector<16xf32>, vector<16xi32> -> vector<16xf32>
    %add3A_12 = arith.constant 15 : i32
    %add3A_13 = vector.broadcast %add3A_12 : i32 to vector<16xi32>
    %add3A_14 = arith.addi %mul3A_6, %add3A_13 : vector<16xi32>
    %lt3A_15 = arith.constant 0 : i32
    %lt3A_16 = vector.broadcast %lt3A_15 : i32 to vector<16xi32>
    %lt3A_17 = arith.cmpi slt, %add3A_14, %lt3A_16 : vector<16xi32>
    %add3A_18 = arith.constant 16 : i32
    %add3A_19 = vector.broadcast %add3A_18 : i32 to vector<16xi32>
    %add3A_20 = arith.addi %add3A_14, %add3A_19 : vector<16xi32>
    %select_n3A_21 = arith.select %lt3A_17, %add3A_20, %add3A_14 : vector<16xi1>, vector<16xi32>
    %broadcast_in_dim3A_22 = vector.shape_cast %select_n3A_21 : vector<16xi32> to vector<16x1xi32>
    %gather3A_23 = vector.shape_cast %broadcast_in_dim3A_22 : vector<16x1xi32> to vector<16xi32>
    %gather3A_24 = tpu.dynamic_gather %get3A_4[%gather3A_23] in [0] : vector<16xf32>, vector<16xi32> -> vector<16xf32>
    %eq3A = arith.constant 0 : i32
    %eq3A_25 = arith.cmpi eq, %arg0, %eq3A : i32
    %convert_element_type3A = arith.extui %eq3A_25 : i1 to i32
    %cond3A = arith.constant 0 : i32
    %cond3A_26 = arith.cmpi ne, %convert_element_type3A, %cond3A : i32
    scf.if %cond3A_26 {
      %swap3A = arith.constant 0 : index
      %swap3A_34 = tpu.vector_load %arg7[%swap3A] {strides = array<i32>} : memref<2304xf32, #tpu.memory_space<vmem>>, vector<16xf32>,
      %swap3A_35 = vector.shape_cast %swap3A_34 : vector<16xf32> to vector<16xf32>
      %swap3A_36 = vector.shape_cast %gather3A_24 : vector<16xf32> to vector<16xf32>
      tpu.vector_store %arg7[%swap3A], %swap3A_36 {strides = array<i32>} : memref<2304xf32, #tpu.memory_space<vmem>>, vector<16xf32>,
      %swap3A_37 = arith.constant 16 : index
      %swap3A_38 = tpu.vector_load %arg7[%swap3A_37] {strides = array<i32>} : memref<2304xf32, #tpu.memory_space<vmem>>, vector<16xf32>,
      %swap3A_39 = vector.shape_cast %swap3A_38 : vector<16xf32> to vector<16xf32>
      %swap3A_40 = vector.shape_cast %gather3A_24 : vector<16xf32> to vector<16xf32>
      tpu.vector_store %arg7[%swap3A_37], %swap3A_40 {strides = array<i32>} : memref<2304xf32, #tpu.memory_space<vmem>>, vector<16xf32>,
      %swap3A_41 = arith.constant 32 : index
      %swap3A_42 = tpu.vector_load %arg7[%swap3A_41] {strides = array<i32>} : memref<2304xf32, #tpu.memory_space<vmem>>, vector<16xf32>,
      %swap3A_43 = vector.shape_cast %swap3A_42 : vector<16xf32> to vector<16xf32>
      %swap3A_44 = vector.shape_cast %gather3A_24 : vector<16xf32> to vector<16xf32>
      tpu.vector_store %arg7[%swap3A_41], %swap3A_44 {strides = array<i32>} : memref<2304xf32, #tpu.memory_space<vmem>>, vector<16xf32>,
      %swap3A_45 = arith.constant 48 : index
      %swap3A_46 = tpu.vector_load %arg7[%swap3A_45] {strides = array<i32>} : memref<2304xf32, #tpu.memory_space<vmem>>, vector<16xf32>,
      %swap3A_47 = vector.shape_cast %swap3A_46 : vector<16xf32> to vector<16xf32>
      %swap3A_48 = vector.shape_cast %gather3A_24 : vector<16xf32> to vector<16xf32>
      tpu.vector_store %arg7[%swap3A_45], %swap3A_48 {strides = array<i32>} : memref<2304xf32, #tpu.memory_space<vmem>>, vector<16xf32>,
      %swap3A_49 = arith.constant 64 : index
      %swap3A_50 = tpu.vector_load %arg7[%swap3A_49] {strides = array<i32>} : memref<2304xf32, #tpu.memory_space<vmem>>, vector<16xf32>,
      %swap3A_51 = vector.shape_cast %swap3A_50 : vector<16xf32> to vector<16xf32>
      %swap3A_52 = vector.shape_cast %gather3A_24 : vector<16xf32> to vector<16xf32>
      tpu.vector_store %arg7[%swap3A_49], %swap3A_52 {strides = array<i32>} : memref<2304xf32, #tpu.memory_space<vmem>>, vector<16xf32>,
      %swap3A_53 = arith.constant 80 : index
      %swap3A_54 = tpu.vector_load %arg7[%swap3A_53] {strides = array<i32>} : memref<2304xf32, #tpu.memory_space<vmem>>, vector<16xf32>,
      %swap3A_55 = vector.shape_cast %swap3A_54 : vector<16xf32> to vector<16xf32>
      %swap3A_56 = vector.shape_cast %gather3A_24 : vector<16xf32> to vector<16xf32>
      tpu.vector_store %arg7[%swap3A_53], %swap3A_56 {strides = array<i32>} : memref<2304xf32, #tpu.memory_space<vmem>>, vector<16xf32>,
      %swap3A_57 = arith.constant 96 : index
      %swap3A_58 = tpu.vector_load %arg7[%swap3A_57] {strides = array<i32>} : memref<2304xf32, #tpu.memory_space<vmem>>, vector<16xf32>,
      %swap3A_59 = vector.shape_cast %swap3A_58 : vector<16xf32> to vector<16xf32>
      %swap3A_60 = vector.shape_cast %gather3A_24 : vector<16xf32> to vector<16xf32>
      tpu.vector_store %arg7[%swap3A_57], %swap3A_60 {strides = array<i32>} : memref<2304xf32, #tpu.memory_space<vmem>>, vector<16xf32>,
      %swap3A_61 = arith.constant 112 : index
      %swap3A_62 = tpu.vector_load %arg7[%swap3A_61] {strides = array<i32>} : memref<2304xf32, #tpu.memory_space<vmem>>, vector<16xf32>,
      %swap3A_63 = vector.shape_cast %swap3A_62 : vector<16xf32> to vector<16xf32>
      %swap3A_64 = vector.shape_cast %gather3A_24 : vector<16xf32> to vector<16xf32>
      tpu.vector_store %arg7[%swap3A_61], %swap3A_64 {strides = array<i32>} : memref<2304xf32, #tpu.memory_space<vmem>>, vector<16xf32>,
      %swap3A_65 = arith.constant 128 : index
      %swap3A_66 = tpu.vector_load %arg7[%swap3A_65] {strides = array<i32>} : memref<2304xf32, #tpu.memory_space<vmem>>, vector<16xf32>,
      %swap3A_67 = vector.shape_cast %swap3A_66 : vector<16xf32> to vector<16xf32>
      %swap3A_68 = vector.shape_cast %gather3A_24 : vector<16xf32> to vector<16xf32>
      tpu.vector_store %arg7[%swap3A_65], %swap3A_68 {strides = array<i32>} : memref<2304xf32, #tpu.memory_space<vmem>>, vector<16xf32>,
      %swap3A_69 = arith.constant 144 : index
      %swap3A_70 = tpu.vector_load %arg7[%swap3A_69] {strides = array<i32>} : memref<2304xf32, #tpu.memory_space<vmem>>, vector<16xf32>,
      %swap3A_71 = vector.shape_cast %swap3A_70 : vector<16xf32> to vector<16xf32>
      %swap3A_72 = vector.shape_cast %gather3A_24 : vector<16xf32> to vector<16xf32>
      tpu.vector_store %arg7[%swap3A_69], %swap3A_72 {strides = array<i32>} : memref<2304xf32, #tpu.memory_space<vmem>>, vector<16xf32>,
      %swap3A_73 = arith.constant 160 : index
      %swap3A_74 = tpu.vector_load %arg7[%swap3A_73] {strides = array<i32>} : memref<2304xf32, #tpu.memory_space<vmem>>, vector<16xf32>,
      %swap3A_75 = vector.shape_cast %swap3A_74 : vector<16xf32> to vector<16xf32>
      %swap3A_76 = vector.shape_cast %gather3A_24 : vector<16xf32> to vector<16xf32>
      tpu.vector_store %arg7[%swap3A_73], %swap3A_76 {strides = array<i32>} : memref<2304xf32, #tpu.memory_space<vmem>>, vector<16xf32>,
      %swap3A_77 = arith.constant 176 : index
      %swap3A_78 = tpu.vector_load %arg7[%swap3A_77] {strides = array<i32>} : memref<2304xf32, #tpu.memory_space<vmem>>, vector<16xf32>,
      %swap3A_79 = vector.shape_cast %swap3A_78 : vector<16xf32> to vector<16xf32>
      %swap3A_80 = vector.shape_cast %gather3A_24 : vector<16xf32> to vector<16xf32>
      tpu.vector_store %arg7[%swap3A_77], %swap3A_80 {strides = array<i32>} : memref<2304xf32, #tpu.memory_space<vmem>>, vector<16xf32>,
      %swap3A_81 = arith.constant 192 : index
      %swap3A_82 = tpu.vector_load %arg7[%swap3A_81] {strides = array<i32>} : memref<2304xf32, #tpu.memory_space<vmem>>, vector<16xf32>,
      %swap3A_83 = vector.shape_cast %swap3A_82 : vector<16xf32> to vector<16xf32>
      %swap3A_84 = vector.shape_cast %gather3A_24 : vector<16xf32> to vector<16xf32>
      tpu.vector_store %arg7[%swap3A_81], %swap3A_84 {strides = array<i32>} : memref<2304xf32, #tpu.memory_space<vmem>>, vector<16xf32>,
      %swap3A_85 = arith.constant 208 : index
      %swap3A_86 = tpu.vector_load %arg7[%swap3A_85] {strides = array<i32>} : memref<2304xf32, #tpu.memory_space<vmem>>, vector<16xf32>,
      %swap3A_87 = vector.shape_cast %swap3A_86 : vector<16xf32> to vector<16xf32>
      %swap3A_88 = vector.shape_cast %gather3A_24 : vector<16xf32> to vector<16xf32>
      tpu.vector_store %arg7[%swap3A_85], %swap3A_88 {strides = array<i32>} : memref<2304xf32, #tpu.memory_space<vmem>>, vector<16xf32>,
      %swap3A_89 = arith.constant 224 : index
      %swap3A_90 = tpu.vector_load %arg7[%swap3A_89] {strides = array<i32>} : memref<2304xf32, #tpu.memory_space<vmem>>, vector<16xf32>,
      %swap3A_91 = vector.shape_cast %swap3A_90 : vector<16xf32> to vector<16xf32>
      %swap3A_92 = vector.shape_cast %gather3A_24 : vector<16xf32> to vector<16xf32>
      tpu.vector_store %arg7[%swap3A_89], %swap3A_92 {strides = array<i32>} : memref<2304xf32, #tpu.memory_space<vmem>>, vector<16xf32>,
      %swap3A_93 = arith.constant 240 : index
      %swap3A_94 = tpu.vector_load %arg7[%swap3A_93] {strides = array<i32>} : memref<2304xf32, #tpu.memory_space<vmem>>, vector<16xf32>,
      %swap3A_95 = vector.shape_cast %swap3A_94 : vector<16xf32> to vector<16xf32>
      %swap3A_96 = vector.shape_cast %gather3A_24 : vector<16xf32> to vector<16xf32>
      tpu.vector_store %arg7[%swap3A_93], %swap3A_96 {strides = array<i32>} : memref<2304xf32, #tpu.memory_space<vmem>>, vector<16xf32>,
      %swap3A_97 = arith.constant 256 : index
      %swap3A_98 = tpu.vector_load %arg7[%swap3A_97] {strides = array<i32>} : memref<2304xf32, #tpu.memory_space<vmem>>, vector<16xf32>,
      %swap3A_99 = vector.shape_cast %swap3A_98 : vector<16xf32> to vector<16xf32>
      %swap3A_100 = vector.shape_cast %gather3A_24 : vector<16xf32> to vector<16xf32>
      tpu.vector_store %arg7[%swap3A_97], %swap3A_100 {strides = array<i32>} : memref<2304xf32, #tpu.memory_space<vmem>>, vector<16xf32>,
      %swap3A_101 = arith.constant 272 : index
      %swap3A_102 = tpu.vector_load %arg7[%swap3A_101] {strides = array<i32>} : memref<2304xf32, #tpu.memory_space<vmem>>, vector<16xf32>,
      %swap3A_103 = vector.shape_cast %swap3A_102 : vector<16xf32> to vector<16xf32>
      %swap3A_104 = vector.shape_cast %gather3A_24 : vector<16xf32> to vector<16xf32>
      tpu.vector_store %arg7[%swap3A_101], %swap3A_104 {strides = array<i32>} : memref<2304xf32, #tpu.memory_space<vmem>>, vector<16xf32>,
      %swap3A_105 = arith.constant 288 : index
      %swap3A_106 = tpu.vector_load %arg7[%swap3A_105] {strides = array<i32>} : memref<2304xf32, #tpu.memory_space<vmem>>, vector<16xf32>,
      %swap3A_107 = vector.shape_cast %swap3A_106 : vector<16xf32> to vector<16xf32>
      %swap3A_108 = vector.shape_cast %gather3A_24 : vector<16xf32> to vector<16xf32>
      tpu.vector_store %arg7[%swap3A_105], %swap3A_108 {strides = array<i32>} : memref<2304xf32, #tpu.memory_space<vmem>>, vector<16xf32>,
      %swap3A_109 = arith.constant 304 : index
      %swap3A_110 = tpu.vector_load %arg7[%swap3A_109] {strides = array<i32>} : memref<2304xf32, #tpu.memory_space<vmem>>, vector<16xf32>,
      %swap3A_111 = vector.shape_cast %swap3A_110 : vector<16xf32> to vector<16xf32>
      %swap3A_112 = vector.shape_cast %gather3A_24 : vector<16xf32> to vector<16xf32>
      tpu.vector_store %arg7[%swap3A_109], %swap3A_112 {strides = array<i32>} : memref<2304xf32, #tpu.memory_space<vmem>>, vector<16xf32>,
      %swap3A_113 = arith.constant 320 : index
      %swap3A_114 = tpu.vector_load %arg7[%swap3A_113] {strides = array<i32>} : memref<2304xf32, #tpu.memory_space<vmem>>, vector<16xf32>,
      %swap3A_115 = vector.shape_cast %swap3A_114 : vector<16xf32> to vector<16xf32>
      %swap3A_116 = vector.shape_cast %gather3A_24 : vector<16xf32> to vector<16xf32>
      tpu.vector_store %arg7[%swap3A_113], %swap3A_116 {strides = array<i32>} : memref<2304xf32, #tpu.memory_space<vmem>>, vector<16xf32>,
      %swap3A_117 = arith.constant 336 : index
      %swap3A_118 = tpu.vector_load %arg7[%swap3A_117] {strides = array<i32>} : memref<2304xf32, #tpu.memory_space<vmem>>, vector<16xf32>,
      %swap3A_119 = vector.shape_cast %swap3A_118 : vector<16xf32> to vector<16xf32>
      %swap3A_120 = vector.shape_cast %gather3A_24 : vector<16xf32> to vector<16xf32>
      tpu.vector_store %arg7[%swap3A_117], %swap3A_120 {strides = array<i32>} : memref<2304xf32, #tpu.memory_space<vmem>>, vector<16xf32>,
      %swap3A_121 = arith.constant 352 : index
      %swap3A_122 = tpu.vector_load %arg7[%swap3A_121] {strides = array<i32>} : memref<2304xf32, #tpu.memory_space<vmem>>, vector<16xf32>,
      %swap3A_123 = vector.shape_cast %swap3A_122 : vector<16xf32> to vector<16xf32>
      %swap3A_124 = vector.shape_cast %gather3A_24 : vector<16xf32> to vector<16xf32>
      tpu.vector_store %arg7[%swap3A_121], %swap3A_124 {strides = array<i32>} : memref<2304xf32, #tpu.memory_space<vmem>>, vector<16xf32>,
      %swap3A_125 = arith.constant 368 : index
      %swap3A_126 = tpu.vector_load %arg7[%swap3A_125] {strides = array<i32>} : memref<2304xf32, #tpu.memory_space<vmem>>, vector<16xf32>,
      %swap3A_127 = vector.shape_cast %swap3A_126 : vector<16xf32> to vector<16xf32>
      %swap3A_128 = vector.shape_cast %gather3A_24 : vector<16xf32> to vector<16xf32>
      tpu.vector_store %arg7[%swap3A_125], %swap3A_128 {strides = array<i32>} : memref<2304xf32, #tpu.memory_space<vmem>>, vector<16xf32>,
      %swap3A_129 = arith.constant 384 : index
      %swap3A_130 = tpu.vector_load %arg7[%swap3A_129] {strides = array<i32>} : memref<2304xf32, #tpu.memory_space<vmem>>, vector<16xf32>,
      %swap3A_131 = vector.shape_cast %swap3A_130 : vector<16xf32> to vector<16xf32>
      %swap3A_132 = vector.shape_cast %gather3A_24 : vector<16xf32> to vector<16xf32>
      tpu.vector_store %arg7[%swap3A_129], %swap3A_132 {strides = array<i32>} : memref<2304xf32, #tpu.memory_space<vmem>>, vector<16xf32>,
      %swap3A_133 = arith.constant 400 : index
      %swap3A_134 = tpu.vector_load %arg7[%swap3A_133] {strides = array<i32>} : memref<2304xf32, #tpu.memory_space<vmem>>, vector<16xf32>,
      %swap3A_135 = vector.shape_cast %swap3A_134 : vector<16xf32> to vector<16xf32>
      %swap3A_136 = vector.shape_cast %gather3A_24 : vector<16xf32> to vector<16xf32>
      tpu.vector_store %arg7[%swap3A_133], %swap3A_136 {strides = array<i32>} : memref<2304xf32, #tpu.memory_space<vmem>>, vector<16xf32>,
      %swap3A_137 = arith.constant 416 : index
      %swap3A_138 = tpu.vector_load %arg7[%swap3A_137] {strides = array<i32>} : memref<2304xf32, #tpu.memory_space<vmem>>, vector<16xf32>,
      %swap3A_139 = vector.shape_cast %swap3A_138 : vector<16xf32> to vector<16xf32>
      %swap3A_140 = vector.shape_cast %gather3A_24 : vector<16xf32> to vector<16xf32>
      tpu.vector_store %arg7[%swap3A_137], %swap3A_140 {strides = array<i32>} : memref<2304xf32, #tpu.memory_space<vmem>>, vector<16xf32>,
      %swap3A_141 = arith.constant 432 : index
      %swap3A_142 = tpu.vector_load %arg7[%swap3A_141] {strides = array<i32>} : memref<2304xf32, #tpu.memory_space<vmem>>, vector<16xf32>,
      %swap3A_143 = vector.shape_cast %swap3A_142 : vector<16xf32> to vector<16xf32>
      %swap3A_144 = vector.shape_cast %gather3A_24 : vector<16xf32> to vector<16xf32>
      tpu.vector_store %arg7[%swap3A_141], %swap3A_144 {strides = array<i32>} : memref<2304xf32, #tpu.memory_space<vmem>>, vector<16xf32>,
      %swap3A_145 = arith.constant 448 : index
      %swap3A_146 = tpu.vector_load %arg7[%swap3A_145] {strides = array<i32>} : memref<2304xf32, #tpu.memory_space<vmem>>, vector<16xf32>,
      %swap3A_147 = vector.shape_cast %swap3A_146 : vector<16xf32> to vector<16xf32>
      %swap3A_148 = vector.shape_cast %gather3A_24 : vector<16xf32> to vector<16xf32>
      tpu.vector_store %arg7[%swap3A_145], %swap3A_148 {strides = array<i32>} : memref<2304xf32, #tpu.memory_space<vmem>>, vector<16xf32>,
      %swap3A_149 = arith.constant 464 : index
      %swap3A_150 = tpu.vector_load %arg7[%swap3A_149] {strides = array<i32>} : memref<2304xf32, #tpu.memory_space<vmem>>, vector<16xf32>,
      %swap3A_151 = vector.shape_cast %swap3A_150 : vector<16xf32> to vector<16xf32>
      %swap3A_152 = vector.shape_cast %gather3A_24 : vector<16xf32> to vector<16xf32>
      tpu.vector_store %arg7[%swap3A_149], %swap3A_152 {strides = array<i32>} : memref<2304xf32, #tpu.memory_space<vmem>>, vector<16xf32>,
      %swap3A_153 = arith.constant 480 : index
      %swap3A_154 = tpu.vector_load %arg7[%swap3A_153] {strides = array<i32>} : memref<2304xf32, #tpu.memory_space<vmem>>, vector<16xf32>,
      %swap3A_155 = vector.shape_cast %swap3A_154 : vector<16xf32> to vector<16xf32>
      %swap3A_156 = vector.shape_cast %gather3A_24 : vector<16xf32> to vector<16xf32>
      tpu.vector_store %arg7[%swap3A_153], %swap3A_156 {strides = array<i32>} : memref<2304xf32, #tpu.memory_space<vmem>>, vector<16xf32>,
      %swap3A_157 = arith.constant 496 : index
      %swap3A_158 = tpu.vector_load %arg7[%swap3A_157] {strides = array<i32>} : memref<2304xf32, #tpu.memory_space<vmem>>, vector<16xf32>,
      %swap3A_159 = vector.shape_cast %swap3A_158 : vector<16xf32> to vector<16xf32>
      %swap3A_160 = vector.shape_cast %gather3A_24 : vector<16xf32> to vector<16xf32>
      tpu.vector_store %arg7[%swap3A_157], %swap3A_160 {strides = array<i32>} : memref<2304xf32, #tpu.memory_space<vmem>>, vector<16xf32>,
      %swap3A_161 = arith.constant 512 : index
      %swap3A_162 = tpu.vector_load %arg7[%swap3A_161] {strides = array<i32>} : memref<2304xf32, #tpu.memory_space<vmem>>, vector<16xf32>,
      %swap3A_163 = vector.shape_cast %swap3A_162 : vector<16xf32> to vector<16xf32>
      %swap3A_164 = vector.shape_cast %gather3A_24 : vector<16xf32> to vector<16xf32>
      tpu.vector_store %arg7[%swap3A_161], %swap3A_164 {strides = array<i32>} : memref<2304xf32, #tpu.memory_space<vmem>>, vector<16xf32>,
      %swap3A_165 = arith.constant 528 : index
      %swap3A_166 = tpu.vector_load %arg7[%swap3A_165] {strides = array<i32>} : memref<2304xf32, #tpu.memory_space<vmem>>, vector<16xf32>,
      %swap3A_167 = vector.shape_cast %swap3A_166 : vector<16xf32> to vector<16xf32>
      %swap3A_168 = vector.shape_cast %gather3A_24 : vector<16xf32> to vector<16xf32>
      tpu.vector_store %arg7[%swap3A_165], %swap3A_168 {strides = array<i32>} : memref<2304xf32, #tpu.memory_space<vmem>>, vector<16xf32>,
      %swap3A_169 = arith.constant 544 : index
      %swap3A_170 = tpu.vector_load %arg7[%swap3A_169] {strides = array<i32>} : memref<2304xf32, #tpu.memory_space<vmem>>, vector<16xf32>,
      %swap3A_171 = vector.shape_cast %swap3A_170 : vector<16xf32> to vector<16xf32>
      %swap3A_172 = vector.shape_cast %gather3A_24 : vector<16xf32> to vector<16xf32>
      tpu.vector_store %arg7[%swap3A_169], %swap3A_172 {strides = array<i32>} : memref<2304xf32, #tpu.memory_space<vmem>>, vector<16xf32>,
      %swap3A_173 = arith.constant 560 : index
      %swap3A_174 = tpu.vector_load %arg7[%swap3A_173] {strides = array<i32>} : memref<2304xf32, #tpu.memory_space<vmem>>, vector<16xf32>,
      %swap3A_175 = vector.shape_cast %swap3A_174 : vector<16xf32> to vector<16xf32>
      %swap3A_176 = vector.shape_cast %gather3A_24 : vector<16xf32> to vector<16xf32>
      tpu.vector_store %arg7[%swap3A_173], %swap3A_176 {strides = array<i32>} : memref<2304xf32, #tpu.memory_space<vmem>>, vector<16xf32>,
      %swap3A_177 = arith.constant 576 : index
      %swap3A_178 = tpu.vector_load %arg7[%swap3A_177] {strides = array<i32>} : memref<2304xf32, #tpu.memory_space<vmem>>, vector<16xf32>,
      %swap3A_179 = vector.shape_cast %swap3A_178 : vector<16xf32> to vector<16xf32>
      %swap3A_180 = vector.shape_cast %gather3A_24 : vector<16xf32> to vector<16xf32>
      tpu.vector_store %arg7[%swap3A_177], %swap3A_180 {strides = array<i32>} : memref<2304xf32, #tpu.memory_space<vmem>>, vector<16xf32>,
      %swap3A_181 = arith.constant 592 : index
      %swap3A_182 = tpu.vector_load %arg7[%swap3A_181] {strides = array<i32>} : memref<2304xf32, #tpu.memory_space<vmem>>, vector<16xf32>,
      %swap3A_183 = vector.shape_cast %swap3A_182 : vector<16xf32> to vector<16xf32>
      %swap3A_184 = vector.shape_cast %gather3A_24 : vector<16xf32> to vector<16xf32>
      tpu.vector_store %arg7[%swap3A_181], %swap3A_184 {strides = array<i32>} : memref<2304xf32, #tpu.memory_space<vmem>>, vector<16xf32>,
      %swap3A_185 = arith.constant 608 : index
      %swap3A_186 = tpu.vector_load %arg7[%swap3A_185] {strides = array<i32>} : memref<2304xf32, #tpu.memory_space<vmem>>, vector<16xf32>,
      %swap3A_187 = vector.shape_cast %swap3A_186 : vector<16xf32> to vector<16xf32>
      %swap3A_188 = vector.shape_cast %gather3A_24 : vector<16xf32> to vector<16xf32>
      tpu.vector_store %arg7[%swap3A_185], %swap3A_188 {strides = array<i32>} : memref<2304xf32, #tpu.memory_space<vmem>>, vector<16xf32>,
      %swap3A_189 = arith.constant 624 : index
      %swap3A_190 = tpu.vector_load %arg7[%swap3A_189] {strides = array<i32>} : memref<2304xf32, #tpu.memory_space<vmem>>, vector<16xf32>,
      %swap3A_191 = vector.shape_cast %swap3A_190 : vector<16xf32> to vector<16xf32>
      %swap3A_192 = vector.shape_cast %gather3A_24 : vector<16xf32> to vector<16xf32>
      tpu.vector_store %arg7[%swap3A_189], %swap3A_192 {strides = array<i32>} : memref<2304xf32, #tpu.memory_space<vmem>>, vector<16xf32>,
      %swap3A_193 = arith.constant 640 : index
      %swap3A_194 = tpu.vector_load %arg7[%swap3A_193] {strides = array<i32>} : memref<2304xf32, #tpu.memory_space<vmem>>, vector<16xf32>,
      %swap3A_195 = vector.shape_cast %swap3A_194 : vector<16xf32> to vector<16xf32>
      %swap3A_196 = vector.shape_cast %gather3A_24 : vector<16xf32> to vector<16xf32>
      tpu.vector_store %arg7[%swap3A_193], %swap3A_196 {strides = array<i32>} : memref<2304xf32, #tpu.memory_space<vmem>>, vector<16xf32>,
      %swap3A_197 = arith.constant 656 : index
      %swap3A_198 = tpu.vector_load %arg7[%swap3A_197] {strides = array<i32>} : memref<2304xf32, #tpu.memory_space<vmem>>, vector<16xf32>,
      %swap3A_199 = vector.shape_cast %swap3A_198 : vector<16xf32> to vector<16xf32>
      %swap3A_200 = vector.shape_cast %gather3A_24 : vector<16xf32> to vector<16xf32>
      tpu.vector_store %arg7[%swap3A_197], %swap3A_200 {strides = array<i32>} : memref<2304xf32, #tpu.memory_space<vmem>>, vector<16xf32>,
      %swap3A_201 = arith.constant 672 : index
      %swap3A_202 = tpu.vector_load %arg7[%swap3A_201] {strides = array<i32>} : memref<2304xf32, #tpu.memory_space<vmem>>, vector<16xf32>,
      %swap3A_203 = vector.shape_cast %swap3A_202 : vector<16xf32> to vector<16xf32>
      %swap3A_204 = vector.shape_cast %gather3A_24 : vector<16xf32> to vector<16xf32>
      tpu.vector_store %arg7[%swap3A_201], %swap3A_204 {strides = array<i32>} : memref<2304xf32, #tpu.memory_space<vmem>>, vector<16xf32>,
      %swap3A_205 = arith.constant 688 : index
      %swap3A_206 = tpu.vector_load %arg7[%swap3A_205] {strides = array<i32>} : memref<2304xf32, #tpu.memory_space<vmem>>, vector<16xf32>,
      %swap3A_207 = vector.shape_cast %swap3A_206 : vector<16xf32> to vector<16xf32>
      %swap3A_208 = vector.shape_cast %gather3A_24 : vector<16xf32> to vector<16xf32>
      tpu.vector_store %arg7[%swap3A_205], %swap3A_208 {strides = array<i32>} : memref<2304xf32, #tpu.memory_space<vmem>>, vector<16xf32>,
      %swap3A_209 = arith.constant 704 : index
      %swap3A_210 = tpu.vector_load %arg7[%swap3A_209] {strides = array<i32>} : memref<2304xf32, #tpu.memory_space<vmem>>, vector<16xf32>,
      %swap3A_211 = vector.shape_cast %swap3A_210 : vector<16xf32> to vector<16xf32>
      %swap3A_212 = vector.shape_cast %gather3A_24 : vector<16xf32> to vector<16xf32>
      tpu.vector_store %arg7[%swap3A_209], %swap3A_212 {strides = array<i32>} : memref<2304xf32, #tpu.memory_space<vmem>>, vector<16xf32>,
      %swap3A_213 = arith.constant 720 : index
      %swap3A_214 = tpu.vector_load %arg7[%swap3A_213] {strides = array<i32>} : memref<2304xf32, #tpu.memory_space<vmem>>, vector<16xf32>,
      %swap3A_215 = vector.shape_cast %swap3A_214 : vector<16xf32> to vector<16xf32>
      %swap3A_216 = vector.shape_cast %gather3A_24 : vector<16xf32> to vector<16xf32>
      tpu.vector_store %arg7[%swap3A_213], %swap3A_216 {strides = array<i32>} : memref<2304xf32, #tpu.memory_space<vmem>>, vector<16xf32>,
      %swap3A_217 = arith.constant 736 : index
      %swap3A_218 = tpu.vector_load %arg7[%swap3A_217] {strides = array<i32>} : memref<2304xf32, #tpu.memory_space<vmem>>, vector<16xf32>,
      %swap3A_219 = vector.shape_cast %swap3A_218 : vector<16xf32> to vector<16xf32>
      %swap3A_220 = vector.shape_cast %gather3A_24 : vector<16xf32> to vector<16xf32>
      tpu.vector_store %arg7[%swap3A_217], %swap3A_220 {strides = array<i32>} : memref<2304xf32, #tpu.memory_space<vmem>>, vector<16xf32>,
      %swap3A_221 = arith.constant 752 : index
      %swap3A_222 = tpu.vector_load %arg7[%swap3A_221] {strides = array<i32>} : memref<2304xf32, #tpu.memory_space<vmem>>, vector<16xf32>,
      %swap3A_223 = vector.shape_cast %swap3A_222 : vector<16xf32> to vector<16xf32>
      %swap3A_224 = vector.shape_cast %gather3A_24 : vector<16xf32> to vector<16xf32>
      tpu.vector_store %arg7[%swap3A_221], %swap3A_224 {strides = array<i32>} : memref<2304xf32, #tpu.memory_space<vmem>>, vector<16xf32>,
      %swap3A_225 = arith.constant 768 : index
      %swap3A_226 = tpu.vector_load %arg7[%swap3A_225] {strides = array<i32>} : memref<2304xf32, #tpu.memory_space<vmem>>, vector<16xf32>,
      %swap3A_227 = vector.shape_cast %swap3A_226 : vector<16xf32> to vector<16xf32>
      %swap3A_228 = vector.shape_cast %gather3A_24 : vector<16xf32> to vector<16xf32>
      tpu.vector_store %arg7[%swap3A_225], %swap3A_228 {strides = array<i32>} : memref<2304xf32, #tpu.memory_space<vmem>>, vector<16xf32>,
      %swap3A_229 = arith.constant 784 : index
      %swap3A_230 = tpu.vector_load %arg7[%swap3A_229] {strides = array<i32>} : memref<2304xf32, #tpu.memory_space<vmem>>, vector<16xf32>,
      %swap3A_231 = vector.shape_cast %swap3A_230 : vector<16xf32> to vector<16xf32>
      %swap3A_232 = vector.shape_cast %gather3A_24 : vector<16xf32> to vector<16xf32>
      tpu.vector_store %arg7[%swap3A_229], %swap3A_232 {strides = array<i32>} : memref<2304xf32, #tpu.memory_space<vmem>>, vector<16xf32>,
      %swap3A_233 = arith.constant 800 : index
      %swap3A_234 = tpu.vector_load %arg7[%swap3A_233] {strides = array<i32>} : memref<2304xf32, #tpu.memory_space<vmem>>, vector<16xf32>,
      %swap3A_235 = vector.shape_cast %swap3A_234 : vector<16xf32> to vector<16xf32>
      %swap3A_236 = vector.shape_cast %gather3A_24 : vector<16xf32> to vector<16xf32>
      tpu.vector_store %arg7[%swap3A_233], %swap3A_236 {strides = array<i32>} : memref<2304xf32, #tpu.memory_space<vmem>>, vector<16xf32>,
      %swap3A_237 = arith.constant 816 : index
      %swap3A_238 = tpu.vector_load %arg7[%swap3A_237] {strides = array<i32>} : memref<2304xf32, #tpu.memory_space<vmem>>, vector<16xf32>,
      %swap3A_239 = vector.shape_cast %swap3A_238 : vector<16xf32> to vector<16xf32>
      %swap3A_240 = vector.shape_cast %gather3A_24 : vector<16xf32> to vector<16xf32>
      tpu.vector_store %arg7[%swap3A_237], %swap3A_240 {strides = array<i32>} : memref<2304xf32, #tpu.memory_space<vmem>>, vector<16xf32>,
      %swap3A_241 = arith.constant 832 : index
      %swap3A_242 = tpu.vector_load %arg7[%swap3A_241] {strides = array<i32>} : memref<2304xf32, #tpu.memory_space<vmem>>, vector<16xf32>,
      %swap3A_243 = vector.shape_cast %swap3A_242 : vector<16xf32> to vector<16xf32>
      %swap3A_244 = vector.shape_cast %gather3A_24 : vector<16xf32> to vector<16xf32>
      tpu.vector_store %arg7[%swap3A_241], %swap3A_244 {strides = array<i32>} : memref<2304xf32, #tpu.memory_space<vmem>>, vector<16xf32>,
      %swap3A_245 = arith.constant 848 : index
      %swap3A_246 = tpu.vector_load %arg7[%swap3A_245] {strides = array<i32>} : memref<2304xf32, #tpu.memory_space<vmem>>, vector<16xf32>,
      %swap3A_247 = vector.shape_cast %swap3A_246 : vector<16xf32> to vector<16xf32>
      %swap3A_248 = vector.shape_cast %gather3A_24 : vector<16xf32> to vector<16xf32>
      tpu.vector_store %arg7[%swap3A_245], %swap3A_248 {strides = array<i32>} : memref<2304xf32, #tpu.memory_space<vmem>>, vector<16xf32>,
      %swap3A_249 = arith.constant 864 : index
      %swap3A_250 = tpu.vector_load %arg7[%swap3A_249] {strides = array<i32>} : memref<2304xf32, #tpu.memory_space<vmem>>, vector<16xf32>,
      %swap3A_251 = vector.shape_cast %swap3A_250 : vector<16xf32> to vector<16xf32>
      %swap3A_252 = vector.shape_cast %gather3A_24 : vector<16xf32> to vector<16xf32>
      tpu.vector_store %arg7[%swap3A_249], %swap3A_252 {strides = array<i32>} : memref<2304xf32, #tpu.memory_space<vmem>>, vector<16xf32>,
      %swap3A_253 = arith.constant 880 : index
      %swap3A_254 = tpu.vector_load %arg7[%swap3A_253] {strides = array<i32>} : memref<2304xf32, #tpu.memory_space<vmem>>, vector<16xf32>,
      %swap3A_255 = vector.shape_cast %swap3A_254 : vector<16xf32> to vector<16xf32>
      %swap3A_256 = vector.shape_cast %gather3A_24 : vector<16xf32> to vector<16xf32>
      tpu.vector_store %arg7[%swap3A_253], %swap3A_256 {strides = array<i32>} : memref<2304xf32, #tpu.memory_space<vmem>>, vector<16xf32>,
      %swap3A_257 = arith.constant 896 : index
      %swap3A_258 = tpu.vector_load %arg7[%swap3A_257] {strides = array<i32>} : memref<2304xf32, #tpu.memory_space<vmem>>, vector<16xf32>,
      %swap3A_259 = vector.shape_cast %swap3A_258 : vector<16xf32> to vector<16xf32>
      %swap3A_260 = vector.shape_cast %gather3A_24 : vector<16xf32> to vector<16xf32>
      tpu.vector_store %arg7[%swap3A_257], %swap3A_260 {strides = array<i32>} : memref<2304xf32, #tpu.memory_space<vmem>>, vector<16xf32>,
      %swap3A_261 = arith.constant 912 : index
      %swap3A_262 = tpu.vector_load %arg7[%swap3A_261] {strides = array<i32>} : memref<2304xf32, #tpu.memory_space<vmem>>, vector<16xf32>,
      %swap3A_263 = vector.shape_cast %swap3A_262 : vector<16xf32> to vector<16xf32>
      %swap3A_264 = vector.shape_cast %gather3A_24 : vector<16xf32> to vector<16xf32>
      tpu.vector_store %arg7[%swap3A_261], %swap3A_264 {strides = array<i32>} : memref<2304xf32, #tpu.memory_space<vmem>>, vector<16xf32>,
      %swap3A_265 = arith.constant 928 : index
      %swap3A_266 = tpu.vector_load %arg7[%swap3A_265] {strides = array<i32>} : memref<2304xf32, #tpu.memory_space<vmem>>, vector<16xf32>,
      %swap3A_267 = vector.shape_cast %swap3A_266 : vector<16xf32> to vector<16xf32>
      %swap3A_268 = vector.shape_cast %gather3A_24 : vector<16xf32> to vector<16xf32>
      tpu.vector_store %arg7[%swap3A_265], %swap3A_268 {strides = array<i32>} : memref<2304xf32, #tpu.memory_space<vmem>>, vector<16xf32>,
      %swap3A_269 = arith.constant 944 : index
      %swap3A_270 = tpu.vector_load %arg7[%swap3A_269] {strides = array<i32>} : memref<2304xf32, #tpu.memory_space<vmem>>, vector<16xf32>,
      %swap3A_271 = vector.shape_cast %swap3A_270 : vector<16xf32> to vector<16xf32>
      %swap3A_272 = vector.shape_cast %gather3A_24 : vector<16xf32> to vector<16xf32>
      tpu.vector_store %arg7[%swap3A_269], %swap3A_272 {strides = array<i32>} : memref<2304xf32, #tpu.memory_space<vmem>>, vector<16xf32>,
      %swap3A_273 = arith.constant 960 : index
      %swap3A_274 = tpu.vector_load %arg7[%swap3A_273] {strides = array<i32>} : memref<2304xf32, #tpu.memory_space<vmem>>, vector<16xf32>,
      %swap3A_275 = vector.shape_cast %swap3A_274 : vector<16xf32> to vector<16xf32>
      %swap3A_276 = vector.shape_cast %gather3A_24 : vector<16xf32> to vector<16xf32>
      tpu.vector_store %arg7[%swap3A_273], %swap3A_276 {strides = array<i32>} : memref<2304xf32, #tpu.memory_space<vmem>>, vector<16xf32>,
      %swap3A_277 = arith.constant 976 : index
      %swap3A_278 = tpu.vector_load %arg7[%swap3A_277] {strides = array<i32>} : memref<2304xf32, #tpu.memory_space<vmem>>, vector<16xf32>,
      %swap3A_279 = vector.shape_cast %swap3A_278 : vector<16xf32> to vector<16xf32>
      %swap3A_280 = vector.shape_cast %gather3A_24 : vector<16xf32> to vector<16xf32>
      tpu.vector_store %arg7[%swap3A_277], %swap3A_280 {strides = array<i32>} : memref<2304xf32, #tpu.memory_space<vmem>>, vector<16xf32>,
      %swap3A_281 = arith.constant 992 : index
      %swap3A_282 = tpu.vector_load %arg7[%swap3A_281] {strides = array<i32>} : memref<2304xf32, #tpu.memory_space<vmem>>, vector<16xf32>,
      %swap3A_283 = vector.shape_cast %swap3A_282 : vector<16xf32> to vector<16xf32>
      %swap3A_284 = vector.shape_cast %gather3A_24 : vector<16xf32> to vector<16xf32>
      tpu.vector_store %arg7[%swap3A_281], %swap3A_284 {strides = array<i32>} : memref<2304xf32, #tpu.memory_space<vmem>>, vector<16xf32>,
      %swap3A_285 = arith.constant 1008 : index
      %swap3A_286 = tpu.vector_load %arg7[%swap3A_285] {strides = array<i32>} : memref<2304xf32, #tpu.memory_space<vmem>>, vector<16xf32>,
      %swap3A_287 = vector.shape_cast %swap3A_286 : vector<16xf32> to vector<16xf32>
      %swap3A_288 = vector.shape_cast %gather3A_24 : vector<16xf32> to vector<16xf32>
      tpu.vector_store %arg7[%swap3A_285], %swap3A_288 {strides = array<i32>} : memref<2304xf32, #tpu.memory_space<vmem>>, vector<16xf32>,
      %swap3A_289 = arith.constant 1024 : index
      %swap3A_290 = tpu.vector_load %arg7[%swap3A_289] {strides = array<i32>} : memref<2304xf32, #tpu.memory_space<vmem>>, vector<16xf32>,
      %swap3A_291 = vector.shape_cast %swap3A_290 : vector<16xf32> to vector<16xf32>
      %swap3A_292 = vector.shape_cast %gather3A_24 : vector<16xf32> to vector<16xf32>
      tpu.vector_store %arg7[%swap3A_289], %swap3A_292 {strides = array<i32>} : memref<2304xf32, #tpu.memory_space<vmem>>, vector<16xf32>,
      %swap3A_293 = arith.constant 1040 : index
      %swap3A_294 = tpu.vector_load %arg7[%swap3A_293] {strides = array<i32>} : memref<2304xf32, #tpu.memory_space<vmem>>, vector<16xf32>,
      %swap3A_295 = vector.shape_cast %swap3A_294 : vector<16xf32> to vector<16xf32>
      %swap3A_296 = vector.shape_cast %gather3A_24 : vector<16xf32> to vector<16xf32>
      tpu.vector_store %arg7[%swap3A_293], %swap3A_296 {strides = array<i32>} : memref<2304xf32, #tpu.memory_space<vmem>>, vector<16xf32>,
      %swap3A_297 = arith.constant 1056 : index
      %swap3A_298 = tpu.vector_load %arg7[%swap3A_297] {strides = array<i32>} : memref<2304xf32, #tpu.memory_space<vmem>>, vector<16xf32>,
      %swap3A_299 = vector.shape_cast %swap3A_298 : vector<16xf32> to vector<16xf32>
      %swap3A_300 = vector.shape_cast %gather3A_24 : vector<16xf32> to vector<16xf32>
      tpu.vector_store %arg7[%swap3A_297], %swap3A_300 {strides = array<i32>} : memref<2304xf32, #tpu.memory_space<vmem>>, vector<16xf32>,
      %swap3A_301 = arith.constant 1072 : index
      %swap3A_302 = tpu.vector_load %arg7[%swap3A_301] {strides = array<i32>} : memref<2304xf32, #tpu.memory_space<vmem>>, vector<16xf32>,
      %swap3A_303 = vector.shape_cast %swap3A_302 : vector<16xf32> to vector<16xf32>
      %swap3A_304 = vector.shape_cast %gather3A_24 : vector<16xf32> to vector<16xf32>
      tpu.vector_store %arg7[%swap3A_301], %swap3A_304 {strides = array<i32>} : memref<2304xf32, #tpu.memory_space<vmem>>, vector<16xf32>,
      %swap3A_305 = arith.constant 1088 : index
      %swap3A_306 = tpu.vector_load %arg7[%swap3A_305] {strides = array<i32>} : memref<2304xf32, #tpu.memory_space<vmem>>, vector<16xf32>,
      %swap3A_307 = vector.shape_cast %swap3A_306 : vector<16xf32> to vector<16xf32>
      %swap3A_308 = vector.shape_cast %gather3A_24 : vector<16xf32> to vector<16xf32>
      tpu.vector_store %arg7[%swap3A_305], %swap3A_308 {strides = array<i32>} : memref<2304xf32, #tpu.memory_space<vmem>>, vector<16xf32>,
      %swap3A_309 = arith.constant 1104 : index
      %swap3A_310 = tpu.vector_load %arg7[%swap3A_309] {strides = array<i32>} : memref<2304xf32, #tpu.memory_space<vmem>>, vector<16xf32>,
      %swap3A_311 = vector.shape_cast %swap3A_310 : vector<16xf32> to vector<16xf32>
      %swap3A_312 = vector.shape_cast %gather3A_24 : vector<16xf32> to vector<16xf32>
      tpu.vector_store %arg7[%swap3A_309], %swap3A_312 {strides = array<i32>} : memref<2304xf32, #tpu.memory_space<vmem>>, vector<16xf32>,
      %swap3A_313 = arith.constant 1120 : index
      %swap3A_314 = tpu.vector_load %arg7[%swap3A_313] {strides = array<i32>} : memref<2304xf32, #tpu.memory_space<vmem>>, vector<16xf32>,
      %swap3A_315 = vector.shape_cast %swap3A_314 : vector<16xf32> to vector<16xf32>
      %swap3A_316 = vector.shape_cast %gather3A_24 : vector<16xf32> to vector<16xf32>
      tpu.vector_store %arg7[%swap3A_313], %swap3A_316 {strides = array<i32>} : memref<2304xf32, #tpu.memory_space<vmem>>, vector<16xf32>,
      %swap3A_317 = arith.constant 1136 : index
      %swap3A_318 = tpu.vector_load %arg7[%swap3A_317] {strides = array<i32>} : memref<2304xf32, #tpu.memory_space<vmem>>, vector<16xf32>,
      %swap3A_319 = vector.shape_cast %swap3A_318 : vector<16xf32> to vector<16xf32>
      %swap3A_320 = vector.shape_cast %gather3A_24 : vector<16xf32> to vector<16xf32>
      tpu.vector_store %arg7[%swap3A_317], %swap3A_320 {strides = array<i32>} : memref<2304xf32, #tpu.memory_space<vmem>>, vector<16xf32>,
      %swap3A_321 = arith.constant 1152 : index
      %swap3A_322 = tpu.vector_load %arg7[%swap3A_321] {strides = array<i32>} : memref<2304xf32, #tpu.memory_space<vmem>>, vector<16xf32>,
      %swap3A_323 = vector.shape_cast %swap3A_322 : vector<16xf32> to vector<16xf32>
      %swap3A_324 = vector.shape_cast %gather3A_24 : vector<16xf32> to vector<16xf32>
      tpu.vector_store %arg7[%swap3A_321], %swap3A_324 {strides = array<i32>} : memref<2304xf32, #tpu.memory_space<vmem>>, vector<16xf32>,
      %swap3A_325 = arith.constant 1168 : index
      %swap3A_326 = tpu.vector_load %arg7[%swap3A_325] {strides = array<i32>} : memref<2304xf32, #tpu.memory_space<vmem>>, vector<16xf32>,
      %swap3A_327 = vector.shape_cast %swap3A_326 : vector<16xf32> to vector<16xf32>
      %swap3A_328 = vector.shape_cast %gather3A_24 : vector<16xf32> to vector<16xf32>
      tpu.vector_store %arg7[%swap3A_325], %swap3A_328 {strides = array<i32>} : memref<2304xf32, #tpu.memory_space<vmem>>, vector<16xf32>,
      %swap3A_329 = arith.constant 1184 : index
      %swap3A_330 = tpu.vector_load %arg7[%swap3A_329] {strides = array<i32>} : memref<2304xf32, #tpu.memory_space<vmem>>, vector<16xf32>,
      %swap3A_331 = vector.shape_cast %swap3A_330 : vector<16xf32> to vector<16xf32>
      %swap3A_332 = vector.shape_cast %gather3A_24 : vector<16xf32> to vector<16xf32>
      tpu.vector_store %arg7[%swap3A_329], %swap3A_332 {strides = array<i32>} : memref<2304xf32, #tpu.memory_space<vmem>>, vector<16xf32>,
      %swap3A_333 = arith.constant 1200 : index
      %swap3A_334 = tpu.vector_load %arg7[%swap3A_333] {strides = array<i32>} : memref<2304xf32, #tpu.memory_space<vmem>>, vector<16xf32>,
      %swap3A_335 = vector.shape_cast %swap3A_334 : vector<16xf32> to vector<16xf32>
      %swap3A_336 = vector.shape_cast %gather3A_24 : vector<16xf32> to vector<16xf32>
      tpu.vector_store %arg7[%swap3A_333], %swap3A_336 {strides = array<i32>} : memref<2304xf32, #tpu.memory_space<vmem>>, vector<16xf32>,
      %swap3A_337 = arith.constant 1216 : index
      %swap3A_338 = tpu.vector_load %arg7[%swap3A_337] {strides = array<i32>} : memref<2304xf32, #tpu.memory_space<vmem>>, vector<16xf32>,
      %swap3A_339 = vector.shape_cast %swap3A_338 : vector<16xf32> to vector<16xf32>
      %swap3A_340 = vector.shape_cast %gather3A_24 : vector<16xf32> to vector<16xf32>
      tpu.vector_store %arg7[%swap3A_337], %swap3A_340 {strides = array<i32>} : memref<2304xf32, #tpu.memory_space<vmem>>, vector<16xf32>,
      %swap3A_341 = arith.constant 1232 : index
      %swap3A_342 = tpu.vector_load %arg7[%swap3A_341] {strides = array<i32>} : memref<2304xf32, #tpu.memory_space<vmem>>, vector<16xf32>,
      %swap3A_343 = vector.shape_cast %swap3A_342 : vector<16xf32> to vector<16xf32>
      %swap3A_344 = vector.shape_cast %gather3A_24 : vector<16xf32> to vector<16xf32>
      tpu.vector_store %arg7[%swap3A_341], %swap3A_344 {strides = array<i32>} : memref<2304xf32, #tpu.memory_space<vmem>>, vector<16xf32>,
      %swap3A_345 = arith.constant 1248 : index
      %swap3A_346 = tpu.vector_load %arg7[%swap3A_345] {strides = array<i32>} : memref<2304xf32, #tpu.memory_space<vmem>>, vector<16xf32>,
      %swap3A_347 = vector.shape_cast %swap3A_346 : vector<16xf32> to vector<16xf32>
      %swap3A_348 = vector.shape_cast %gather3A_24 : vector<16xf32> to vector<16xf32>
      tpu.vector_store %arg7[%swap3A_345], %swap3A_348 {strides = array<i32>} : memref<2304xf32, #tpu.memory_space<vmem>>, vector<16xf32>,
      %swap3A_349 = arith.constant 1264 : index
      %swap3A_350 = tpu.vector_load %arg7[%swap3A_349] {strides = array<i32>} : memref<2304xf32, #tpu.memory_space<vmem>>, vector<16xf32>,
      %swap3A_351 = vector.shape_cast %swap3A_350 : vector<16xf32> to vector<16xf32>
      %swap3A_352 = vector.shape_cast %gather3A_24 : vector<16xf32> to vector<16xf32>
      tpu.vector_store %arg7[%swap3A_349], %swap3A_352 {strides = array<i32>} : memref<2304xf32, #tpu.memory_space<vmem>>, vector<16xf32>,
      %swap3A_353 = arith.constant 1280 : index
      %swap3A_354 = tpu.vector_load %arg7[%swap3A_353] {strides = array<i32>} : memref<2304xf32, #tpu.memory_space<vmem>>, vector<16xf32>,
      %swap3A_355 = vector.shape_cast %swap3A_354 : vector<16xf32> to vector<16xf32>
      %swap3A_356 = vector.shape_cast %gather3A_24 : vector<16xf32> to vector<16xf32>
      tpu.vector_store %arg7[%swap3A_353], %swap3A_356 {strides = array<i32>} : memref<2304xf32, #tpu.memory_space<vmem>>, vector<16xf32>,
      %swap3A_357 = arith.constant 1296 : index
      %swap3A_358 = tpu.vector_load %arg7[%swap3A_357] {strides = array<i32>} : memref<2304xf32, #tpu.memory_space<vmem>>, vector<16xf32>,
      %swap3A_359 = vector.shape_cast %swap3A_358 : vector<16xf32> to vector<16xf32>
      %swap3A_360 = vector.shape_cast %gather3A_24 : vector<16xf32> to vector<16xf32>
      tpu.vector_store %arg7[%swap3A_357], %swap3A_360 {strides = array<i32>} : memref<2304xf32, #tpu.memory_space<vmem>>, vector<16xf32>,
      %swap3A_361 = arith.constant 1312 : index
      %swap3A_362 = tpu.vector_load %arg7[%swap3A_361] {strides = array<i32>} : memref<2304xf32, #tpu.memory_space<vmem>>, vector<16xf32>,
      %swap3A_363 = vector.shape_cast %swap3A_362 : vector<16xf32> to vector<16xf32>
      %swap3A_364 = vector.shape_cast %gather3A_24 : vector<16xf32> to vector<16xf32>
      tpu.vector_store %arg7[%swap3A_361], %swap3A_364 {strides = array<i32>} : memref<2304xf32, #tpu.memory_space<vmem>>, vector<16xf32>,
      %swap3A_365 = arith.constant 1328 : index
      %swap3A_366 = tpu.vector_load %arg7[%swap3A_365] {strides = array<i32>} : memref<2304xf32, #tpu.memory_space<vmem>>, vector<16xf32>,
      %swap3A_367 = vector.shape_cast %swap3A_366 : vector<16xf32> to vector<16xf32>
      %swap3A_368 = vector.shape_cast %gather3A_24 : vector<16xf32> to vector<16xf32>
      tpu.vector_store %arg7[%swap3A_365], %swap3A_368 {strides = array<i32>} : memref<2304xf32, #tpu.memory_space<vmem>>, vector<16xf32>,
      %swap3A_369 = arith.constant 1344 : index
      %swap3A_370 = tpu.vector_load %arg7[%swap3A_369] {strides = array<i32>} : memref<2304xf32, #tpu.memory_space<vmem>>, vector<16xf32>,
      %swap3A_371 = vector.shape_cast %swap3A_370 : vector<16xf32> to vector<16xf32>
      %swap3A_372 = vector.shape_cast %gather3A_24 : vector<16xf32> to vector<16xf32>
      tpu.vector_store %arg7[%swap3A_369], %swap3A_372 {strides = array<i32>} : memref<2304xf32, #tpu.memory_space<vmem>>, vector<16xf32>,
      %swap3A_373 = arith.constant 1360 : index
      %swap3A_374 = tpu.vector_load %arg7[%swap3A_373] {strides = array<i32>} : memref<2304xf32, #tpu.memory_space<vmem>>, vector<16xf32>,
      %swap3A_375 = vector.shape_cast %swap3A_374 : vector<16xf32> to vector<16xf32>
      %swap3A_376 = vector.shape_cast %gather3A_24 : vector<16xf32> to vector<16xf32>
      tpu.vector_store %arg7[%swap3A_373], %swap3A_376 {strides = array<i32>} : memref<2304xf32, #tpu.memory_space<vmem>>, vector<16xf32>,
      %swap3A_377 = arith.constant 1376 : index
      %swap3A_378 = tpu.vector_load %arg7[%swap3A_377] {strides = array<i32>} : memref<2304xf32, #tpu.memory_space<vmem>>, vector<16xf32>,
      %swap3A_379 = vector.shape_cast %swap3A_378 : vector<16xf32> to vector<16xf32>
      %swap3A_380 = vector.shape_cast %gather3A_24 : vector<16xf32> to vector<16xf32>
      tpu.vector_store %arg7[%swap3A_377], %swap3A_380 {strides = array<i32>} : memref<2304xf32, #tpu.memory_space<vmem>>, vector<16xf32>,
      %swap3A_381 = arith.constant 1392 : index
      %swap3A_382 = tpu.vector_load %arg7[%swap3A_381] {strides = array<i32>} : memref<2304xf32, #tpu.memory_space<vmem>>, vector<16xf32>,
      %swap3A_383 = vector.shape_cast %swap3A_382 : vector<16xf32> to vector<16xf32>
      %swap3A_384 = vector.shape_cast %gather3A_24 : vector<16xf32> to vector<16xf32>
      tpu.vector_store %arg7[%swap3A_381], %swap3A_384 {strides = array<i32>} : memref<2304xf32, #tpu.memory_space<vmem>>, vector<16xf32>,
      %swap3A_385 = arith.constant 1408 : index
      %swap3A_386 = tpu.vector_load %arg7[%swap3A_385] {strides = array<i32>} : memref<2304xf32, #tpu.memory_space<vmem>>, vector<16xf32>,
      %swap3A_387 = vector.shape_cast %swap3A_386 : vector<16xf32> to vector<16xf32>
      %swap3A_388 = vector.shape_cast %gather3A_24 : vector<16xf32> to vector<16xf32>
      tpu.vector_store %arg7[%swap3A_385], %swap3A_388 {strides = array<i32>} : memref<2304xf32, #tpu.memory_space<vmem>>, vector<16xf32>,
      %swap3A_389 = arith.constant 1424 : index
      %swap3A_390 = tpu.vector_load %arg7[%swap3A_389] {strides = array<i32>} : memref<2304xf32, #tpu.memory_space<vmem>>, vector<16xf32>,
      %swap3A_391 = vector.shape_cast %swap3A_390 : vector<16xf32> to vector<16xf32>
      %swap3A_392 = vector.shape_cast %gather3A_24 : vector<16xf32> to vector<16xf32>
      tpu.vector_store %arg7[%swap3A_389], %swap3A_392 {strides = array<i32>} : memref<2304xf32, #tpu.memory_space<vmem>>, vector<16xf32>,
      %swap3A_393 = arith.constant 1440 : index
      %swap3A_394 = tpu.vector_load %arg7[%swap3A_393] {strides = array<i32>} : memref<2304xf32, #tpu.memory_space<vmem>>, vector<16xf32>,
      %swap3A_395 = vector.shape_cast %swap3A_394 : vector<16xf32> to vector<16xf32>
      %swap3A_396 = vector.shape_cast %gather3A_24 : vector<16xf32> to vector<16xf32>
      tpu.vector_store %arg7[%swap3A_393], %swap3A_396 {strides = array<i32>} : memref<2304xf32, #tpu.memory_space<vmem>>, vector<16xf32>,
      %swap3A_397 = arith.constant 1456 : index
      %swap3A_398 = tpu.vector_load %arg7[%swap3A_397] {strides = array<i32>} : memref<2304xf32, #tpu.memory_space<vmem>>, vector<16xf32>,
      %swap3A_399 = vector.shape_cast %swap3A_398 : vector<16xf32> to vector<16xf32>
      %swap3A_400 = vector.shape_cast %gather3A_24 : vector<16xf32> to vector<16xf32>
      tpu.vector_store %arg7[%swap3A_397], %swap3A_400 {strides = array<i32>} : memref<2304xf32, #tpu.memory_space<vmem>>, vector<16xf32>,
      %swap3A_401 = arith.constant 1472 : index
      %swap3A_402 = tpu.vector_load %arg7[%swap3A_401] {strides = array<i32>} : memref<2304xf32, #tpu.memory_space<vmem>>, vector<16xf32>,
      %swap3A_403 = vector.shape_cast %swap3A_402 : vector<16xf32> to vector<16xf32>
      %swap3A_404 = vector.shape_cast %gather3A_24 : vector<16xf32> to vector<16xf32>
      tpu.vector_store %arg7[%swap3A_401], %swap3A_404 {strides = array<i32>} : memref<2304xf32, #tpu.memory_space<vmem>>, vector<16xf32>,
      %swap3A_405 = arith.constant 1488 : index
      %swap3A_406 = tpu.vector_load %arg7[%swap3A_405] {strides = array<i32>} : memref<2304xf32, #tpu.memory_space<vmem>>, vector<16xf32>,
      %swap3A_407 = vector.shape_cast %swap3A_406 : vector<16xf32> to vector<16xf32>
      %swap3A_408 = vector.shape_cast %gather3A_24 : vector<16xf32> to vector<16xf32>
      tpu.vector_store %arg7[%swap3A_405], %swap3A_408 {strides = array<i32>} : memref<2304xf32, #tpu.memory_space<vmem>>, vector<16xf32>,
      %swap3A_409 = arith.constant 1504 : index
      %swap3A_410 = tpu.vector_load %arg7[%swap3A_409] {strides = array<i32>} : memref<2304xf32, #tpu.memory_space<vmem>>, vector<16xf32>,
      %swap3A_411 = vector.shape_cast %swap3A_410 : vector<16xf32> to vector<16xf32>
      %swap3A_412 = vector.shape_cast %gather3A_24 : vector<16xf32> to vector<16xf32>
      tpu.vector_store %arg7[%swap3A_409], %swap3A_412 {strides = array<i32>} : memref<2304xf32, #tpu.memory_space<vmem>>, vector<16xf32>,
      %swap3A_413 = arith.constant 1520 : index
      %swap3A_414 = tpu.vector_load %arg7[%swap3A_413] {strides = array<i32>} : memref<2304xf32, #tpu.memory_space<vmem>>, vector<16xf32>,
      %swap3A_415 = vector.shape_cast %swap3A_414 : vector<16xf32> to vector<16xf32>
      %swap3A_416 = vector.shape_cast %gather3A_24 : vector<16xf32> to vector<16xf32>
      tpu.vector_store %arg7[%swap3A_413], %swap3A_416 {strides = array<i32>} : memref<2304xf32, #tpu.memory_space<vmem>>, vector<16xf32>,
      %swap3A_417 = arith.constant 1536 : index
      %swap3A_418 = tpu.vector_load %arg7[%swap3A_417] {strides = array<i32>} : memref<2304xf32, #tpu.memory_space<vmem>>, vector<16xf32>,
      %swap3A_419 = vector.shape_cast %swap3A_418 : vector<16xf32> to vector<16xf32>
      %swap3A_420 = vector.shape_cast %gather3A_24 : vector<16xf32> to vector<16xf32>
      tpu.vector_store %arg7[%swap3A_417], %swap3A_420 {strides = array<i32>} : memref<2304xf32, #tpu.memory_space<vmem>>, vector<16xf32>,
      %swap3A_421 = arith.constant 1552 : index
      %swap3A_422 = tpu.vector_load %arg7[%swap3A_421] {strides = array<i32>} : memref<2304xf32, #tpu.memory_space<vmem>>, vector<16xf32>,
      %swap3A_423 = vector.shape_cast %swap3A_422 : vector<16xf32> to vector<16xf32>
      %swap3A_424 = vector.shape_cast %gather3A_24 : vector<16xf32> to vector<16xf32>
      tpu.vector_store %arg7[%swap3A_421], %swap3A_424 {strides = array<i32>} : memref<2304xf32, #tpu.memory_space<vmem>>, vector<16xf32>,
      %swap3A_425 = arith.constant 1568 : index
      %swap3A_426 = tpu.vector_load %arg7[%swap3A_425] {strides = array<i32>} : memref<2304xf32, #tpu.memory_space<vmem>>, vector<16xf32>,
      %swap3A_427 = vector.shape_cast %swap3A_426 : vector<16xf32> to vector<16xf32>
      %swap3A_428 = vector.shape_cast %gather3A_24 : vector<16xf32> to vector<16xf32>
      tpu.vector_store %arg7[%swap3A_425], %swap3A_428 {strides = array<i32>} : memref<2304xf32, #tpu.memory_space<vmem>>, vector<16xf32>,
      %swap3A_429 = arith.constant 1584 : index
      %swap3A_430 = tpu.vector_load %arg7[%swap3A_429] {strides = array<i32>} : memref<2304xf32, #tpu.memory_space<vmem>>, vector<16xf32>,
      %swap3A_431 = vector.shape_cast %swap3A_430 : vector<16xf32> to vector<16xf32>
      %swap3A_432 = vector.shape_cast %gather3A_24 : vector<16xf32> to vector<16xf32>
      tpu.vector_store %arg7[%swap3A_429], %swap3A_432 {strides = array<i32>} : memref<2304xf32, #tpu.memory_space<vmem>>, vector<16xf32>,
      %swap3A_433 = arith.constant 1600 : index
      %swap3A_434 = tpu.vector_load %arg7[%swap3A_433] {strides = array<i32>} : memref<2304xf32, #tpu.memory_space<vmem>>, vector<16xf32>,
      %swap3A_435 = vector.shape_cast %swap3A_434 : vector<16xf32> to vector<16xf32>
      %swap3A_436 = vector.shape_cast %gather3A_24 : vector<16xf32> to vector<16xf32>
      tpu.vector_store %arg7[%swap3A_433], %swap3A_436 {strides = array<i32>} : memref<2304xf32, #tpu.memory_space<vmem>>, vector<16xf32>,
      %swap3A_437 = arith.constant 1616 : index
      %swap3A_438 = tpu.vector_load %arg7[%swap3A_437] {strides = array<i32>} : memref<2304xf32, #tpu.memory_space<vmem>>, vector<16xf32>,
      %swap3A_439 = vector.shape_cast %swap3A_438 : vector<16xf32> to vector<16xf32>
      %swap3A_440 = vector.shape_cast %gather3A_24 : vector<16xf32> to vector<16xf32>
      tpu.vector_store %arg7[%swap3A_437], %swap3A_440 {strides = array<i32>} : memref<2304xf32, #tpu.memory_space<vmem>>, vector<16xf32>,
      %swap3A_441 = arith.constant 1632 : index
      %swap3A_442 = tpu.vector_load %arg7[%swap3A_441] {strides = array<i32>} : memref<2304xf32, #tpu.memory_space<vmem>>, vector<16xf32>,
      %swap3A_443 = vector.shape_cast %swap3A_442 : vector<16xf32> to vector<16xf32>
      %swap3A_444 = vector.shape_cast %gather3A_24 : vector<16xf32> to vector<16xf32>
      tpu.vector_store %arg7[%swap3A_441], %swap3A_444 {strides = array<i32>} : memref<2304xf32, #tpu.memory_space<vmem>>, vector<16xf32>,
      %swap3A_445 = arith.constant 1648 : index
      %swap3A_446 = tpu.vector_load %arg7[%swap3A_445] {strides = array<i32>} : memref<2304xf32, #tpu.memory_space<vmem>>, vector<16xf32>,
      %swap3A_447 = vector.shape_cast %swap3A_446 : vector<16xf32> to vector<16xf32>
      %swap3A_448 = vector.shape_cast %gather3A_24 : vector<16xf32> to vector<16xf32>
      tpu.vector_store %arg7[%swap3A_445], %swap3A_448 {strides = array<i32>} : memref<2304xf32, #tpu.memory_space<vmem>>, vector<16xf32>,
      %swap3A_449 = arith.constant 1664 : index
      %swap3A_450 = tpu.vector_load %arg7[%swap3A_449] {strides = array<i32>} : memref<2304xf32, #tpu.memory_space<vmem>>, vector<16xf32>,
      %swap3A_451 = vector.shape_cast %swap3A_450 : vector<16xf32> to vector<16xf32>
      %swap3A_452 = vector.shape_cast %gather3A_24 : vector<16xf32> to vector<16xf32>
      tpu.vector_store %arg7[%swap3A_449], %swap3A_452 {strides = array<i32>} : memref<2304xf32, #tpu.memory_space<vmem>>, vector<16xf32>,
      %swap3A_453 = arith.constant 1680 : index
      %swap3A_454 = tpu.vector_load %arg7[%swap3A_453] {strides = array<i32>} : memref<2304xf32, #tpu.memory_space<vmem>>, vector<16xf32>,
      %swap3A_455 = vector.shape_cast %swap3A_454 : vector<16xf32> to vector<16xf32>
      %swap3A_456 = vector.shape_cast %gather3A_24 : vector<16xf32> to vector<16xf32>
      tpu.vector_store %arg7[%swap3A_453], %swap3A_456 {strides = array<i32>} : memref<2304xf32, #tpu.memory_space<vmem>>, vector<16xf32>,
      %swap3A_457 = arith.constant 1696 : index
      %swap3A_458 = tpu.vector_load %arg7[%swap3A_457] {strides = array<i32>} : memref<2304xf32, #tpu.memory_space<vmem>>, vector<16xf32>,
      %swap3A_459 = vector.shape_cast %swap3A_458 : vector<16xf32> to vector<16xf32>
      %swap3A_460 = vector.shape_cast %gather3A_24 : vector<16xf32> to vector<16xf32>
      tpu.vector_store %arg7[%swap3A_457], %swap3A_460 {strides = array<i32>} : memref<2304xf32, #tpu.memory_space<vmem>>, vector<16xf32>,
      %swap3A_461 = arith.constant 1712 : index
      %swap3A_462 = tpu.vector_load %arg7[%swap3A_461] {strides = array<i32>} : memref<2304xf32, #tpu.memory_space<vmem>>, vector<16xf32>,
      %swap3A_463 = vector.shape_cast %swap3A_462 : vector<16xf32> to vector<16xf32>
      %swap3A_464 = vector.shape_cast %gather3A_24 : vector<16xf32> to vector<16xf32>
      tpu.vector_store %arg7[%swap3A_461], %swap3A_464 {strides = array<i32>} : memref<2304xf32, #tpu.memory_space<vmem>>, vector<16xf32>,
      %swap3A_465 = arith.constant 1728 : index
      %swap3A_466 = tpu.vector_load %arg7[%swap3A_465] {strides = array<i32>} : memref<2304xf32, #tpu.memory_space<vmem>>, vector<16xf32>,
      %swap3A_467 = vector.shape_cast %swap3A_466 : vector<16xf32> to vector<16xf32>
      %swap3A_468 = vector.shape_cast %gather3A_24 : vector<16xf32> to vector<16xf32>
      tpu.vector_store %arg7[%swap3A_465], %swap3A_468 {strides = array<i32>} : memref<2304xf32, #tpu.memory_space<vmem>>, vector<16xf32>,
      %swap3A_469 = arith.constant 1744 : index
      %swap3A_470 = tpu.vector_load %arg7[%swap3A_469] {strides = array<i32>} : memref<2304xf32, #tpu.memory_space<vmem>>, vector<16xf32>,
      %swap3A_471 = vector.shape_cast %swap3A_470 : vector<16xf32> to vector<16xf32>
      %swap3A_472 = vector.shape_cast %gather3A_24 : vector<16xf32> to vector<16xf32>
      tpu.vector_store %arg7[%swap3A_469], %swap3A_472 {strides = array<i32>} : memref<2304xf32, #tpu.memory_space<vmem>>, vector<16xf32>,
      %swap3A_473 = arith.constant 1760 : index
      %swap3A_474 = tpu.vector_load %arg7[%swap3A_473] {strides = array<i32>} : memref<2304xf32, #tpu.memory_space<vmem>>, vector<16xf32>,
      %swap3A_475 = vector.shape_cast %swap3A_474 : vector<16xf32> to vector<16xf32>
      %swap3A_476 = vector.shape_cast %gather3A_24 : vector<16xf32> to vector<16xf32>
      tpu.vector_store %arg7[%swap3A_473], %swap3A_476 {strides = array<i32>} : memref<2304xf32, #tpu.memory_space<vmem>>, vector<16xf32>,
      %swap3A_477 = arith.constant 1776 : index
      %swap3A_478 = tpu.vector_load %arg7[%swap3A_477] {strides = array<i32>} : memref<2304xf32, #tpu.memory_space<vmem>>, vector<16xf32>,
      %swap3A_479 = vector.shape_cast %swap3A_478 : vector<16xf32> to vector<16xf32>
      %swap3A_480 = vector.shape_cast %gather3A_24 : vector<16xf32> to vector<16xf32>
      tpu.vector_store %arg7[%swap3A_477], %swap3A_480 {strides = array<i32>} : memref<2304xf32, #tpu.memory_space<vmem>>, vector<16xf32>,
      %swap3A_481 = arith.constant 1792 : index
      %swap3A_482 = tpu.vector_load %arg7[%swap3A_481] {strides = array<i32>} : memref<2304xf32, #tpu.memory_space<vmem>>, vector<16xf32>,
      %swap3A_483 = vector.shape_cast %swap3A_482 : vector<16xf32> to vector<16xf32>
      %swap3A_484 = vector.shape_cast %gather3A_24 : vector<16xf32> to vector<16xf32>
      tpu.vector_store %arg7[%swap3A_481], %swap3A_484 {strides = array<i32>} : memref<2304xf32, #tpu.memory_space<vmem>>, vector<16xf32>,
      %swap3A_485 = arith.constant 1808 : index
      %swap3A_486 = tpu.vector_load %arg7[%swap3A_485] {strides = array<i32>} : memref<2304xf32, #tpu.memory_space<vmem>>, vector<16xf32>,
      %swap3A_487 = vector.shape_cast %swap3A_486 : vector<16xf32> to vector<16xf32>
      %swap3A_488 = vector.shape_cast %gather3A_24 : vector<16xf32> to vector<16xf32>
      tpu.vector_store %arg7[%swap3A_485], %swap3A_488 {strides = array<i32>} : memref<2304xf32, #tpu.memory_space<vmem>>, vector<16xf32>,
      %swap3A_489 = arith.constant 1824 : index
      %swap3A_490 = tpu.vector_load %arg7[%swap3A_489] {strides = array<i32>} : memref<2304xf32, #tpu.memory_space<vmem>>, vector<16xf32>,
      %swap3A_491 = vector.shape_cast %swap3A_490 : vector<16xf32> to vector<16xf32>
      %swap3A_492 = vector.shape_cast %gather3A_24 : vector<16xf32> to vector<16xf32>
      tpu.vector_store %arg7[%swap3A_489], %swap3A_492 {strides = array<i32>} : memref<2304xf32, #tpu.memory_space<vmem>>, vector<16xf32>,
      %swap3A_493 = arith.constant 1840 : index
      %swap3A_494 = tpu.vector_load %arg7[%swap3A_493] {strides = array<i32>} : memref<2304xf32, #tpu.memory_space<vmem>>, vector<16xf32>,
      %swap3A_495 = vector.shape_cast %swap3A_494 : vector<16xf32> to vector<16xf32>
      %swap3A_496 = vector.shape_cast %gather3A_24 : vector<16xf32> to vector<16xf32>
      tpu.vector_store %arg7[%swap3A_493], %swap3A_496 {strides = array<i32>} : memref<2304xf32, #tpu.memory_space<vmem>>, vector<16xf32>,
      %swap3A_497 = arith.constant 1856 : index
      %swap3A_498 = tpu.vector_load %arg7[%swap3A_497] {strides = array<i32>} : memref<2304xf32, #tpu.memory_space<vmem>>, vector<16xf32>,
      %swap3A_499 = vector.shape_cast %swap3A_498 : vector<16xf32> to vector<16xf32>
      %swap3A_500 = vector.shape_cast %gather3A_24 : vector<16xf32> to vector<16xf32>
      tpu.vector_store %arg7[%swap3A_497], %swap3A_500 {strides = array<i32>} : memref<2304xf32, #tpu.memory_space<vmem>>, vector<16xf32>,
      %swap3A_501 = arith.constant 1872 : index
      %swap3A_502 = tpu.vector_load %arg7[%swap3A_501] {strides = array<i32>} : memref<2304xf32, #tpu.memory_space<vmem>>, vector<16xf32>,
      %swap3A_503 = vector.shape_cast %swap3A_502 : vector<16xf32> to vector<16xf32>
      %swap3A_504 = vector.shape_cast %gather3A_24 : vector<16xf32> to vector<16xf32>
      tpu.vector_store %arg7[%swap3A_501], %swap3A_504 {strides = array<i32>} : memref<2304xf32, #tpu.memory_space<vmem>>, vector<16xf32>,
      %swap3A_505 = arith.constant 1888 : index
      %swap3A_506 = tpu.vector_load %arg7[%swap3A_505] {strides = array<i32>} : memref<2304xf32, #tpu.memory_space<vmem>>, vector<16xf32>,
      %swap3A_507 = vector.shape_cast %swap3A_506 : vector<16xf32> to vector<16xf32>
      %swap3A_508 = vector.shape_cast %gather3A_24 : vector<16xf32> to vector<16xf32>
      tpu.vector_store %arg7[%swap3A_505], %swap3A_508 {strides = array<i32>} : memref<2304xf32, #tpu.memory_space<vmem>>, vector<16xf32>,
      %swap3A_509 = arith.constant 1904 : index
      %swap3A_510 = tpu.vector_load %arg7[%swap3A_509] {strides = array<i32>} : memref<2304xf32, #tpu.memory_space<vmem>>, vector<16xf32>,
      %swap3A_511 = vector.shape_cast %swap3A_510 : vector<16xf32> to vector<16xf32>
      %swap3A_512 = vector.shape_cast %gather3A_24 : vector<16xf32> to vector<16xf32>
      tpu.vector_store %arg7[%swap3A_509], %swap3A_512 {strides = array<i32>} : memref<2304xf32, #tpu.memory_space<vmem>>, vector<16xf32>,
      %swap3A_513 = arith.constant 1920 : index
      %swap3A_514 = tpu.vector_load %arg7[%swap3A_513] {strides = array<i32>} : memref<2304xf32, #tpu.memory_space<vmem>>, vector<16xf32>,
      %swap3A_515 = vector.shape_cast %swap3A_514 : vector<16xf32> to vector<16xf32>
      %swap3A_516 = vector.shape_cast %gather3A_24 : vector<16xf32> to vector<16xf32>
      tpu.vector_store %arg7[%swap3A_513], %swap3A_516 {strides = array<i32>} : memref<2304xf32, #tpu.memory_space<vmem>>, vector<16xf32>,
      %swap3A_517 = arith.constant 1936 : index
      %swap3A_518 = tpu.vector_load %arg7[%swap3A_517] {strides = array<i32>} : memref<2304xf32, #tpu.memory_space<vmem>>, vector<16xf32>,
      %swap3A_519 = vector.shape_cast %swap3A_518 : vector<16xf32> to vector<16xf32>
      %swap3A_520 = vector.shape_cast %gather3A_24 : vector<16xf32> to vector<16xf32>
      tpu.vector_store %arg7[%swap3A_517], %swap3A_520 {strides = array<i32>} : memref<2304xf32, #tpu.memory_space<vmem>>, vector<16xf32>,
      %swap3A_521 = arith.constant 1952 : index
      %swap3A_522 = tpu.vector_load %arg7[%swap3A_521] {strides = array<i32>} : memref<2304xf32, #tpu.memory_space<vmem>>, vector<16xf32>,
      %swap3A_523 = vector.shape_cast %swap3A_522 : vector<16xf32> to vector<16xf32>
      %swap3A_524 = vector.shape_cast %gather3A_24 : vector<16xf32> to vector<16xf32>
      tpu.vector_store %arg7[%swap3A_521], %swap3A_524 {strides = array<i32>} : memref<2304xf32, #tpu.memory_space<vmem>>, vector<16xf32>,
      %swap3A_525 = arith.constant 1968 : index
      %swap3A_526 = tpu.vector_load %arg7[%swap3A_525] {strides = array<i32>} : memref<2304xf32, #tpu.memory_space<vmem>>, vector<16xf32>,
      %swap3A_527 = vector.shape_cast %swap3A_526 : vector<16xf32> to vector<16xf32>
      %swap3A_528 = vector.shape_cast %gather3A_24 : vector<16xf32> to vector<16xf32>
      tpu.vector_store %arg7[%swap3A_525], %swap3A_528 {strides = array<i32>} : memref<2304xf32, #tpu.memory_space<vmem>>, vector<16xf32>,
      %swap3A_529 = arith.constant 1984 : index
      %swap3A_530 = tpu.vector_load %arg7[%swap3A_529] {strides = array<i32>} : memref<2304xf32, #tpu.memory_space<vmem>>, vector<16xf32>,
      %swap3A_531 = vector.shape_cast %swap3A_530 : vector<16xf32> to vector<16xf32>
      %swap3A_532 = vector.shape_cast %gather3A_24 : vector<16xf32> to vector<16xf32>
      tpu.vector_store %arg7[%swap3A_529], %swap3A_532 {strides = array<i32>} : memref<2304xf32, #tpu.memory_space<vmem>>, vector<16xf32>,
      %swap3A_533 = arith.constant 2000 : index
      %swap3A_534 = tpu.vector_load %arg7[%swap3A_533] {strides = array<i32>} : memref<2304xf32, #tpu.memory_space<vmem>>, vector<16xf32>,
      %swap3A_535 = vector.shape_cast %swap3A_534 : vector<16xf32> to vector<16xf32>
      %swap3A_536 = vector.shape_cast %gather3A_24 : vector<16xf32> to vector<16xf32>
      tpu.vector_store %arg7[%swap3A_533], %swap3A_536 {strides = array<i32>} : memref<2304xf32, #tpu.memory_space<vmem>>, vector<16xf32>,
      %swap3A_537 = arith.constant 2016 : index
      %swap3A_538 = tpu.vector_load %arg7[%swap3A_537] {strides = array<i32>} : memref<2304xf32, #tpu.memory_space<vmem>>, vector<16xf32>,
      %swap3A_539 = vector.shape_cast %swap3A_538 : vector<16xf32> to vector<16xf32>
      %swap3A_540 = vector.shape_cast %gather3A_24 : vector<16xf32> to vector<16xf32>
      tpu.vector_store %arg7[%swap3A_537], %swap3A_540 {strides = array<i32>} : memref<2304xf32, #tpu.memory_space<vmem>>, vector<16xf32>,
      %swap3A_541 = arith.constant 2032 : index
      %swap3A_542 = tpu.vector_load %arg7[%swap3A_541] {strides = array<i32>} : memref<2304xf32, #tpu.memory_space<vmem>>, vector<16xf32>,
      %swap3A_543 = vector.shape_cast %swap3A_542 : vector<16xf32> to vector<16xf32>
      %swap3A_544 = vector.shape_cast %gather3A_24 : vector<16xf32> to vector<16xf32>
      tpu.vector_store %arg7[%swap3A_541], %swap3A_544 {strides = array<i32>} : memref<2304xf32, #tpu.memory_space<vmem>>, vector<16xf32>,
      %get3A_545 = arith.constant 0 : index
      %get3A_546 = tpu.vector_load %arg6[%get3A_545] {strides = array<i32>} : memref<384xi32, #tpu.memory_space<vmem>>, vector<16xi32>,
      %get3A_547 = vector.shape_cast %get3A_546 : vector<16xi32> to vector<16xi32>
      %get3A_548 = arith.constant 16 : index
      %get3A_549 = tpu.vector_load %arg6[%get3A_548] {strides = array<i32>} : memref<384xi32, #tpu.memory_space<vmem>>, vector<16xi32>,
      %get3A_550 = vector.shape_cast %get3A_549 : vector<16xi32> to vector<16xi32>
      %get3A_551 = arith.constant 32 : index
      %get3A_552 = tpu.vector_load %arg6[%get3A_551] {strides = array<i32>} : memref<384xi32, #tpu.memory_space<vmem>>, vector<16xi32>,
      %get3A_553 = vector.shape_cast %get3A_552 : vector<16xi32> to vector<16xi32>
      %eq3A_554 = arith.constant 1 : i32
      %eq3A_555 = vector.broadcast %eq3A_554 : i32 to vector<16xi32>
      %eq3A_556 = arith.cmpi eq, %get3A_553, %eq3A_555 : vector<16xi32>
      %lt3A_557 = arith.constant 0 : i32
      %lt3A_558 = vector.broadcast %lt3A_557 : i32 to vector<16xi32>
      %lt3A_559 = arith.cmpi slt, %get3A_547, %lt3A_558 : vector<16xi32>
      %add3A_560 = arith.constant 16 : i32
      %add3A_561 = vector.broadcast %add3A_560 : i32 to vector<16xi32>
      %add3A_562 = arith.addi %get3A_547, %add3A_561 : vector<16xi32>
      %select_n3A_563 = arith.select %lt3A_559, %add3A_562, %get3A_547 : vector<16xi1>, vector<16xi32>
      %broadcast_in_dim3A_564 = vector.shape_cast %select_n3A_563 : vector<16xi32> to vector<16x1xi32>
      %gather3A_565 = vector.shape_cast %broadcast_in_dim3A_564 : vector<16x1xi32> to vector<16xi32>
      %gather3A_566 = tpu.dynamic_gather %get3A_1[%gather3A_565] in [0] : vector<16xf32>, vector<16xi32> -> vector<16xf32>
      %lt3A_567 = arith.constant 0 : i32
      %lt3A_568 = vector.broadcast %lt3A_567 : i32 to vector<16xi32>
      %lt3A_569 = arith.cmpi slt, %get3A_550, %lt3A_568 : vector<16xi32>
      %add3A_570 = arith.constant 16 : i32
      %add3A_571 = vector.broadcast %add3A_570 : i32 to vector<16xi32>
      %add3A_572 = arith.addi %get3A_550, %add3A_571 : vector<16xi32>
      %select_n3A_573 = arith.select %lt3A_569, %add3A_572, %get3A_550 : vector<16xi1>, vector<16xi32>
      %broadcast_in_dim3A_574 = vector.shape_cast %select_n3A_573 : vector<16xi32> to vector<16x1xi32>
      %gather3A_575 = vector.shape_cast %broadcast_in_dim3A_574 : vector<16x1xi32> to vector<16xi32>
      %gather3A_576 = tpu.dynamic_gather %get3A_4[%gather3A_575] in [0] : vector<16xf32>, vector<16xi32> -> vector<16xf32>
      %select_n3A_577 = arith.select %eq3A_556, %gather3A_566, %gather3A_576 : vector<16xi1>, vector<16xf32>
      %swap3A_578 = arith.constant 2048 : index
      %swap3A_579 = tpu.vector_load %arg7[%swap3A_578] {strides = array<i32>} : memref<2304xf32, #tpu.memory_space<vmem>>, vector<16xf32>,
      %swap3A_580 = vector.shape_cast %swap3A_579 : vector<16xf32> to vector<16xf32>
      %swap3A_581 = vector.shape_cast %select_n3A_577 : vector<16xf32> to vector<16xf32>
      tpu.vector_store %arg7[%swap3A_578], %swap3A_581 {strides = array<i32>} : memref<2304xf32, #tpu.memory_space<vmem>>, vector<16xf32>,
      %get3A_582 = arith.constant 48 : index
      %get3A_583 = tpu.vector_load %arg6[%get3A_582] {strides = array<i32>} : memref<384xi32, #tpu.memory_space<vmem>>, vector<16xi32>,
      %get3A_584 = vector.shape_cast %get3A_583 : vector<16xi32> to vector<16xi32>
      %get3A_585 = arith.constant 64 : index
      %get3A_586 = tpu.vector_load %arg6[%get3A_585] {strides = array<i32>} : memref<384xi32, #tpu.memory_space<vmem>>, vector<16xi32>,
      %get3A_587 = vector.shape_cast %get3A_586 : vector<16xi32> to vector<16xi32>
      %get3A_588 = arith.constant 80 : index
      %get3A_589 = tpu.vector_load %arg6[%get3A_588] {strides = array<i32>} : memref<384xi32, #tpu.memory_space<vmem>>, vector<16xi32>,
      %get3A_590 = vector.shape_cast %get3A_589 : vector<16xi32> to vector<16xi32>
      %eq3A_591 = arith.constant 1 : i32
      %eq3A_592 = vector.broadcast %eq3A_591 : i32 to vector<16xi32>
      %eq3A_593 = arith.cmpi eq, %get3A_590, %eq3A_592 : vector<16xi32>
      %lt3A_594 = arith.constant 0 : i32
      %lt3A_595 = vector.broadcast %lt3A_594 : i32 to vector<16xi32>
      %lt3A_596 = arith.cmpi slt, %get3A_584, %lt3A_595 : vector<16xi32>
      %add3A_597 = arith.constant 16 : i32
      %add3A_598 = vector.broadcast %add3A_597 : i32 to vector<16xi32>
      %add3A_599 = arith.addi %get3A_584, %add3A_598 : vector<16xi32>
      %select_n3A_600 = arith.select %lt3A_596, %add3A_599, %get3A_584 : vector<16xi1>, vector<16xi32>
      %broadcast_in_dim3A_601 = vector.shape_cast %select_n3A_600 : vector<16xi32> to vector<16x1xi32>
      %gather3A_602 = vector.shape_cast %broadcast_in_dim3A_601 : vector<16x1xi32> to vector<16xi32>
      %gather3A_603 = tpu.dynamic_gather %get3A_1[%gather3A_602] in [0] : vector<16xf32>, vector<16xi32> -> vector<16xf32>
      %lt3A_604 = arith.constant 0 : i32
      %lt3A_605 = vector.broadcast %lt3A_604 : i32 to vector<16xi32>
      %lt3A_606 = arith.cmpi slt, %get3A_587, %lt3A_605 : vector<16xi32>
      %add3A_607 = arith.constant 16 : i32
      %add3A_608 = vector.broadcast %add3A_607 : i32 to vector<16xi32>
      %add3A_609 = arith.addi %get3A_587, %add3A_608 : vector<16xi32>
      %select_n3A_610 = arith.select %lt3A_606, %add3A_609, %get3A_587 : vector<16xi1>, vector<16xi32>
      %broadcast_in_dim3A_611 = vector.shape_cast %select_n3A_610 : vector<16xi32> to vector<16x1xi32>
      %gather3A_612 = vector.shape_cast %broadcast_in_dim3A_611 : vector<16x1xi32> to vector<16xi32>
      %gather3A_613 = tpu.dynamic_gather %get3A_4[%gather3A_612] in [0] : vector<16xf32>, vector<16xi32> -> vector<16xf32>
      %select_n3A_614 = arith.select %eq3A_593, %gather3A_603, %gather3A_613 : vector<16xi1>, vector<16xf32>
      %swap3A_615 = arith.constant 2064 : index
      %swap3A_616 = tpu.vector_load %arg7[%swap3A_615] {strides = array<i32>} : memref<2304xf32, #tpu.memory_space<vmem>>, vector<16xf32>,
      %swap3A_617 = vector.shape_cast %swap3A_616 : vector<16xf32> to vector<16xf32>
      %swap3A_618 = vector.shape_cast %select_n3A_614 : vector<16xf32> to vector<16xf32>
      tpu.vector_store %arg7[%swap3A_615], %swap3A_618 {strides = array<i32>} : memref<2304xf32, #tpu.memory_space<vmem>>, vector<16xf32>,
      %get3A_619 = arith.constant 96 : index
      %get3A_620 = tpu.vector_load %arg6[%get3A_619] {strides = array<i32>} : memref<384xi32, #tpu.memory_space<vmem>>, vector<16xi32>,
      %get3A_621 = vector.shape_cast %get3A_620 : vector<16xi32> to vector<16xi32>
      %get3A_622 = arith.constant 112 : index
      %get3A_623 = tpu.vector_load %arg6[%get3A_622] {strides = array<i32>} : memref<384xi32, #tpu.memory_space<vmem>>, vector<16xi32>,
      %get3A_624 = vector.shape_cast %get3A_623 : vector<16xi32> to vector<16xi32>
      %get3A_625 = arith.constant 128 : index
      %get3A_626 = tpu.vector_load %arg6[%get3A_625] {strides = array<i32>} : memref<384xi32, #tpu.memory_space<vmem>>, vector<16xi32>,
      %get3A_627 = vector.shape_cast %get3A_626 : vector<16xi32> to vector<16xi32>
      %eq3A_628 = arith.constant 1 : i32
      %eq3A_629 = vector.broadcast %eq3A_628 : i32 to vector<16xi32>
      %eq3A_630 = arith.cmpi eq, %get3A_627, %eq3A_629 : vector<16xi32>
      %lt3A_631 = arith.constant 0 : i32
      %lt3A_632 = vector.broadcast %lt3A_631 : i32 to vector<16xi32>
      %lt3A_633 = arith.cmpi slt, %get3A_621, %lt3A_632 : vector<16xi32>
      %add3A_634 = arith.constant 16 : i32
      %add3A_635 = vector.broadcast %add3A_634 : i32 to vector<16xi32>
      %add3A_636 = arith.addi %get3A_621, %add3A_635 : vector<16xi32>
      %select_n3A_637 = arith.select %lt3A_633, %add3A_636, %get3A_621 : vector<16xi1>, vector<16xi32>
      %broadcast_in_dim3A_638 = vector.shape_cast %select_n3A_637 : vector<16xi32> to vector<16x1xi32>
      %gather3A_639 = vector.shape_cast %broadcast_in_dim3A_638 : vector<16x1xi32> to vector<16xi32>
      %gather3A_640 = tpu.dynamic_gather %get3A_1[%gather3A_639] in [0] : vector<16xf32>, vector<16xi32> -> vector<16xf32>
      %lt3A_641 = arith.constant 0 : i32
      %lt3A_642 = vector.broadcast %lt3A_641 : i32 to vector<16xi32>
      %lt3A_643 = arith.cmpi slt, %get3A_624, %lt3A_642 : vector<16xi32>
      %add3A_644 = arith.constant 16 : i32
      %add3A_645 = vector.broadcast %add3A_644 : i32 to vector<16xi32>
      %add3A_646 = arith.addi %get3A_624, %add3A_645 : vector<16xi32>
      %select_n3A_647 = arith.select %lt3A_643, %add3A_646, %get3A_624 : vector<16xi1>, vector<16xi32>
      %broadcast_in_dim3A_648 = vector.shape_cast %select_n3A_647 : vector<16xi32> to vector<16x1xi32>
      %gather3A_649 = vector.shape_cast %broadcast_in_dim3A_648 : vector<16x1xi32> to vector<16xi32>
      %gather3A_650 = tpu.dynamic_gather %get3A_4[%gather3A_649] in [0] : vector<16xf32>, vector<16xi32> -> vector<16xf32>
      %select_n3A_651 = arith.select %eq3A_630, %gather3A_640, %gather3A_650 : vector<16xi1>, vector<16xf32>
      %swap3A_652 = arith.constant 2080 : index
      %swap3A_653 = tpu.vector_load %arg7[%swap3A_652] {strides = array<i32>} : memref<2304xf32, #tpu.memory_space<vmem>>, vector<16xf32>,
      %swap3A_654 = vector.shape_cast %swap3A_653 : vector<16xf32> to vector<16xf32>
      %swap3A_655 = vector.shape_cast %select_n3A_651 : vector<16xf32> to vector<16xf32>
      tpu.vector_store %arg7[%swap3A_652], %swap3A_655 {strides = array<i32>} : memref<2304xf32, #tpu.memory_space<vmem>>, vector<16xf32>,
      %get3A_656 = arith.constant 144 : index
      %get3A_657 = tpu.vector_load %arg6[%get3A_656] {strides = array<i32>} : memref<384xi32, #tpu.memory_space<vmem>>, vector<16xi32>,
      %get3A_658 = vector.shape_cast %get3A_657 : vector<16xi32> to vector<16xi32>
      %get3A_659 = arith.constant 160 : index
      %get3A_660 = tpu.vector_load %arg6[%get3A_659] {strides = array<i32>} : memref<384xi32, #tpu.memory_space<vmem>>, vector<16xi32>,
      %get3A_661 = vector.shape_cast %get3A_660 : vector<16xi32> to vector<16xi32>
      %get3A_662 = arith.constant 176 : index
      %get3A_663 = tpu.vector_load %arg6[%get3A_662] {strides = array<i32>} : memref<384xi32, #tpu.memory_space<vmem>>, vector<16xi32>,
      %get3A_664 = vector.shape_cast %get3A_663 : vector<16xi32> to vector<16xi32>
      %eq3A_665 = arith.constant 1 : i32
      %eq3A_666 = vector.broadcast %eq3A_665 : i32 to vector<16xi32>
      %eq3A_667 = arith.cmpi eq, %get3A_664, %eq3A_666 : vector<16xi32>
      %lt3A_668 = arith.constant 0 : i32
      %lt3A_669 = vector.broadcast %lt3A_668 : i32 to vector<16xi32>
      %lt3A_670 = arith.cmpi slt, %get3A_658, %lt3A_669 : vector<16xi32>
      %add3A_671 = arith.constant 16 : i32
      %add3A_672 = vector.broadcast %add3A_671 : i32 to vector<16xi32>
      %add3A_673 = arith.addi %get3A_658, %add3A_672 : vector<16xi32>
      %select_n3A_674 = arith.select %lt3A_670, %add3A_673, %get3A_658 : vector<16xi1>, vector<16xi32>
      %broadcast_in_dim3A_675 = vector.shape_cast %select_n3A_674 : vector<16xi32> to vector<16x1xi32>
      %gather3A_676 = vector.shape_cast %broadcast_in_dim3A_675 : vector<16x1xi32> to vector<16xi32>
      %gather3A_677 = tpu.dynamic_gather %get3A_1[%gather3A_676] in [0] : vector<16xf32>, vector<16xi32> -> vector<16xf32>
      %lt3A_678 = arith.constant 0 : i32
      %lt3A_679 = vector.broadcast %lt3A_678 : i32 to vector<16xi32>
      %lt3A_680 = arith.cmpi slt, %get3A_661, %lt3A_679 : vector<16xi32>
      %add3A_681 = arith.constant 16 : i32
      %add3A_682 = vector.broadcast %add3A_681 : i32 to vector<16xi32>
      %add3A_683 = arith.addi %get3A_661, %add3A_682 : vector<16xi32>
      %select_n3A_684 = arith.select %lt3A_680, %add3A_683, %get3A_661 : vector<16xi1>, vector<16xi32>
      %broadcast_in_dim3A_685 = vector.shape_cast %select_n3A_684 : vector<16xi32> to vector<16x1xi32>
      %gather3A_686 = vector.shape_cast %broadcast_in_dim3A_685 : vector<16x1xi32> to vector<16xi32>
      %gather3A_687 = tpu.dynamic_gather %get3A_4[%gather3A_686] in [0] : vector<16xf32>, vector<16xi32> -> vector<16xf32>
      %select_n3A_688 = arith.select %eq3A_667, %gather3A_677, %gather3A_687 : vector<16xi1>, vector<16xf32>
      %swap3A_689 = arith.constant 2096 : index
      %swap3A_690 = tpu.vector_load %arg7[%swap3A_689] {strides = array<i32>} : memref<2304xf32, #tpu.memory_space<vmem>>, vector<16xf32>,
      %swap3A_691 = vector.shape_cast %swap3A_690 : vector<16xf32> to vector<16xf32>
      %swap3A_692 = vector.shape_cast %select_n3A_688 : vector<16xf32> to vector<16xf32>
      tpu.vector_store %arg7[%swap3A_689], %swap3A_692 {strides = array<i32>} : memref<2304xf32, #tpu.memory_space<vmem>>, vector<16xf32>,
      %get3A_693 = arith.constant 192 : index
      %get3A_694 = tpu.vector_load %arg6[%get3A_693] {strides = array<i32>} : memref<384xi32, #tpu.memory_space<vmem>>, vector<16xi32>,
      %get3A_695 = vector.shape_cast %get3A_694 : vector<16xi32> to vector<16xi32>
      %get3A_696 = arith.constant 208 : index
      %get3A_697 = tpu.vector_load %arg6[%get3A_696] {strides = array<i32>} : memref<384xi32, #tpu.memory_space<vmem>>, vector<16xi32>,
      %get3A_698 = vector.shape_cast %get3A_697 : vector<16xi32> to vector<16xi32>
      %get3A_699 = arith.constant 224 : index
      %get3A_700 = tpu.vector_load %arg6[%get3A_699] {strides = array<i32>} : memref<384xi32, #tpu.memory_space<vmem>>, vector<16xi32>,
      %get3A_701 = vector.shape_cast %get3A_700 : vector<16xi32> to vector<16xi32>
      %eq3A_702 = arith.constant 1 : i32
      %eq3A_703 = vector.broadcast %eq3A_702 : i32 to vector<16xi32>
      %eq3A_704 = arith.cmpi eq, %get3A_701, %eq3A_703 : vector<16xi32>
      %lt3A_705 = arith.constant 0 : i32
      %lt3A_706 = vector.broadcast %lt3A_705 : i32 to vector<16xi32>
      %lt3A_707 = arith.cmpi slt, %get3A_695, %lt3A_706 : vector<16xi32>
      %add3A_708 = arith.constant 16 : i32
      %add3A_709 = vector.broadcast %add3A_708 : i32 to vector<16xi32>
      %add3A_710 = arith.addi %get3A_695, %add3A_709 : vector<16xi32>
      %select_n3A_711 = arith.select %lt3A_707, %add3A_710, %get3A_695 : vector<16xi1>, vector<16xi32>
      %broadcast_in_dim3A_712 = vector.shape_cast %select_n3A_711 : vector<16xi32> to vector<16x1xi32>
      %gather3A_713 = vector.shape_cast %broadcast_in_dim3A_712 : vector<16x1xi32> to vector<16xi32>
      %gather3A_714 = tpu.dynamic_gather %get3A_1[%gather3A_713] in [0] : vector<16xf32>, vector<16xi32> -> vector<16xf32>
      %lt3A_715 = arith.constant 0 : i32
      %lt3A_716 = vector.broadcast %lt3A_715 : i32 to vector<16xi32>
      %lt3A_717 = arith.cmpi slt, %get3A_698, %lt3A_716 : vector<16xi32>
      %add3A_718 = arith.constant 16 : i32
      %add3A_719 = vector.broadcast %add3A_718 : i32 to vector<16xi32>
      %add3A_720 = arith.addi %get3A_698, %add3A_719 : vector<16xi32>
      %select_n3A_721 = arith.select %lt3A_717, %add3A_720, %get3A_698 : vector<16xi1>, vector<16xi32>
      %broadcast_in_dim3A_722 = vector.shape_cast %select_n3A_721 : vector<16xi32> to vector<16x1xi32>
      %gather3A_723 = vector.shape_cast %broadcast_in_dim3A_722 : vector<16x1xi32> to vector<16xi32>
      %gather3A_724 = tpu.dynamic_gather %get3A_4[%gather3A_723] in [0] : vector<16xf32>, vector<16xi32> -> vector<16xf32>
      %select_n3A_725 = arith.select %eq3A_704, %gather3A_714, %gather3A_724 : vector<16xi1>, vector<16xf32>
      %swap3A_726 = arith.constant 2112 : index
      %swap3A_727 = tpu.vector_load %arg7[%swap3A_726] {strides = array<i32>} : memref<2304xf32, #tpu.memory_space<vmem>>, vector<16xf32>,
      %swap3A_728 = vector.shape_cast %swap3A_727 : vector<16xf32> to vector<16xf32>
      %swap3A_729 = vector.shape_cast %select_n3A_725 : vector<16xf32> to vector<16xf32>
      tpu.vector_store %arg7[%swap3A_726], %swap3A_729 {strides = array<i32>} : memref<2304xf32, #tpu.memory_space<vmem>>, vector<16xf32>,
      %get3A_730 = arith.constant 240 : index
      %get3A_731 = tpu.vector_load %arg6[%get3A_730] {strides = array<i32>} : memref<384xi32, #tpu.memory_space<vmem>>, vector<16xi32>,
      %get3A_732 = vector.shape_cast %get3A_731 : vector<16xi32> to vector<16xi32>
      %get3A_733 = arith.constant 256 : index
      %get3A_734 = tpu.vector_load %arg6[%get3A_733] {strides = array<i32>} : memref<384xi32, #tpu.memory_space<vmem>>, vector<16xi32>,
      %get3A_735 = vector.shape_cast %get3A_734 : vector<16xi32> to vector<16xi32>
      %get3A_736 = arith.constant 272 : index
      %get3A_737 = tpu.vector_load %arg6[%get3A_736] {strides = array<i32>} : memref<384xi32, #tpu.memory_space<vmem>>, vector<16xi32>,
      %get3A_738 = vector.shape_cast %get3A_737 : vector<16xi32> to vector<16xi32>
      %eq3A_739 = arith.constant 1 : i32
      %eq3A_740 = vector.broadcast %eq3A_739 : i32 to vector<16xi32>
      %eq3A_741 = arith.cmpi eq, %get3A_738, %eq3A_740 : vector<16xi32>
      %lt3A_742 = arith.constant 0 : i32
      %lt3A_743 = vector.broadcast %lt3A_742 : i32 to vector<16xi32>
      %lt3A_744 = arith.cmpi slt, %get3A_732, %lt3A_743 : vector<16xi32>
      %add3A_745 = arith.constant 16 : i32
      %add3A_746 = vector.broadcast %add3A_745 : i32 to vector<16xi32>
      %add3A_747 = arith.addi %get3A_732, %add3A_746 : vector<16xi32>
      %select_n3A_748 = arith.select %lt3A_744, %add3A_747, %get3A_732 : vector<16xi1>, vector<16xi32>
      %broadcast_in_dim3A_749 = vector.shape_cast %select_n3A_748 : vector<16xi32> to vector<16x1xi32>
      %gather3A_750 = vector.shape_cast %broadcast_in_dim3A_749 : vector<16x1xi32> to vector<16xi32>
      %gather3A_751 = tpu.dynamic_gather %get3A_1[%gather3A_750] in [0] : vector<16xf32>, vector<16xi32> -> vector<16xf32>
      %lt3A_752 = arith.constant 0 : i32
      %lt3A_753 = vector.broadcast %lt3A_752 : i32 to vector<16xi32>
      %lt3A_754 = arith.cmpi slt, %get3A_735, %lt3A_753 : vector<16xi32>
      %add3A_755 = arith.constant 16 : i32
      %add3A_756 = vector.broadcast %add3A_755 : i32 to vector<16xi32>
      %add3A_757 = arith.addi %get3A_735, %add3A_756 : vector<16xi32>
      %select_n3A_758 = arith.select %lt3A_754, %add3A_757, %get3A_735 : vector<16xi1>, vector<16xi32>
      %broadcast_in_dim3A_759 = vector.shape_cast %select_n3A_758 : vector<16xi32> to vector<16x1xi32>
      %gather3A_760 = vector.shape_cast %broadcast_in_dim3A_759 : vector<16x1xi32> to vector<16xi32>
      %gather3A_761 = tpu.dynamic_gather %get3A_4[%gather3A_760] in [0] : vector<16xf32>, vector<16xi32> -> vector<16xf32>
      %select_n3A_762 = arith.select %eq3A_741, %gather3A_751, %gather3A_761 : vector<16xi1>, vector<16xf32>
      %swap3A_763 = arith.constant 2128 : index
      %swap3A_764 = tpu.vector_load %arg7[%swap3A_763] {strides = array<i32>} : memref<2304xf32, #tpu.memory_space<vmem>>, vector<16xf32>,
      %swap3A_765 = vector.shape_cast %swap3A_764 : vector<16xf32> to vector<16xf32>
      %swap3A_766 = vector.shape_cast %select_n3A_762 : vector<16xf32> to vector<16xf32>
      tpu.vector_store %arg7[%swap3A_763], %swap3A_766 {strides = array<i32>} : memref<2304xf32, #tpu.memory_space<vmem>>, vector<16xf32>,
      %get3A_767 = arith.constant 288 : index
      %get3A_768 = tpu.vector_load %arg6[%get3A_767] {strides = array<i32>} : memref<384xi32, #tpu.memory_space<vmem>>, vector<16xi32>,
      %get3A_769 = vector.shape_cast %get3A_768 : vector<16xi32> to vector<16xi32>
      %get3A_770 = arith.constant 304 : index
      %get3A_771 = tpu.vector_load %arg6[%get3A_770] {strides = array<i32>} : memref<384xi32, #tpu.memory_space<vmem>>, vector<16xi32>,
      %get3A_772 = vector.shape_cast %get3A_771 : vector<16xi32> to vector<16xi32>
      %get3A_773 = arith.constant 320 : index
      %get3A_774 = tpu.vector_load %arg6[%get3A_773] {strides = array<i32>} : memref<384xi32, #tpu.memory_space<vmem>>, vector<16xi32>,
      %get3A_775 = vector.shape_cast %get3A_774 : vector<16xi32> to vector<16xi32>
      %eq3A_776 = arith.constant 1 : i32
      %eq3A_777 = vector.broadcast %eq3A_776 : i32 to vector<16xi32>
      %eq3A_778 = arith.cmpi eq, %get3A_775, %eq3A_777 : vector<16xi32>
      %lt3A_779 = arith.constant 0 : i32
      %lt3A_780 = vector.broadcast %lt3A_779 : i32 to vector<16xi32>
      %lt3A_781 = arith.cmpi slt, %get3A_769, %lt3A_780 : vector<16xi32>
      %add3A_782 = arith.constant 16 : i32
      %add3A_783 = vector.broadcast %add3A_782 : i32 to vector<16xi32>
      %add3A_784 = arith.addi %get3A_769, %add3A_783 : vector<16xi32>
      %select_n3A_785 = arith.select %lt3A_781, %add3A_784, %get3A_769 : vector<16xi1>, vector<16xi32>
      %broadcast_in_dim3A_786 = vector.shape_cast %select_n3A_785 : vector<16xi32> to vector<16x1xi32>
      %gather3A_787 = vector.shape_cast %broadcast_in_dim3A_786 : vector<16x1xi32> to vector<16xi32>
      %gather3A_788 = tpu.dynamic_gather %get3A_1[%gather3A_787] in [0] : vector<16xf32>, vector<16xi32> -> vector<16xf32>
      %lt3A_789 = arith.constant 0 : i32
      %lt3A_790 = vector.broadcast %lt3A_789 : i32 to vector<16xi32>
      %lt3A_791 = arith.cmpi slt, %get3A_772, %lt3A_790 : vector<16xi32>
      %add3A_792 = arith.constant 16 : i32
      %add3A_793 = vector.broadcast %add3A_792 : i32 to vector<16xi32>
      %add3A_794 = arith.addi %get3A_772, %add3A_793 : vector<16xi32>
      %select_n3A_795 = arith.select %lt3A_791, %add3A_794, %get3A_772 : vector<16xi1>, vector<16xi32>
      %broadcast_in_dim3A_796 = vector.shape_cast %select_n3A_795 : vector<16xi32> to vector<16x1xi32>
      %gather3A_797 = vector.shape_cast %broadcast_in_dim3A_796 : vector<16x1xi32> to vector<16xi32>
      %gather3A_798 = tpu.dynamic_gather %get3A_4[%gather3A_797] in [0] : vector<16xf32>, vector<16xi32> -> vector<16xf32>
      %select_n3A_799 = arith.select %eq3A_778, %gather3A_788, %gather3A_798 : vector<16xi1>, vector<16xf32>
      %swap3A_800 = arith.constant 2144 : index
      %swap3A_801 = tpu.vector_load %arg7[%swap3A_800] {strides = array<i32>} : memref<2304xf32, #tpu.memory_space<vmem>>, vector<16xf32>,
      %swap3A_802 = vector.shape_cast %swap3A_801 : vector<16xf32> to vector<16xf32>
      %swap3A_803 = vector.shape_cast %select_n3A_799 : vector<16xf32> to vector<16xf32>
      tpu.vector_store %arg7[%swap3A_800], %swap3A_803 {strides = array<i32>} : memref<2304xf32, #tpu.memory_space<vmem>>, vector<16xf32>,
      %get3A_804 = arith.constant 336 : index
      %get3A_805 = tpu.vector_load %arg6[%get3A_804] {strides = array<i32>} : memref<384xi32, #tpu.memory_space<vmem>>, vector<16xi32>,
      %get3A_806 = vector.shape_cast %get3A_805 : vector<16xi32> to vector<16xi32>
      %get3A_807 = arith.constant 352 : index
      %get3A_808 = tpu.vector_load %arg6[%get3A_807] {strides = array<i32>} : memref<384xi32, #tpu.memory_space<vmem>>, vector<16xi32>,
      %get3A_809 = vector.shape_cast %get3A_808 : vector<16xi32> to vector<16xi32>
      %get3A_810 = arith.constant 368 : index
      %get3A_811 = tpu.vector_load %arg6[%get3A_810] {strides = array<i32>} : memref<384xi32, #tpu.memory_space<vmem>>, vector<16xi32>,
      %get3A_812 = vector.shape_cast %get3A_811 : vector<16xi32> to vector<16xi32>
      %eq3A_813 = arith.constant 1 : i32
      %eq3A_814 = vector.broadcast %eq3A_813 : i32 to vector<16xi32>
      %eq3A_815 = arith.cmpi eq, %get3A_812, %eq3A_814 : vector<16xi32>
      %lt3A_816 = arith.constant 0 : i32
      %lt3A_817 = vector.broadcast %lt3A_816 : i32 to vector<16xi32>
      %lt3A_818 = arith.cmpi slt, %get3A_806, %lt3A_817 : vector<16xi32>
      %add3A_819 = arith.constant 16 : i32
      %add3A_820 = vector.broadcast %add3A_819 : i32 to vector<16xi32>
      %add3A_821 = arith.addi %get3A_806, %add3A_820 : vector<16xi32>
      %select_n3A_822 = arith.select %lt3A_818, %add3A_821, %get3A_806 : vector<16xi1>, vector<16xi32>
      %broadcast_in_dim3A_823 = vector.shape_cast %select_n3A_822 : vector<16xi32> to vector<16x1xi32>
      %gather3A_824 = vector.shape_cast %broadcast_in_dim3A_823 : vector<16x1xi32> to vector<16xi32>
      %gather3A_825 = tpu.dynamic_gather %get3A_1[%gather3A_824] in [0] : vector<16xf32>, vector<16xi32> -> vector<16xf32>
      %lt3A_826 = arith.constant 0 : i32
      %lt3A_827 = vector.broadcast %lt3A_826 : i32 to vector<16xi32>
      %lt3A_828 = arith.cmpi slt, %get3A_809, %lt3A_827 : vector<16xi32>
      %add3A_829 = arith.constant 16 : i32
      %add3A_830 = vector.broadcast %add3A_829 : i32 to vector<16xi32>
      %add3A_831 = arith.addi %get3A_809, %add3A_830 : vector<16xi32>
      %select_n3A_832 = arith.select %lt3A_828, %add3A_831, %get3A_809 : vector<16xi1>, vector<16xi32>
      %broadcast_in_dim3A_833 = vector.shape_cast %select_n3A_832 : vector<16xi32> to vector<16x1xi32>
      %gather3A_834 = vector.shape_cast %broadcast_in_dim3A_833 : vector<16x1xi32> to vector<16xi32>
      %gather3A_835 = tpu.dynamic_gather %get3A_4[%gather3A_834] in [0] : vector<16xf32>, vector<16xi32> -> vector<16xf32>
      %select_n3A_836 = arith.select %eq3A_815, %gather3A_825, %gather3A_835 : vector<16xi1>, vector<16xf32>
      %swap3A_837 = arith.constant 2160 : index
      %swap3A_838 = tpu.vector_load %arg7[%swap3A_837] {strides = array<i32>} : memref<2304xf32, #tpu.memory_space<vmem>>, vector<16xf32>,
      %swap3A_839 = vector.shape_cast %swap3A_838 : vector<16xf32> to vector<16xf32>
      %swap3A_840 = vector.shape_cast %select_n3A_836 : vector<16xf32> to vector<16xf32>
      tpu.vector_store %arg7[%swap3A_837], %swap3A_840 {strides = array<i32>} : memref<2304xf32, #tpu.memory_space<vmem>>, vector<16xf32>,
      %swap3A_841 = arith.constant 2176 : index
      %swap3A_842 = tpu.vector_load %arg7[%swap3A_841] {strides = array<i32>} : memref<2304xf32, #tpu.memory_space<vmem>>, vector<16xf32>,
      %swap3A_843 = vector.shape_cast %swap3A_842 : vector<16xf32> to vector<16xf32>
      %swap3A_844 = vector.shape_cast %gather3A_11 : vector<16xf32> to vector<16xf32>
      tpu.vector_store %arg7[%swap3A_841], %swap3A_844 {strides = array<i32>} : memref<2304xf32, #tpu.memory_space<vmem>>, vector<16xf32>,
      %swap3A_845 = arith.constant 2192 : index
      %swap3A_846 = tpu.vector_load %arg7[%swap3A_845] {strides = array<i32>} : memref<2304xf32, #tpu.memory_space<vmem>>, vector<16xf32>,
      %swap3A_847 = vector.shape_cast %swap3A_846 : vector<16xf32> to vector<16xf32>
      %swap3A_848 = vector.shape_cast %gather3A_11 : vector<16xf32> to vector<16xf32>
      tpu.vector_store %arg7[%swap3A_845], %swap3A_848 {strides = array<i32>} : memref<2304xf32, #tpu.memory_space<vmem>>, vector<16xf32>,
      %swap3A_849 = arith.constant 2208 : index
      %swap3A_850 = tpu.vector_load %arg7[%swap3A_849] {strides = array<i32>} : memref<2304xf32, #tpu.memory_space<vmem>>, vector<16xf32>,
      %swap3A_851 = vector.shape_cast %swap3A_850 : vector<16xf32> to vector<16xf32>
      %swap3A_852 = vector.shape_cast %gather3A_11 : vector<16xf32> to vector<16xf32>
      tpu.vector_store %arg7[%swap3A_849], %swap3A_852 {strides = array<i32>} : memref<2304xf32, #tpu.memory_space<vmem>>, vector<16xf32>,
      %swap3A_853 = arith.constant 2224 : index
      %swap3A_854 = tpu.vector_load %arg7[%swap3A_853] {strides = array<i32>} : memref<2304xf32, #tpu.memory_space<vmem>>, vector<16xf32>,
      %swap3A_855 = vector.shape_cast %swap3A_854 : vector<16xf32> to vector<16xf32>
      %swap3A_856 = vector.shape_cast %gather3A_11 : vector<16xf32> to vector<16xf32>
      tpu.vector_store %arg7[%swap3A_853], %swap3A_856 {strides = array<i32>} : memref<2304xf32, #tpu.memory_space<vmem>>, vector<16xf32>,
      %swap3A_857 = arith.constant 2240 : index
      %swap3A_858 = tpu.vector_load %arg7[%swap3A_857] {strides = array<i32>} : memref<2304xf32, #tpu.memory_space<vmem>>, vector<16xf32>,
      %swap3A_859 = vector.shape_cast %swap3A_858 : vector<16xf32> to vector<16xf32>
      %swap3A_860 = vector.shape_cast %gather3A_11 : vector<16xf32> to vector<16xf32>
      tpu.vector_store %arg7[%swap3A_857], %swap3A_860 {strides = array<i32>} : memref<2304xf32, #tpu.memory_space<vmem>>, vector<16xf32>,
      %swap3A_861 = arith.constant 2256 : index
      %swap3A_862 = tpu.vector_load %arg7[%swap3A_861] {strides = array<i32>} : memref<2304xf32, #tpu.memory_space<vmem>>, vector<16xf32>,
      %swap3A_863 = vector.shape_cast %swap3A_862 : vector<16xf32> to vector<16xf32>
      %swap3A_864 = vector.shape_cast %gather3A_11 : vector<16xf32> to vector<16xf32>
      tpu.vector_store %arg7[%swap3A_861], %swap3A_864 {strides = array<i32>} : memref<2304xf32, #tpu.memory_space<vmem>>, vector<16xf32>,
      %swap3A_865 = arith.constant 2272 : index
      %swap3A_866 = tpu.vector_load %arg7[%swap3A_865] {strides = array<i32>} : memref<2304xf32, #tpu.memory_space<vmem>>, vector<16xf32>,
      %swap3A_867 = vector.shape_cast %swap3A_866 : vector<16xf32> to vector<16xf32>
      %swap3A_868 = vector.shape_cast %gather3A_11 : vector<16xf32> to vector<16xf32>
      tpu.vector_store %arg7[%swap3A_865], %swap3A_868 {strides = array<i32>} : memref<2304xf32, #tpu.memory_space<vmem>>, vector<16xf32>,
      %swap3A_869 = arith.constant 2288 : index
      %swap3A_870 = tpu.vector_load %arg7[%swap3A_869] {strides = array<i32>} : memref<2304xf32, #tpu.memory_space<vmem>>, vector<16xf32>,
      %swap3A_871 = vector.shape_cast %swap3A_870 : vector<16xf32> to vector<16xf32>
      %swap3A_872 = vector.shape_cast %gather3A_11 : vector<16xf32> to vector<16xf32>
      tpu.vector_store %arg7[%swap3A_869], %swap3A_872 {strides = array<i32>} : memref<2304xf32, #tpu.memory_space<vmem>>, vector<16xf32>,
    } else {
    }
    %eq3A_27 = arith.constant 1 : i32
    %eq3A_28 = arith.cmpi eq, %arg0, %eq3A_27 : i32
    %convert_element_type3A_29 = arith.extui %eq3A_28 : i1 to i32
    %cond3A_30 = arith.constant 0 : i32
    %cond3A_31 = arith.cmpi ne, %convert_element_type3A_29, %cond3A_30 : i32
    scf.if %cond3A_31 {
      %swap3A = arith.constant 0 : index
      %swap3A_34 = tpu.vector_load %arg7[%swap3A] {strides = array<i32>} : memref<2304xf32, #tpu.memory_space<vmem>>, vector<16xf32>,
      %swap3A_35 = vector.shape_cast %swap3A_34 : vector<16xf32> to vector<16xf32>
      %swap3A_36 = vector.shape_cast %gather3A_11 : vector<16xf32> to vector<16xf32>
      tpu.vector_store %arg7[%swap3A], %swap3A_36 {strides = array<i32>} : memref<2304xf32, #tpu.memory_space<vmem>>, vector<16xf32>,
      %swap3A_37 = arith.constant 16 : index
      %swap3A_38 = tpu.vector_load %arg7[%swap3A_37] {strides = array<i32>} : memref<2304xf32, #tpu.memory_space<vmem>>, vector<16xf32>,
      %swap3A_39 = vector.shape_cast %swap3A_38 : vector<16xf32> to vector<16xf32>
      %swap3A_40 = vector.shape_cast %gather3A_11 : vector<16xf32> to vector<16xf32>
      tpu.vector_store %arg7[%swap3A_37], %swap3A_40 {strides = array<i32>} : memref<2304xf32, #tpu.memory_space<vmem>>, vector<16xf32>,
      %swap3A_41 = arith.constant 32 : index
      %swap3A_42 = tpu.vector_load %arg7[%swap3A_41] {strides = array<i32>} : memref<2304xf32, #tpu.memory_space<vmem>>, vector<16xf32>,
      %swap3A_43 = vector.shape_cast %swap3A_42 : vector<16xf32> to vector<16xf32>
      %swap3A_44 = vector.shape_cast %gather3A_11 : vector<16xf32> to vector<16xf32>
      tpu.vector_store %arg7[%swap3A_41], %swap3A_44 {strides = array<i32>} : memref<2304xf32, #tpu.memory_space<vmem>>, vector<16xf32>,
      %swap3A_45 = arith.constant 48 : index
      %swap3A_46 = tpu.vector_load %arg7[%swap3A_45] {strides = array<i32>} : memref<2304xf32, #tpu.memory_space<vmem>>, vector<16xf32>,
      %swap3A_47 = vector.shape_cast %swap3A_46 : vector<16xf32> to vector<16xf32>
      %swap3A_48 = vector.shape_cast %gather3A_11 : vector<16xf32> to vector<16xf32>
      tpu.vector_store %arg7[%swap3A_45], %swap3A_48 {strides = array<i32>} : memref<2304xf32, #tpu.memory_space<vmem>>, vector<16xf32>,
      %swap3A_49 = arith.constant 64 : index
      %swap3A_50 = tpu.vector_load %arg7[%swap3A_49] {strides = array<i32>} : memref<2304xf32, #tpu.memory_space<vmem>>, vector<16xf32>,
      %swap3A_51 = vector.shape_cast %swap3A_50 : vector<16xf32> to vector<16xf32>
      %swap3A_52 = vector.shape_cast %gather3A_11 : vector<16xf32> to vector<16xf32>
      tpu.vector_store %arg7[%swap3A_49], %swap3A_52 {strides = array<i32>} : memref<2304xf32, #tpu.memory_space<vmem>>, vector<16xf32>,
      %swap3A_53 = arith.constant 80 : index
      %swap3A_54 = tpu.vector_load %arg7[%swap3A_53] {strides = array<i32>} : memref<2304xf32, #tpu.memory_space<vmem>>, vector<16xf32>,
      %swap3A_55 = vector.shape_cast %swap3A_54 : vector<16xf32> to vector<16xf32>
      %swap3A_56 = vector.shape_cast %gather3A_11 : vector<16xf32> to vector<16xf32>
      tpu.vector_store %arg7[%swap3A_53], %swap3A_56 {strides = array<i32>} : memref<2304xf32, #tpu.memory_space<vmem>>, vector<16xf32>,
      %swap3A_57 = arith.constant 96 : index
      %swap3A_58 = tpu.vector_load %arg7[%swap3A_57] {strides = array<i32>} : memref<2304xf32, #tpu.memory_space<vmem>>, vector<16xf32>,
      %swap3A_59 = vector.shape_cast %swap3A_58 : vector<16xf32> to vector<16xf32>
      %swap3A_60 = vector.shape_cast %gather3A_11 : vector<16xf32> to vector<16xf32>
      tpu.vector_store %arg7[%swap3A_57], %swap3A_60 {strides = array<i32>} : memref<2304xf32, #tpu.memory_space<vmem>>, vector<16xf32>,
      %swap3A_61 = arith.constant 112 : index
      %swap3A_62 = tpu.vector_load %arg7[%swap3A_61] {strides = array<i32>} : memref<2304xf32, #tpu.memory_space<vmem>>, vector<16xf32>,
      %swap3A_63 = vector.shape_cast %swap3A_62 : vector<16xf32> to vector<16xf32>
      %swap3A_64 = vector.shape_cast %gather3A_11 : vector<16xf32> to vector<16xf32>
      tpu.vector_store %arg7[%swap3A_61], %swap3A_64 {strides = array<i32>} : memref<2304xf32, #tpu.memory_space<vmem>>, vector<16xf32>,
      %swap3A_65 = arith.constant 128 : index
      %swap3A_66 = tpu.vector_load %arg7[%swap3A_65] {strides = array<i32>} : memref<2304xf32, #tpu.memory_space<vmem>>, vector<16xf32>,
      %swap3A_67 = vector.shape_cast %swap3A_66 : vector<16xf32> to vector<16xf32>
      %swap3A_68 = vector.shape_cast %gather3A_11 : vector<16xf32> to vector<16xf32>
      tpu.vector_store %arg7[%swap3A_65], %swap3A_68 {strides = array<i32>} : memref<2304xf32, #tpu.memory_space<vmem>>, vector<16xf32>,
      %swap3A_69 = arith.constant 144 : index
      %swap3A_70 = tpu.vector_load %arg7[%swap3A_69] {strides = array<i32>} : memref<2304xf32, #tpu.memory_space<vmem>>, vector<16xf32>,
      %swap3A_71 = vector.shape_cast %swap3A_70 : vector<16xf32> to vector<16xf32>
      %swap3A_72 = vector.shape_cast %gather3A_11 : vector<16xf32> to vector<16xf32>
      tpu.vector_store %arg7[%swap3A_69], %swap3A_72 {strides = array<i32>} : memref<2304xf32, #tpu.memory_space<vmem>>, vector<16xf32>,
      %swap3A_73 = arith.constant 160 : index
      %swap3A_74 = tpu.vector_load %arg7[%swap3A_73] {strides = array<i32>} : memref<2304xf32, #tpu.memory_space<vmem>>, vector<16xf32>,
      %swap3A_75 = vector.shape_cast %swap3A_74 : vector<16xf32> to vector<16xf32>
      %swap3A_76 = vector.shape_cast %gather3A_11 : vector<16xf32> to vector<16xf32>
      tpu.vector_store %arg7[%swap3A_73], %swap3A_76 {strides = array<i32>} : memref<2304xf32, #tpu.memory_space<vmem>>, vector<16xf32>,
      %swap3A_77 = arith.constant 176 : index
      %swap3A_78 = tpu.vector_load %arg7[%swap3A_77] {strides = array<i32>} : memref<2304xf32, #tpu.memory_space<vmem>>, vector<16xf32>,
      %swap3A_79 = vector.shape_cast %swap3A_78 : vector<16xf32> to vector<16xf32>
      %swap3A_80 = vector.shape_cast %gather3A_11 : vector<16xf32> to vector<16xf32>
      tpu.vector_store %arg7[%swap3A_77], %swap3A_80 {strides = array<i32>} : memref<2304xf32, #tpu.memory_space<vmem>>, vector<16xf32>,
      %swap3A_81 = arith.constant 192 : index
      %swap3A_82 = tpu.vector_load %arg7[%swap3A_81] {strides = array<i32>} : memref<2304xf32, #tpu.memory_space<vmem>>, vector<16xf32>,
      %swap3A_83 = vector.shape_cast %swap3A_82 : vector<16xf32> to vector<16xf32>
      %swap3A_84 = vector.shape_cast %gather3A_11 : vector<16xf32> to vector<16xf32>
      tpu.vector_store %arg7[%swap3A_81], %swap3A_84 {strides = array<i32>} : memref<2304xf32, #tpu.memory_space<vmem>>, vector<16xf32>,
      %swap3A_85 = arith.constant 208 : index
      %swap3A_86 = tpu.vector_load %arg7[%swap3A_85] {strides = array<i32>} : memref<2304xf32, #tpu.memory_space<vmem>>, vector<16xf32>,
      %swap3A_87 = vector.shape_cast %swap3A_86 : vector<16xf32> to vector<16xf32>
      %swap3A_88 = vector.shape_cast %gather3A_11 : vector<16xf32> to vector<16xf32>
      tpu.vector_store %arg7[%swap3A_85], %swap3A_88 {strides = array<i32>} : memref<2304xf32, #tpu.memory_space<vmem>>, vector<16xf32>,
      %swap3A_89 = arith.constant 224 : index
      %swap3A_90 = tpu.vector_load %arg7[%swap3A_89] {strides = array<i32>} : memref<2304xf32, #tpu.memory_space<vmem>>, vector<16xf32>,
      %swap3A_91 = vector.shape_cast %swap3A_90 : vector<16xf32> to vector<16xf32>
      %swap3A_92 = vector.shape_cast %gather3A_11 : vector<16xf32> to vector<16xf32>
      tpu.vector_store %arg7[%swap3A_89], %swap3A_92 {strides = array<i32>} : memref<2304xf32, #tpu.memory_space<vmem>>, vector<16xf32>,
      %swap3A_93 = arith.constant 240 : index
      %swap3A_94 = tpu.vector_load %arg7[%swap3A_93] {strides = array<i32>} : memref<2304xf32, #tpu.memory_space<vmem>>, vector<16xf32>,
      %swap3A_95 = vector.shape_cast %swap3A_94 : vector<16xf32> to vector<16xf32>
      %swap3A_96 = vector.shape_cast %gather3A_11 : vector<16xf32> to vector<16xf32>
      tpu.vector_store %arg7[%swap3A_93], %swap3A_96 {strides = array<i32>} : memref<2304xf32, #tpu.memory_space<vmem>>, vector<16xf32>,
      %swap3A_97 = arith.constant 256 : index
      %swap3A_98 = tpu.vector_load %arg7[%swap3A_97] {strides = array<i32>} : memref<2304xf32, #tpu.memory_space<vmem>>, vector<16xf32>,
      %swap3A_99 = vector.shape_cast %swap3A_98 : vector<16xf32> to vector<16xf32>
      %swap3A_100 = vector.shape_cast %gather3A_11 : vector<16xf32> to vector<16xf32>
      tpu.vector_store %arg7[%swap3A_97], %swap3A_100 {strides = array<i32>} : memref<2304xf32, #tpu.memory_space<vmem>>, vector<16xf32>,
      %swap3A_101 = arith.constant 272 : index
      %swap3A_102 = tpu.vector_load %arg7[%swap3A_101] {strides = array<i32>} : memref<2304xf32, #tpu.memory_space<vmem>>, vector<16xf32>,
      %swap3A_103 = vector.shape_cast %swap3A_102 : vector<16xf32> to vector<16xf32>
      %swap3A_104 = vector.shape_cast %gather3A_11 : vector<16xf32> to vector<16xf32>
      tpu.vector_store %arg7[%swap3A_101], %swap3A_104 {strides = array<i32>} : memref<2304xf32, #tpu.memory_space<vmem>>, vector<16xf32>,
      %swap3A_105 = arith.constant 288 : index
      %swap3A_106 = tpu.vector_load %arg7[%swap3A_105] {strides = array<i32>} : memref<2304xf32, #tpu.memory_space<vmem>>, vector<16xf32>,
      %swap3A_107 = vector.shape_cast %swap3A_106 : vector<16xf32> to vector<16xf32>
      %swap3A_108 = vector.shape_cast %gather3A_11 : vector<16xf32> to vector<16xf32>
      tpu.vector_store %arg7[%swap3A_105], %swap3A_108 {strides = array<i32>} : memref<2304xf32, #tpu.memory_space<vmem>>, vector<16xf32>,
      %swap3A_109 = arith.constant 304 : index
      %swap3A_110 = tpu.vector_load %arg7[%swap3A_109] {strides = array<i32>} : memref<2304xf32, #tpu.memory_space<vmem>>, vector<16xf32>,
      %swap3A_111 = vector.shape_cast %swap3A_110 : vector<16xf32> to vector<16xf32>
      %swap3A_112 = vector.shape_cast %gather3A_11 : vector<16xf32> to vector<16xf32>
      tpu.vector_store %arg7[%swap3A_109], %swap3A_112 {strides = array<i32>} : memref<2304xf32, #tpu.memory_space<vmem>>, vector<16xf32>,
      %swap3A_113 = arith.constant 320 : index
      %swap3A_114 = tpu.vector_load %arg7[%swap3A_113] {strides = array<i32>} : memref<2304xf32, #tpu.memory_space<vmem>>, vector<16xf32>,
      %swap3A_115 = vector.shape_cast %swap3A_114 : vector<16xf32> to vector<16xf32>
      %swap3A_116 = vector.shape_cast %gather3A_11 : vector<16xf32> to vector<16xf32>
      tpu.vector_store %arg7[%swap3A_113], %swap3A_116 {strides = array<i32>} : memref<2304xf32, #tpu.memory_space<vmem>>, vector<16xf32>,
      %swap3A_117 = arith.constant 336 : index
      %swap3A_118 = tpu.vector_load %arg7[%swap3A_117] {strides = array<i32>} : memref<2304xf32, #tpu.memory_space<vmem>>, vector<16xf32>,
      %swap3A_119 = vector.shape_cast %swap3A_118 : vector<16xf32> to vector<16xf32>
      %swap3A_120 = vector.shape_cast %gather3A_11 : vector<16xf32> to vector<16xf32>
      tpu.vector_store %arg7[%swap3A_117], %swap3A_120 {strides = array<i32>} : memref<2304xf32, #tpu.memory_space<vmem>>, vector<16xf32>,
      %swap3A_121 = arith.constant 352 : index
      %swap3A_122 = tpu.vector_load %arg7[%swap3A_121] {strides = array<i32>} : memref<2304xf32, #tpu.memory_space<vmem>>, vector<16xf32>,
      %swap3A_123 = vector.shape_cast %swap3A_122 : vector<16xf32> to vector<16xf32>
      %swap3A_124 = vector.shape_cast %gather3A_11 : vector<16xf32> to vector<16xf32>
      tpu.vector_store %arg7[%swap3A_121], %swap3A_124 {strides = array<i32>} : memref<2304xf32, #tpu.memory_space<vmem>>, vector<16xf32>,
      %swap3A_125 = arith.constant 368 : index
      %swap3A_126 = tpu.vector_load %arg7[%swap3A_125] {strides = array<i32>} : memref<2304xf32, #tpu.memory_space<vmem>>, vector<16xf32>,
      %swap3A_127 = vector.shape_cast %swap3A_126 : vector<16xf32> to vector<16xf32>
      %swap3A_128 = vector.shape_cast %gather3A_11 : vector<16xf32> to vector<16xf32>
      tpu.vector_store %arg7[%swap3A_125], %swap3A_128 {strides = array<i32>} : memref<2304xf32, #tpu.memory_space<vmem>>, vector<16xf32>,
      %swap3A_129 = arith.constant 384 : index
      %swap3A_130 = tpu.vector_load %arg7[%swap3A_129] {strides = array<i32>} : memref<2304xf32, #tpu.memory_space<vmem>>, vector<16xf32>,
      %swap3A_131 = vector.shape_cast %swap3A_130 : vector<16xf32> to vector<16xf32>
      %swap3A_132 = vector.shape_cast %gather3A_11 : vector<16xf32> to vector<16xf32>
      tpu.vector_store %arg7[%swap3A_129], %swap3A_132 {strides = array<i32>} : memref<2304xf32, #tpu.memory_space<vmem>>, vector<16xf32>,
      %swap3A_133 = arith.constant 400 : index
      %swap3A_134 = tpu.vector_load %arg7[%swap3A_133] {strides = array<i32>} : memref<2304xf32, #tpu.memory_space<vmem>>, vector<16xf32>,
      %swap3A_135 = vector.shape_cast %swap3A_134 : vector<16xf32> to vector<16xf32>
      %swap3A_136 = vector.shape_cast %gather3A_11 : vector<16xf32> to vector<16xf32>
      tpu.vector_store %arg7[%swap3A_133], %swap3A_136 {strides = array<i32>} : memref<2304xf32, #tpu.memory_space<vmem>>, vector<16xf32>,
      %swap3A_137 = arith.constant 416 : index
      %swap3A_138 = tpu.vector_load %arg7[%swap3A_137] {strides = array<i32>} : memref<2304xf32, #tpu.memory_space<vmem>>, vector<16xf32>,
      %swap3A_139 = vector.shape_cast %swap3A_138 : vector<16xf32> to vector<16xf32>
      %swap3A_140 = vector.shape_cast %gather3A_11 : vector<16xf32> to vector<16xf32>
      tpu.vector_store %arg7[%swap3A_137], %swap3A_140 {strides = array<i32>} : memref<2304xf32, #tpu.memory_space<vmem>>, vector<16xf32>,
      %swap3A_141 = arith.constant 432 : index
      %swap3A_142 = tpu.vector_load %arg7[%swap3A_141] {strides = array<i32>} : memref<2304xf32, #tpu.memory_space<vmem>>, vector<16xf32>,
      %swap3A_143 = vector.shape_cast %swap3A_142 : vector<16xf32> to vector<16xf32>
      %swap3A_144 = vector.shape_cast %gather3A_11 : vector<16xf32> to vector<16xf32>
      tpu.vector_store %arg7[%swap3A_141], %swap3A_144 {strides = array<i32>} : memref<2304xf32, #tpu.memory_space<vmem>>, vector<16xf32>,
      %swap3A_145 = arith.constant 448 : index
      %swap3A_146 = tpu.vector_load %arg7[%swap3A_145] {strides = array<i32>} : memref<2304xf32, #tpu.memory_space<vmem>>, vector<16xf32>,
      %swap3A_147 = vector.shape_cast %swap3A_146 : vector<16xf32> to vector<16xf32>
      %swap3A_148 = vector.shape_cast %gather3A_11 : vector<16xf32> to vector<16xf32>
      tpu.vector_store %arg7[%swap3A_145], %swap3A_148 {strides = array<i32>} : memref<2304xf32, #tpu.memory_space<vmem>>, vector<16xf32>,
      %swap3A_149 = arith.constant 464 : index
      %swap3A_150 = tpu.vector_load %arg7[%swap3A_149] {strides = array<i32>} : memref<2304xf32, #tpu.memory_space<vmem>>, vector<16xf32>,
      %swap3A_151 = vector.shape_cast %swap3A_150 : vector<16xf32> to vector<16xf32>
      %swap3A_152 = vector.shape_cast %gather3A_11 : vector<16xf32> to vector<16xf32>
      tpu.vector_store %arg7[%swap3A_149], %swap3A_152 {strides = array<i32>} : memref<2304xf32, #tpu.memory_space<vmem>>, vector<16xf32>,
      %swap3A_153 = arith.constant 480 : index
      %swap3A_154 = tpu.vector_load %arg7[%swap3A_153] {strides = array<i32>} : memref<2304xf32, #tpu.memory_space<vmem>>, vector<16xf32>,
      %swap3A_155 = vector.shape_cast %swap3A_154 : vector<16xf32> to vector<16xf32>
      %swap3A_156 = vector.shape_cast %gather3A_11 : vector<16xf32> to vector<16xf32>
      tpu.vector_store %arg7[%swap3A_153], %swap3A_156 {strides = array<i32>} : memref<2304xf32, #tpu.memory_space<vmem>>, vector<16xf32>,
      %swap3A_157 = arith.constant 496 : index
      %swap3A_158 = tpu.vector_load %arg7[%swap3A_157] {strides = array<i32>} : memref<2304xf32, #tpu.memory_space<vmem>>, vector<16xf32>,
      %swap3A_159 = vector.shape_cast %swap3A_158 : vector<16xf32> to vector<16xf32>
      %swap3A_160 = vector.shape_cast %gather3A_11 : vector<16xf32> to vector<16xf32>
      tpu.vector_store %arg7[%swap3A_157], %swap3A_160 {strides = array<i32>} : memref<2304xf32, #tpu.memory_space<vmem>>, vector<16xf32>,
      %swap3A_161 = arith.constant 512 : index
      %swap3A_162 = tpu.vector_load %arg7[%swap3A_161] {strides = array<i32>} : memref<2304xf32, #tpu.memory_space<vmem>>, vector<16xf32>,
      %swap3A_163 = vector.shape_cast %swap3A_162 : vector<16xf32> to vector<16xf32>
      %swap3A_164 = vector.shape_cast %gather3A_11 : vector<16xf32> to vector<16xf32>
      tpu.vector_store %arg7[%swap3A_161], %swap3A_164 {strides = array<i32>} : memref<2304xf32, #tpu.memory_space<vmem>>, vector<16xf32>,
      %swap3A_165 = arith.constant 528 : index
      %swap3A_166 = tpu.vector_load %arg7[%swap3A_165] {strides = array<i32>} : memref<2304xf32, #tpu.memory_space<vmem>>, vector<16xf32>,
      %swap3A_167 = vector.shape_cast %swap3A_166 : vector<16xf32> to vector<16xf32>
      %swap3A_168 = vector.shape_cast %gather3A_11 : vector<16xf32> to vector<16xf32>
      tpu.vector_store %arg7[%swap3A_165], %swap3A_168 {strides = array<i32>} : memref<2304xf32, #tpu.memory_space<vmem>>, vector<16xf32>,
      %swap3A_169 = arith.constant 544 : index
      %swap3A_170 = tpu.vector_load %arg7[%swap3A_169] {strides = array<i32>} : memref<2304xf32, #tpu.memory_space<vmem>>, vector<16xf32>,
      %swap3A_171 = vector.shape_cast %swap3A_170 : vector<16xf32> to vector<16xf32>
      %swap3A_172 = vector.shape_cast %gather3A_11 : vector<16xf32> to vector<16xf32>
      tpu.vector_store %arg7[%swap3A_169], %swap3A_172 {strides = array<i32>} : memref<2304xf32, #tpu.memory_space<vmem>>, vector<16xf32>,
      %swap3A_173 = arith.constant 560 : index
      %swap3A_174 = tpu.vector_load %arg7[%swap3A_173] {strides = array<i32>} : memref<2304xf32, #tpu.memory_space<vmem>>, vector<16xf32>,
      %swap3A_175 = vector.shape_cast %swap3A_174 : vector<16xf32> to vector<16xf32>
      %swap3A_176 = vector.shape_cast %gather3A_11 : vector<16xf32> to vector<16xf32>
      tpu.vector_store %arg7[%swap3A_173], %swap3A_176 {strides = array<i32>} : memref<2304xf32, #tpu.memory_space<vmem>>, vector<16xf32>,
      %swap3A_177 = arith.constant 576 : index
      %swap3A_178 = tpu.vector_load %arg7[%swap3A_177] {strides = array<i32>} : memref<2304xf32, #tpu.memory_space<vmem>>, vector<16xf32>,
      %swap3A_179 = vector.shape_cast %swap3A_178 : vector<16xf32> to vector<16xf32>
      %swap3A_180 = vector.shape_cast %gather3A_11 : vector<16xf32> to vector<16xf32>
      tpu.vector_store %arg7[%swap3A_177], %swap3A_180 {strides = array<i32>} : memref<2304xf32, #tpu.memory_space<vmem>>, vector<16xf32>,
      %swap3A_181 = arith.constant 592 : index
      %swap3A_182 = tpu.vector_load %arg7[%swap3A_181] {strides = array<i32>} : memref<2304xf32, #tpu.memory_space<vmem>>, vector<16xf32>,
      %swap3A_183 = vector.shape_cast %swap3A_182 : vector<16xf32> to vector<16xf32>
      %swap3A_184 = vector.shape_cast %gather3A_11 : vector<16xf32> to vector<16xf32>
      tpu.vector_store %arg7[%swap3A_181], %swap3A_184 {strides = array<i32>} : memref<2304xf32, #tpu.memory_space<vmem>>, vector<16xf32>,
      %swap3A_185 = arith.constant 608 : index
      %swap3A_186 = tpu.vector_load %arg7[%swap3A_185] {strides = array<i32>} : memref<2304xf32, #tpu.memory_space<vmem>>, vector<16xf32>,
      %swap3A_187 = vector.shape_cast %swap3A_186 : vector<16xf32> to vector<16xf32>
      %swap3A_188 = vector.shape_cast %gather3A_11 : vector<16xf32> to vector<16xf32>
      tpu.vector_store %arg7[%swap3A_185], %swap3A_188 {strides = array<i32>} : memref<2304xf32, #tpu.memory_space<vmem>>, vector<16xf32>,
      %swap3A_189 = arith.constant 624 : index
      %swap3A_190 = tpu.vector_load %arg7[%swap3A_189] {strides = array<i32>} : memref<2304xf32, #tpu.memory_space<vmem>>, vector<16xf32>,
      %swap3A_191 = vector.shape_cast %swap3A_190 : vector<16xf32> to vector<16xf32>
      %swap3A_192 = vector.shape_cast %gather3A_11 : vector<16xf32> to vector<16xf32>
      tpu.vector_store %arg7[%swap3A_189], %swap3A_192 {strides = array<i32>} : memref<2304xf32, #tpu.memory_space<vmem>>, vector<16xf32>,
      %swap3A_193 = arith.constant 640 : index
      %swap3A_194 = tpu.vector_load %arg7[%swap3A_193] {strides = array<i32>} : memref<2304xf32, #tpu.memory_space<vmem>>, vector<16xf32>,
      %swap3A_195 = vector.shape_cast %swap3A_194 : vector<16xf32> to vector<16xf32>
      %swap3A_196 = vector.shape_cast %gather3A_11 : vector<16xf32> to vector<16xf32>
      tpu.vector_store %arg7[%swap3A_193], %swap3A_196 {strides = array<i32>} : memref<2304xf32, #tpu.memory_space<vmem>>, vector<16xf32>,
      %swap3A_197 = arith.constant 656 : index
      %swap3A_198 = tpu.vector_load %arg7[%swap3A_197] {strides = array<i32>} : memref<2304xf32, #tpu.memory_space<vmem>>, vector<16xf32>,
      %swap3A_199 = vector.shape_cast %swap3A_198 : vector<16xf32> to vector<16xf32>
      %swap3A_200 = vector.shape_cast %gather3A_11 : vector<16xf32> to vector<16xf32>
      tpu.vector_store %arg7[%swap3A_197], %swap3A_200 {strides = array<i32>} : memref<2304xf32, #tpu.memory_space<vmem>>, vector<16xf32>,
      %swap3A_201 = arith.constant 672 : index
      %swap3A_202 = tpu.vector_load %arg7[%swap3A_201] {strides = array<i32>} : memref<2304xf32, #tpu.memory_space<vmem>>, vector<16xf32>,
      %swap3A_203 = vector.shape_cast %swap3A_202 : vector<16xf32> to vector<16xf32>
      %swap3A_204 = vector.shape_cast %gather3A_11 : vector<16xf32> to vector<16xf32>
      tpu.vector_store %arg7[%swap3A_201], %swap3A_204 {strides = array<i32>} : memref<2304xf32, #tpu.memory_space<vmem>>, vector<16xf32>,
      %swap3A_205 = arith.constant 688 : index
      %swap3A_206 = tpu.vector_load %arg7[%swap3A_205] {strides = array<i32>} : memref<2304xf32, #tpu.memory_space<vmem>>, vector<16xf32>,
      %swap3A_207 = vector.shape_cast %swap3A_206 : vector<16xf32> to vector<16xf32>
      %swap3A_208 = vector.shape_cast %gather3A_11 : vector<16xf32> to vector<16xf32>
      tpu.vector_store %arg7[%swap3A_205], %swap3A_208 {strides = array<i32>} : memref<2304xf32, #tpu.memory_space<vmem>>, vector<16xf32>,
      %swap3A_209 = arith.constant 704 : index
      %swap3A_210 = tpu.vector_load %arg7[%swap3A_209] {strides = array<i32>} : memref<2304xf32, #tpu.memory_space<vmem>>, vector<16xf32>,
      %swap3A_211 = vector.shape_cast %swap3A_210 : vector<16xf32> to vector<16xf32>
      %swap3A_212 = vector.shape_cast %gather3A_11 : vector<16xf32> to vector<16xf32>
      tpu.vector_store %arg7[%swap3A_209], %swap3A_212 {strides = array<i32>} : memref<2304xf32, #tpu.memory_space<vmem>>, vector<16xf32>,
      %swap3A_213 = arith.constant 720 : index
      %swap3A_214 = tpu.vector_load %arg7[%swap3A_213] {strides = array<i32>} : memref<2304xf32, #tpu.memory_space<vmem>>, vector<16xf32>,
      %swap3A_215 = vector.shape_cast %swap3A_214 : vector<16xf32> to vector<16xf32>
      %swap3A_216 = vector.shape_cast %gather3A_11 : vector<16xf32> to vector<16xf32>
      tpu.vector_store %arg7[%swap3A_213], %swap3A_216 {strides = array<i32>} : memref<2304xf32, #tpu.memory_space<vmem>>, vector<16xf32>,
      %swap3A_217 = arith.constant 736 : index
      %swap3A_218 = tpu.vector_load %arg7[%swap3A_217] {strides = array<i32>} : memref<2304xf32, #tpu.memory_space<vmem>>, vector<16xf32>,
      %swap3A_219 = vector.shape_cast %swap3A_218 : vector<16xf32> to vector<16xf32>
      %swap3A_220 = vector.shape_cast %gather3A_11 : vector<16xf32> to vector<16xf32>
      tpu.vector_store %arg7[%swap3A_217], %swap3A_220 {strides = array<i32>} : memref<2304xf32, #tpu.memory_space<vmem>>, vector<16xf32>,
      %swap3A_221 = arith.constant 752 : index
      %swap3A_222 = tpu.vector_load %arg7[%swap3A_221] {strides = array<i32>} : memref<2304xf32, #tpu.memory_space<vmem>>, vector<16xf32>,
      %swap3A_223 = vector.shape_cast %swap3A_222 : vector<16xf32> to vector<16xf32>
      %swap3A_224 = vector.shape_cast %gather3A_11 : vector<16xf32> to vector<16xf32>
      tpu.vector_store %arg7[%swap3A_221], %swap3A_224 {strides = array<i32>} : memref<2304xf32, #tpu.memory_space<vmem>>, vector<16xf32>,
      %swap3A_225 = arith.constant 768 : index
      %swap3A_226 = tpu.vector_load %arg7[%swap3A_225] {strides = array<i32>} : memref<2304xf32, #tpu.memory_space<vmem>>, vector<16xf32>,
      %swap3A_227 = vector.shape_cast %swap3A_226 : vector<16xf32> to vector<16xf32>
      %swap3A_228 = vector.shape_cast %gather3A_11 : vector<16xf32> to vector<16xf32>
      tpu.vector_store %arg7[%swap3A_225], %swap3A_228 {strides = array<i32>} : memref<2304xf32, #tpu.memory_space<vmem>>, vector<16xf32>,
      %swap3A_229 = arith.constant 784 : index
      %swap3A_230 = tpu.vector_load %arg7[%swap3A_229] {strides = array<i32>} : memref<2304xf32, #tpu.memory_space<vmem>>, vector<16xf32>,
      %swap3A_231 = vector.shape_cast %swap3A_230 : vector<16xf32> to vector<16xf32>
      %swap3A_232 = vector.shape_cast %gather3A_11 : vector<16xf32> to vector<16xf32>
      tpu.vector_store %arg7[%swap3A_229], %swap3A_232 {strides = array<i32>} : memref<2304xf32, #tpu.memory_space<vmem>>, vector<16xf32>,
      %swap3A_233 = arith.constant 800 : index
      %swap3A_234 = tpu.vector_load %arg7[%swap3A_233] {strides = array<i32>} : memref<2304xf32, #tpu.memory_space<vmem>>, vector<16xf32>,
      %swap3A_235 = vector.shape_cast %swap3A_234 : vector<16xf32> to vector<16xf32>
      %swap3A_236 = vector.shape_cast %gather3A_11 : vector<16xf32> to vector<16xf32>
      tpu.vector_store %arg7[%swap3A_233], %swap3A_236 {strides = array<i32>} : memref<2304xf32, #tpu.memory_space<vmem>>, vector<16xf32>,
      %swap3A_237 = arith.constant 816 : index
      %swap3A_238 = tpu.vector_load %arg7[%swap3A_237] {strides = array<i32>} : memref<2304xf32, #tpu.memory_space<vmem>>, vector<16xf32>,
      %swap3A_239 = vector.shape_cast %swap3A_238 : vector<16xf32> to vector<16xf32>
      %swap3A_240 = vector.shape_cast %gather3A_11 : vector<16xf32> to vector<16xf32>
      tpu.vector_store %arg7[%swap3A_237], %swap3A_240 {strides = array<i32>} : memref<2304xf32, #tpu.memory_space<vmem>>, vector<16xf32>,
      %swap3A_241 = arith.constant 832 : index
      %swap3A_242 = tpu.vector_load %arg7[%swap3A_241] {strides = array<i32>} : memref<2304xf32, #tpu.memory_space<vmem>>, vector<16xf32>,
      %swap3A_243 = vector.shape_cast %swap3A_242 : vector<16xf32> to vector<16xf32>
      %swap3A_244 = vector.shape_cast %gather3A_11 : vector<16xf32> to vector<16xf32>
      tpu.vector_store %arg7[%swap3A_241], %swap3A_244 {strides = array<i32>} : memref<2304xf32, #tpu.memory_space<vmem>>, vector<16xf32>,
      %swap3A_245 = arith.constant 848 : index
      %swap3A_246 = tpu.vector_load %arg7[%swap3A_245] {strides = array<i32>} : memref<2304xf32, #tpu.memory_space<vmem>>, vector<16xf32>,
      %swap3A_247 = vector.shape_cast %swap3A_246 : vector<16xf32> to vector<16xf32>
      %swap3A_248 = vector.shape_cast %gather3A_11 : vector<16xf32> to vector<16xf32>
      tpu.vector_store %arg7[%swap3A_245], %swap3A_248 {strides = array<i32>} : memref<2304xf32, #tpu.memory_space<vmem>>, vector<16xf32>,
      %swap3A_249 = arith.constant 864 : index
      %swap3A_250 = tpu.vector_load %arg7[%swap3A_249] {strides = array<i32>} : memref<2304xf32, #tpu.memory_space<vmem>>, vector<16xf32>,
      %swap3A_251 = vector.shape_cast %swap3A_250 : vector<16xf32> to vector<16xf32>
      %swap3A_252 = vector.shape_cast %gather3A_11 : vector<16xf32> to vector<16xf32>
      tpu.vector_store %arg7[%swap3A_249], %swap3A_252 {strides = array<i32>} : memref<2304xf32, #tpu.memory_space<vmem>>, vector<16xf32>,
      %swap3A_253 = arith.constant 880 : index
      %swap3A_254 = tpu.vector_load %arg7[%swap3A_253] {strides = array<i32>} : memref<2304xf32, #tpu.memory_space<vmem>>, vector<16xf32>,
      %swap3A_255 = vector.shape_cast %swap3A_254 : vector<16xf32> to vector<16xf32>
      %swap3A_256 = vector.shape_cast %gather3A_11 : vector<16xf32> to vector<16xf32>
      tpu.vector_store %arg7[%swap3A_253], %swap3A_256 {strides = array<i32>} : memref<2304xf32, #tpu.memory_space<vmem>>, vector<16xf32>,
      %swap3A_257 = arith.constant 896 : index
      %swap3A_258 = tpu.vector_load %arg7[%swap3A_257] {strides = array<i32>} : memref<2304xf32, #tpu.memory_space<vmem>>, vector<16xf32>,
      %swap3A_259 = vector.shape_cast %swap3A_258 : vector<16xf32> to vector<16xf32>
      %swap3A_260 = vector.shape_cast %gather3A_11 : vector<16xf32> to vector<16xf32>
      tpu.vector_store %arg7[%swap3A_257], %swap3A_260 {strides = array<i32>} : memref<2304xf32, #tpu.memory_space<vmem>>, vector<16xf32>,
      %swap3A_261 = arith.constant 912 : index
      %swap3A_262 = tpu.vector_load %arg7[%swap3A_261] {strides = array<i32>} : memref<2304xf32, #tpu.memory_space<vmem>>, vector<16xf32>,
      %swap3A_263 = vector.shape_cast %swap3A_262 : vector<16xf32> to vector<16xf32>
      %swap3A_264 = vector.shape_cast %gather3A_11 : vector<16xf32> to vector<16xf32>
      tpu.vector_store %arg7[%swap3A_261], %swap3A_264 {strides = array<i32>} : memref<2304xf32, #tpu.memory_space<vmem>>, vector<16xf32>,
      %swap3A_265 = arith.constant 928 : index
      %swap3A_266 = tpu.vector_load %arg7[%swap3A_265] {strides = array<i32>} : memref<2304xf32, #tpu.memory_space<vmem>>, vector<16xf32>,
      %swap3A_267 = vector.shape_cast %swap3A_266 : vector<16xf32> to vector<16xf32>
      %swap3A_268 = vector.shape_cast %gather3A_11 : vector<16xf32> to vector<16xf32>
      tpu.vector_store %arg7[%swap3A_265], %swap3A_268 {strides = array<i32>} : memref<2304xf32, #tpu.memory_space<vmem>>, vector<16xf32>,
      %swap3A_269 = arith.constant 944 : index
      %swap3A_270 = tpu.vector_load %arg7[%swap3A_269] {strides = array<i32>} : memref<2304xf32, #tpu.memory_space<vmem>>, vector<16xf32>,
      %swap3A_271 = vector.shape_cast %swap3A_270 : vector<16xf32> to vector<16xf32>
      %swap3A_272 = vector.shape_cast %gather3A_11 : vector<16xf32> to vector<16xf32>
      tpu.vector_store %arg7[%swap3A_269], %swap3A_272 {strides = array<i32>} : memref<2304xf32, #tpu.memory_space<vmem>>, vector<16xf32>,
      %swap3A_273 = arith.constant 960 : index
      %swap3A_274 = tpu.vector_load %arg7[%swap3A_273] {strides = array<i32>} : memref<2304xf32, #tpu.memory_space<vmem>>, vector<16xf32>,
      %swap3A_275 = vector.shape_cast %swap3A_274 : vector<16xf32> to vector<16xf32>
      %swap3A_276 = vector.shape_cast %gather3A_11 : vector<16xf32> to vector<16xf32>
      tpu.vector_store %arg7[%swap3A_273], %swap3A_276 {strides = array<i32>} : memref<2304xf32, #tpu.memory_space<vmem>>, vector<16xf32>,
      %swap3A_277 = arith.constant 976 : index
      %swap3A_278 = tpu.vector_load %arg7[%swap3A_277] {strides = array<i32>} : memref<2304xf32, #tpu.memory_space<vmem>>, vector<16xf32>,
      %swap3A_279 = vector.shape_cast %swap3A_278 : vector<16xf32> to vector<16xf32>
      %swap3A_280 = vector.shape_cast %gather3A_11 : vector<16xf32> to vector<16xf32>
      tpu.vector_store %arg7[%swap3A_277], %swap3A_280 {strides = array<i32>} : memref<2304xf32, #tpu.memory_space<vmem>>, vector<16xf32>,
      %swap3A_281 = arith.constant 992 : index
      %swap3A_282 = tpu.vector_load %arg7[%swap3A_281] {strides = array<i32>} : memref<2304xf32, #tpu.memory_space<vmem>>, vector<16xf32>,
      %swap3A_283 = vector.shape_cast %swap3A_282 : vector<16xf32> to vector<16xf32>
      %swap3A_284 = vector.shape_cast %gather3A_11 : vector<16xf32> to vector<16xf32>
      tpu.vector_store %arg7[%swap3A_281], %swap3A_284 {strides = array<i32>} : memref<2304xf32, #tpu.memory_space<vmem>>, vector<16xf32>,
      %swap3A_285 = arith.constant 1008 : index
      %swap3A_286 = tpu.vector_load %arg7[%swap3A_285] {strides = array<i32>} : memref<2304xf32, #tpu.memory_space<vmem>>, vector<16xf32>,
      %swap3A_287 = vector.shape_cast %swap3A_286 : vector<16xf32> to vector<16xf32>
      %swap3A_288 = vector.shape_cast %gather3A_11 : vector<16xf32> to vector<16xf32>
      tpu.vector_store %arg7[%swap3A_285], %swap3A_288 {strides = array<i32>} : memref<2304xf32, #tpu.memory_space<vmem>>, vector<16xf32>,
      %swap3A_289 = arith.constant 1024 : index
      %swap3A_290 = tpu.vector_load %arg7[%swap3A_289] {strides = array<i32>} : memref<2304xf32, #tpu.memory_space<vmem>>, vector<16xf32>,
      %swap3A_291 = vector.shape_cast %swap3A_290 : vector<16xf32> to vector<16xf32>
      %swap3A_292 = vector.shape_cast %gather3A_11 : vector<16xf32> to vector<16xf32>
      tpu.vector_store %arg7[%swap3A_289], %swap3A_292 {strides = array<i32>} : memref<2304xf32, #tpu.memory_space<vmem>>, vector<16xf32>,
      %swap3A_293 = arith.constant 1040 : index
      %swap3A_294 = tpu.vector_load %arg7[%swap3A_293] {strides = array<i32>} : memref<2304xf32, #tpu.memory_space<vmem>>, vector<16xf32>,
      %swap3A_295 = vector.shape_cast %swap3A_294 : vector<16xf32> to vector<16xf32>
      %swap3A_296 = vector.shape_cast %gather3A_11 : vector<16xf32> to vector<16xf32>
      tpu.vector_store %arg7[%swap3A_293], %swap3A_296 {strides = array<i32>} : memref<2304xf32, #tpu.memory_space<vmem>>, vector<16xf32>,
      %swap3A_297 = arith.constant 1056 : index
      %swap3A_298 = tpu.vector_load %arg7[%swap3A_297] {strides = array<i32>} : memref<2304xf32, #tpu.memory_space<vmem>>, vector<16xf32>,
      %swap3A_299 = vector.shape_cast %swap3A_298 : vector<16xf32> to vector<16xf32>
      %swap3A_300 = vector.shape_cast %gather3A_11 : vector<16xf32> to vector<16xf32>
      tpu.vector_store %arg7[%swap3A_297], %swap3A_300 {strides = array<i32>} : memref<2304xf32, #tpu.memory_space<vmem>>, vector<16xf32>,
      %swap3A_301 = arith.constant 1072 : index
      %swap3A_302 = tpu.vector_load %arg7[%swap3A_301] {strides = array<i32>} : memref<2304xf32, #tpu.memory_space<vmem>>, vector<16xf32>,
      %swap3A_303 = vector.shape_cast %swap3A_302 : vector<16xf32> to vector<16xf32>
      %swap3A_304 = vector.shape_cast %gather3A_11 : vector<16xf32> to vector<16xf32>
      tpu.vector_store %arg7[%swap3A_301], %swap3A_304 {strides = array<i32>} : memref<2304xf32, #tpu.memory_space<vmem>>, vector<16xf32>,
      %swap3A_305 = arith.constant 1088 : index
      %swap3A_306 = tpu.vector_load %arg7[%swap3A_305] {strides = array<i32>} : memref<2304xf32, #tpu.memory_space<vmem>>, vector<16xf32>,
      %swap3A_307 = vector.shape_cast %swap3A_306 : vector<16xf32> to vector<16xf32>
      %swap3A_308 = vector.shape_cast %gather3A_11 : vector<16xf32> to vector<16xf32>
      tpu.vector_store %arg7[%swap3A_305], %swap3A_308 {strides = array<i32>} : memref<2304xf32, #tpu.memory_space<vmem>>, vector<16xf32>,
      %swap3A_309 = arith.constant 1104 : index
      %swap3A_310 = tpu.vector_load %arg7[%swap3A_309] {strides = array<i32>} : memref<2304xf32, #tpu.memory_space<vmem>>, vector<16xf32>,
      %swap3A_311 = vector.shape_cast %swap3A_310 : vector<16xf32> to vector<16xf32>
      %swap3A_312 = vector.shape_cast %gather3A_11 : vector<16xf32> to vector<16xf32>
      tpu.vector_store %arg7[%swap3A_309], %swap3A_312 {strides = array<i32>} : memref<2304xf32, #tpu.memory_space<vmem>>, vector<16xf32>,
      %swap3A_313 = arith.constant 1120 : index
      %swap3A_314 = tpu.vector_load %arg7[%swap3A_313] {strides = array<i32>} : memref<2304xf32, #tpu.memory_space<vmem>>, vector<16xf32>,
      %swap3A_315 = vector.shape_cast %swap3A_314 : vector<16xf32> to vector<16xf32>
      %swap3A_316 = vector.shape_cast %gather3A_11 : vector<16xf32> to vector<16xf32>
      tpu.vector_store %arg7[%swap3A_313], %swap3A_316 {strides = array<i32>} : memref<2304xf32, #tpu.memory_space<vmem>>, vector<16xf32>,
      %swap3A_317 = arith.constant 1136 : index
      %swap3A_318 = tpu.vector_load %arg7[%swap3A_317] {strides = array<i32>} : memref<2304xf32, #tpu.memory_space<vmem>>, vector<16xf32>,
      %swap3A_319 = vector.shape_cast %swap3A_318 : vector<16xf32> to vector<16xf32>
      %swap3A_320 = vector.shape_cast %gather3A_11 : vector<16xf32> to vector<16xf32>
      tpu.vector_store %arg7[%swap3A_317], %swap3A_320 {strides = array<i32>} : memref<2304xf32, #tpu.memory_space<vmem>>, vector<16xf32>,
      %swap3A_321 = arith.constant 1152 : index
      %swap3A_322 = tpu.vector_load %arg7[%swap3A_321] {strides = array<i32>} : memref<2304xf32, #tpu.memory_space<vmem>>, vector<16xf32>,
      %swap3A_323 = vector.shape_cast %swap3A_322 : vector<16xf32> to vector<16xf32>
      %swap3A_324 = vector.shape_cast %gather3A_11 : vector<16xf32> to vector<16xf32>
      tpu.vector_store %arg7[%swap3A_321], %swap3A_324 {strides = array<i32>} : memref<2304xf32, #tpu.memory_space<vmem>>, vector<16xf32>,
      %swap3A_325 = arith.constant 1168 : index
      %swap3A_326 = tpu.vector_load %arg7[%swap3A_325] {strides = array<i32>} : memref<2304xf32, #tpu.memory_space<vmem>>, vector<16xf32>,
      %swap3A_327 = vector.shape_cast %swap3A_326 : vector<16xf32> to vector<16xf32>
      %swap3A_328 = vector.shape_cast %gather3A_11 : vector<16xf32> to vector<16xf32>
      tpu.vector_store %arg7[%swap3A_325], %swap3A_328 {strides = array<i32>} : memref<2304xf32, #tpu.memory_space<vmem>>, vector<16xf32>,
      %swap3A_329 = arith.constant 1184 : index
      %swap3A_330 = tpu.vector_load %arg7[%swap3A_329] {strides = array<i32>} : memref<2304xf32, #tpu.memory_space<vmem>>, vector<16xf32>,
      %swap3A_331 = vector.shape_cast %swap3A_330 : vector<16xf32> to vector<16xf32>
      %swap3A_332 = vector.shape_cast %gather3A_11 : vector<16xf32> to vector<16xf32>
      tpu.vector_store %arg7[%swap3A_329], %swap3A_332 {strides = array<i32>} : memref<2304xf32, #tpu.memory_space<vmem>>, vector<16xf32>,
      %swap3A_333 = arith.constant 1200 : index
      %swap3A_334 = tpu.vector_load %arg7[%swap3A_333] {strides = array<i32>} : memref<2304xf32, #tpu.memory_space<vmem>>, vector<16xf32>,
      %swap3A_335 = vector.shape_cast %swap3A_334 : vector<16xf32> to vector<16xf32>
      %swap3A_336 = vector.shape_cast %gather3A_11 : vector<16xf32> to vector<16xf32>
      tpu.vector_store %arg7[%swap3A_333], %swap3A_336 {strides = array<i32>} : memref<2304xf32, #tpu.memory_space<vmem>>, vector<16xf32>,
      %swap3A_337 = arith.constant 1216 : index
      %swap3A_338 = tpu.vector_load %arg7[%swap3A_337] {strides = array<i32>} : memref<2304xf32, #tpu.memory_space<vmem>>, vector<16xf32>,
      %swap3A_339 = vector.shape_cast %swap3A_338 : vector<16xf32> to vector<16xf32>
      %swap3A_340 = vector.shape_cast %gather3A_11 : vector<16xf32> to vector<16xf32>
      tpu.vector_store %arg7[%swap3A_337], %swap3A_340 {strides = array<i32>} : memref<2304xf32, #tpu.memory_space<vmem>>, vector<16xf32>,
      %swap3A_341 = arith.constant 1232 : index
      %swap3A_342 = tpu.vector_load %arg7[%swap3A_341] {strides = array<i32>} : memref<2304xf32, #tpu.memory_space<vmem>>, vector<16xf32>,
      %swap3A_343 = vector.shape_cast %swap3A_342 : vector<16xf32> to vector<16xf32>
      %swap3A_344 = vector.shape_cast %gather3A_11 : vector<16xf32> to vector<16xf32>
      tpu.vector_store %arg7[%swap3A_341], %swap3A_344 {strides = array<i32>} : memref<2304xf32, #tpu.memory_space<vmem>>, vector<16xf32>,
      %swap3A_345 = arith.constant 1248 : index
      %swap3A_346 = tpu.vector_load %arg7[%swap3A_345] {strides = array<i32>} : memref<2304xf32, #tpu.memory_space<vmem>>, vector<16xf32>,
      %swap3A_347 = vector.shape_cast %swap3A_346 : vector<16xf32> to vector<16xf32>
      %swap3A_348 = vector.shape_cast %gather3A_11 : vector<16xf32> to vector<16xf32>
      tpu.vector_store %arg7[%swap3A_345], %swap3A_348 {strides = array<i32>} : memref<2304xf32, #tpu.memory_space<vmem>>, vector<16xf32>,
      %swap3A_349 = arith.constant 1264 : index
      %swap3A_350 = tpu.vector_load %arg7[%swap3A_349] {strides = array<i32>} : memref<2304xf32, #tpu.memory_space<vmem>>, vector<16xf32>,
      %swap3A_351 = vector.shape_cast %swap3A_350 : vector<16xf32> to vector<16xf32>
      %swap3A_352 = vector.shape_cast %gather3A_11 : vector<16xf32> to vector<16xf32>
      tpu.vector_store %arg7[%swap3A_349], %swap3A_352 {strides = array<i32>} : memref<2304xf32, #tpu.memory_space<vmem>>, vector<16xf32>,
      %swap3A_353 = arith.constant 1280 : index
      %swap3A_354 = tpu.vector_load %arg7[%swap3A_353] {strides = array<i32>} : memref<2304xf32, #tpu.memory_space<vmem>>, vector<16xf32>,
      %swap3A_355 = vector.shape_cast %swap3A_354 : vector<16xf32> to vector<16xf32>
      %swap3A_356 = vector.shape_cast %gather3A_11 : vector<16xf32> to vector<16xf32>
      tpu.vector_store %arg7[%swap3A_353], %swap3A_356 {strides = array<i32>} : memref<2304xf32, #tpu.memory_space<vmem>>, vector<16xf32>,
      %swap3A_357 = arith.constant 1296 : index
      %swap3A_358 = tpu.vector_load %arg7[%swap3A_357] {strides = array<i32>} : memref<2304xf32, #tpu.memory_space<vmem>>, vector<16xf32>,
      %swap3A_359 = vector.shape_cast %swap3A_358 : vector<16xf32> to vector<16xf32>
      %swap3A_360 = vector.shape_cast %gather3A_11 : vector<16xf32> to vector<16xf32>
      tpu.vector_store %arg7[%swap3A_357], %swap3A_360 {strides = array<i32>} : memref<2304xf32, #tpu.memory_space<vmem>>, vector<16xf32>,
      %swap3A_361 = arith.constant 1312 : index
      %swap3A_362 = tpu.vector_load %arg7[%swap3A_361] {strides = array<i32>} : memref<2304xf32, #tpu.memory_space<vmem>>, vector<16xf32>,
      %swap3A_363 = vector.shape_cast %swap3A_362 : vector<16xf32> to vector<16xf32>
      %swap3A_364 = vector.shape_cast %gather3A_11 : vector<16xf32> to vector<16xf32>
      tpu.vector_store %arg7[%swap3A_361], %swap3A_364 {strides = array<i32>} : memref<2304xf32, #tpu.memory_space<vmem>>, vector<16xf32>,
      %swap3A_365 = arith.constant 1328 : index
      %swap3A_366 = tpu.vector_load %arg7[%swap3A_365] {strides = array<i32>} : memref<2304xf32, #tpu.memory_space<vmem>>, vector<16xf32>,
      %swap3A_367 = vector.shape_cast %swap3A_366 : vector<16xf32> to vector<16xf32>
      %swap3A_368 = vector.shape_cast %gather3A_11 : vector<16xf32> to vector<16xf32>
      tpu.vector_store %arg7[%swap3A_365], %swap3A_368 {strides = array<i32>} : memref<2304xf32, #tpu.memory_space<vmem>>, vector<16xf32>,
      %swap3A_369 = arith.constant 1344 : index
      %swap3A_370 = tpu.vector_load %arg7[%swap3A_369] {strides = array<i32>} : memref<2304xf32, #tpu.memory_space<vmem>>, vector<16xf32>,
      %swap3A_371 = vector.shape_cast %swap3A_370 : vector<16xf32> to vector<16xf32>
      %swap3A_372 = vector.shape_cast %gather3A_11 : vector<16xf32> to vector<16xf32>
      tpu.vector_store %arg7[%swap3A_369], %swap3A_372 {strides = array<i32>} : memref<2304xf32, #tpu.memory_space<vmem>>, vector<16xf32>,
      %swap3A_373 = arith.constant 1360 : index
      %swap3A_374 = tpu.vector_load %arg7[%swap3A_373] {strides = array<i32>} : memref<2304xf32, #tpu.memory_space<vmem>>, vector<16xf32>,
      %swap3A_375 = vector.shape_cast %swap3A_374 : vector<16xf32> to vector<16xf32>
      %swap3A_376 = vector.shape_cast %gather3A_11 : vector<16xf32> to vector<16xf32>
      tpu.vector_store %arg7[%swap3A_373], %swap3A_376 {strides = array<i32>} : memref<2304xf32, #tpu.memory_space<vmem>>, vector<16xf32>,
      %swap3A_377 = arith.constant 1376 : index
      %swap3A_378 = tpu.vector_load %arg7[%swap3A_377] {strides = array<i32>} : memref<2304xf32, #tpu.memory_space<vmem>>, vector<16xf32>,
      %swap3A_379 = vector.shape_cast %swap3A_378 : vector<16xf32> to vector<16xf32>
      %swap3A_380 = vector.shape_cast %gather3A_11 : vector<16xf32> to vector<16xf32>
      tpu.vector_store %arg7[%swap3A_377], %swap3A_380 {strides = array<i32>} : memref<2304xf32, #tpu.memory_space<vmem>>, vector<16xf32>,
      %swap3A_381 = arith.constant 1392 : index
      %swap3A_382 = tpu.vector_load %arg7[%swap3A_381] {strides = array<i32>} : memref<2304xf32, #tpu.memory_space<vmem>>, vector<16xf32>,
      %swap3A_383 = vector.shape_cast %swap3A_382 : vector<16xf32> to vector<16xf32>
      %swap3A_384 = vector.shape_cast %gather3A_11 : vector<16xf32> to vector<16xf32>
      tpu.vector_store %arg7[%swap3A_381], %swap3A_384 {strides = array<i32>} : memref<2304xf32, #tpu.memory_space<vmem>>, vector<16xf32>,
      %swap3A_385 = arith.constant 1408 : index
      %swap3A_386 = tpu.vector_load %arg7[%swap3A_385] {strides = array<i32>} : memref<2304xf32, #tpu.memory_space<vmem>>, vector<16xf32>,
      %swap3A_387 = vector.shape_cast %swap3A_386 : vector<16xf32> to vector<16xf32>
      %swap3A_388 = vector.shape_cast %gather3A_11 : vector<16xf32> to vector<16xf32>
      tpu.vector_store %arg7[%swap3A_385], %swap3A_388 {strides = array<i32>} : memref<2304xf32, #tpu.memory_space<vmem>>, vector<16xf32>,
      %swap3A_389 = arith.constant 1424 : index
      %swap3A_390 = tpu.vector_load %arg7[%swap3A_389] {strides = array<i32>} : memref<2304xf32, #tpu.memory_space<vmem>>, vector<16xf32>,
      %swap3A_391 = vector.shape_cast %swap3A_390 : vector<16xf32> to vector<16xf32>
      %swap3A_392 = vector.shape_cast %gather3A_11 : vector<16xf32> to vector<16xf32>
      tpu.vector_store %arg7[%swap3A_389], %swap3A_392 {strides = array<i32>} : memref<2304xf32, #tpu.memory_space<vmem>>, vector<16xf32>,
      %swap3A_393 = arith.constant 1440 : index
      %swap3A_394 = tpu.vector_load %arg7[%swap3A_393] {strides = array<i32>} : memref<2304xf32, #tpu.memory_space<vmem>>, vector<16xf32>,
      %swap3A_395 = vector.shape_cast %swap3A_394 : vector<16xf32> to vector<16xf32>
      %swap3A_396 = vector.shape_cast %gather3A_11 : vector<16xf32> to vector<16xf32>
      tpu.vector_store %arg7[%swap3A_393], %swap3A_396 {strides = array<i32>} : memref<2304xf32, #tpu.memory_space<vmem>>, vector<16xf32>,
      %swap3A_397 = arith.constant 1456 : index
      %swap3A_398 = tpu.vector_load %arg7[%swap3A_397] {strides = array<i32>} : memref<2304xf32, #tpu.memory_space<vmem>>, vector<16xf32>,
      %swap3A_399 = vector.shape_cast %swap3A_398 : vector<16xf32> to vector<16xf32>
      %swap3A_400 = vector.shape_cast %gather3A_11 : vector<16xf32> to vector<16xf32>
      tpu.vector_store %arg7[%swap3A_397], %swap3A_400 {strides = array<i32>} : memref<2304xf32, #tpu.memory_space<vmem>>, vector<16xf32>,
      %swap3A_401 = arith.constant 1472 : index
      %swap3A_402 = tpu.vector_load %arg7[%swap3A_401] {strides = array<i32>} : memref<2304xf32, #tpu.memory_space<vmem>>, vector<16xf32>,
      %swap3A_403 = vector.shape_cast %swap3A_402 : vector<16xf32> to vector<16xf32>
      %swap3A_404 = vector.shape_cast %gather3A_11 : vector<16xf32> to vector<16xf32>
      tpu.vector_store %arg7[%swap3A_401], %swap3A_404 {strides = array<i32>} : memref<2304xf32, #tpu.memory_space<vmem>>, vector<16xf32>,
      %swap3A_405 = arith.constant 1488 : index
      %swap3A_406 = tpu.vector_load %arg7[%swap3A_405] {strides = array<i32>} : memref<2304xf32, #tpu.memory_space<vmem>>, vector<16xf32>,
      %swap3A_407 = vector.shape_cast %swap3A_406 : vector<16xf32> to vector<16xf32>
      %swap3A_408 = vector.shape_cast %gather3A_11 : vector<16xf32> to vector<16xf32>
      tpu.vector_store %arg7[%swap3A_405], %swap3A_408 {strides = array<i32>} : memref<2304xf32, #tpu.memory_space<vmem>>, vector<16xf32>,
      %swap3A_409 = arith.constant 1504 : index
      %swap3A_410 = tpu.vector_load %arg7[%swap3A_409] {strides = array<i32>} : memref<2304xf32, #tpu.memory_space<vmem>>, vector<16xf32>,
      %swap3A_411 = vector.shape_cast %swap3A_410 : vector<16xf32> to vector<16xf32>
      %swap3A_412 = vector.shape_cast %gather3A_11 : vector<16xf32> to vector<16xf32>
      tpu.vector_store %arg7[%swap3A_409], %swap3A_412 {strides = array<i32>} : memref<2304xf32, #tpu.memory_space<vmem>>, vector<16xf32>,
      %swap3A_413 = arith.constant 1520 : index
      %swap3A_414 = tpu.vector_load %arg7[%swap3A_413] {strides = array<i32>} : memref<2304xf32, #tpu.memory_space<vmem>>, vector<16xf32>,
      %swap3A_415 = vector.shape_cast %swap3A_414 : vector<16xf32> to vector<16xf32>
      %swap3A_416 = vector.shape_cast %gather3A_11 : vector<16xf32> to vector<16xf32>
      tpu.vector_store %arg7[%swap3A_413], %swap3A_416 {strides = array<i32>} : memref<2304xf32, #tpu.memory_space<vmem>>, vector<16xf32>,
      %swap3A_417 = arith.constant 1536 : index
      %swap3A_418 = tpu.vector_load %arg7[%swap3A_417] {strides = array<i32>} : memref<2304xf32, #tpu.memory_space<vmem>>, vector<16xf32>,
      %swap3A_419 = vector.shape_cast %swap3A_418 : vector<16xf32> to vector<16xf32>
      %swap3A_420 = vector.shape_cast %gather3A_11 : vector<16xf32> to vector<16xf32>
      tpu.vector_store %arg7[%swap3A_417], %swap3A_420 {strides = array<i32>} : memref<2304xf32, #tpu.memory_space<vmem>>, vector<16xf32>,
      %swap3A_421 = arith.constant 1552 : index
      %swap3A_422 = tpu.vector_load %arg7[%swap3A_421] {strides = array<i32>} : memref<2304xf32, #tpu.memory_space<vmem>>, vector<16xf32>,
      %swap3A_423 = vector.shape_cast %swap3A_422 : vector<16xf32> to vector<16xf32>
      %swap3A_424 = vector.shape_cast %gather3A_11 : vector<16xf32> to vector<16xf32>
      tpu.vector_store %arg7[%swap3A_421], %swap3A_424 {strides = array<i32>} : memref<2304xf32, #tpu.memory_space<vmem>>, vector<16xf32>,
      %swap3A_425 = arith.constant 1568 : index
      %swap3A_426 = tpu.vector_load %arg7[%swap3A_425] {strides = array<i32>} : memref<2304xf32, #tpu.memory_space<vmem>>, vector<16xf32>,
      %swap3A_427 = vector.shape_cast %swap3A_426 : vector<16xf32> to vector<16xf32>
      %swap3A_428 = vector.shape_cast %gather3A_11 : vector<16xf32> to vector<16xf32>
      tpu.vector_store %arg7[%swap3A_425], %swap3A_428 {strides = array<i32>} : memref<2304xf32, #tpu.memory_space<vmem>>, vector<16xf32>,
      %swap3A_429 = arith.constant 1584 : index
      %swap3A_430 = tpu.vector_load %arg7[%swap3A_429] {strides = array<i32>} : memref<2304xf32, #tpu.memory_space<vmem>>, vector<16xf32>,
      %swap3A_431 = vector.shape_cast %swap3A_430 : vector<16xf32> to vector<16xf32>
      %swap3A_432 = vector.shape_cast %gather3A_11 : vector<16xf32> to vector<16xf32>
      tpu.vector_store %arg7[%swap3A_429], %swap3A_432 {strides = array<i32>} : memref<2304xf32, #tpu.memory_space<vmem>>, vector<16xf32>,
      %swap3A_433 = arith.constant 1600 : index
      %swap3A_434 = tpu.vector_load %arg7[%swap3A_433] {strides = array<i32>} : memref<2304xf32, #tpu.memory_space<vmem>>, vector<16xf32>,
      %swap3A_435 = vector.shape_cast %swap3A_434 : vector<16xf32> to vector<16xf32>
      %swap3A_436 = vector.shape_cast %gather3A_11 : vector<16xf32> to vector<16xf32>
      tpu.vector_store %arg7[%swap3A_433], %swap3A_436 {strides = array<i32>} : memref<2304xf32, #tpu.memory_space<vmem>>, vector<16xf32>,
      %swap3A_437 = arith.constant 1616 : index
      %swap3A_438 = tpu.vector_load %arg7[%swap3A_437] {strides = array<i32>} : memref<2304xf32, #tpu.memory_space<vmem>>, vector<16xf32>,
      %swap3A_439 = vector.shape_cast %swap3A_438 : vector<16xf32> to vector<16xf32>
      %swap3A_440 = vector.shape_cast %gather3A_11 : vector<16xf32> to vector<16xf32>
      tpu.vector_store %arg7[%swap3A_437], %swap3A_440 {strides = array<i32>} : memref<2304xf32, #tpu.memory_space<vmem>>, vector<16xf32>,
      %swap3A_441 = arith.constant 1632 : index
      %swap3A_442 = tpu.vector_load %arg7[%swap3A_441] {strides = array<i32>} : memref<2304xf32, #tpu.memory_space<vmem>>, vector<16xf32>,
      %swap3A_443 = vector.shape_cast %swap3A_442 : vector<16xf32> to vector<16xf32>
      %swap3A_444 = vector.shape_cast %gather3A_11 : vector<16xf32> to vector<16xf32>
      tpu.vector_store %arg7[%swap3A_441], %swap3A_444 {strides = array<i32>} : memref<2304xf32, #tpu.memory_space<vmem>>, vector<16xf32>,
      %swap3A_445 = arith.constant 1648 : index
      %swap3A_446 = tpu.vector_load %arg7[%swap3A_445] {strides = array<i32>} : memref<2304xf32, #tpu.memory_space<vmem>>, vector<16xf32>,
      %swap3A_447 = vector.shape_cast %swap3A_446 : vector<16xf32> to vector<16xf32>
      %swap3A_448 = vector.shape_cast %gather3A_11 : vector<16xf32> to vector<16xf32>
      tpu.vector_store %arg7[%swap3A_445], %swap3A_448 {strides = array<i32>} : memref<2304xf32, #tpu.memory_space<vmem>>, vector<16xf32>,
      %swap3A_449 = arith.constant 1664 : index
      %swap3A_450 = tpu.vector_load %arg7[%swap3A_449] {strides = array<i32>} : memref<2304xf32, #tpu.memory_space<vmem>>, vector<16xf32>,
      %swap3A_451 = vector.shape_cast %swap3A_450 : vector<16xf32> to vector<16xf32>
      %swap3A_452 = vector.shape_cast %gather3A_11 : vector<16xf32> to vector<16xf32>
      tpu.vector_store %arg7[%swap3A_449], %swap3A_452 {strides = array<i32>} : memref<2304xf32, #tpu.memory_space<vmem>>, vector<16xf32>,
      %swap3A_453 = arith.constant 1680 : index
      %swap3A_454 = tpu.vector_load %arg7[%swap3A_453] {strides = array<i32>} : memref<2304xf32, #tpu.memory_space<vmem>>, vector<16xf32>,
      %swap3A_455 = vector.shape_cast %swap3A_454 : vector<16xf32> to vector<16xf32>
      %swap3A_456 = vector.shape_cast %gather3A_11 : vector<16xf32> to vector<16xf32>
      tpu.vector_store %arg7[%swap3A_453], %swap3A_456 {strides = array<i32>} : memref<2304xf32, #tpu.memory_space<vmem>>, vector<16xf32>,
      %swap3A_457 = arith.constant 1696 : index
      %swap3A_458 = tpu.vector_load %arg7[%swap3A_457] {strides = array<i32>} : memref<2304xf32, #tpu.memory_space<vmem>>, vector<16xf32>,
      %swap3A_459 = vector.shape_cast %swap3A_458 : vector<16xf32> to vector<16xf32>
      %swap3A_460 = vector.shape_cast %gather3A_11 : vector<16xf32> to vector<16xf32>
      tpu.vector_store %arg7[%swap3A_457], %swap3A_460 {strides = array<i32>} : memref<2304xf32, #tpu.memory_space<vmem>>, vector<16xf32>,
      %swap3A_461 = arith.constant 1712 : index
      %swap3A_462 = tpu.vector_load %arg7[%swap3A_461] {strides = array<i32>} : memref<2304xf32, #tpu.memory_space<vmem>>, vector<16xf32>,
      %swap3A_463 = vector.shape_cast %swap3A_462 : vector<16xf32> to vector<16xf32>
      %swap3A_464 = vector.shape_cast %gather3A_11 : vector<16xf32> to vector<16xf32>
      tpu.vector_store %arg7[%swap3A_461], %swap3A_464 {strides = array<i32>} : memref<2304xf32, #tpu.memory_space<vmem>>, vector<16xf32>,
      %swap3A_465 = arith.constant 1728 : index
      %swap3A_466 = tpu.vector_load %arg7[%swap3A_465] {strides = array<i32>} : memref<2304xf32, #tpu.memory_space<vmem>>, vector<16xf32>,
      %swap3A_467 = vector.shape_cast %swap3A_466 : vector<16xf32> to vector<16xf32>
      %swap3A_468 = vector.shape_cast %gather3A_11 : vector<16xf32> to vector<16xf32>
      tpu.vector_store %arg7[%swap3A_465], %swap3A_468 {strides = array<i32>} : memref<2304xf32, #tpu.memory_space<vmem>>, vector<16xf32>,
      %swap3A_469 = arith.constant 1744 : index
      %swap3A_470 = tpu.vector_load %arg7[%swap3A_469] {strides = array<i32>} : memref<2304xf32, #tpu.memory_space<vmem>>, vector<16xf32>,
      %swap3A_471 = vector.shape_cast %swap3A_470 : vector<16xf32> to vector<16xf32>
      %swap3A_472 = vector.shape_cast %gather3A_11 : vector<16xf32> to vector<16xf32>
      tpu.vector_store %arg7[%swap3A_469], %swap3A_472 {strides = array<i32>} : memref<2304xf32, #tpu.memory_space<vmem>>, vector<16xf32>,
      %swap3A_473 = arith.constant 1760 : index
      %swap3A_474 = tpu.vector_load %arg7[%swap3A_473] {strides = array<i32>} : memref<2304xf32, #tpu.memory_space<vmem>>, vector<16xf32>,
      %swap3A_475 = vector.shape_cast %swap3A_474 : vector<16xf32> to vector<16xf32>
      %swap3A_476 = vector.shape_cast %gather3A_11 : vector<16xf32> to vector<16xf32>
      tpu.vector_store %arg7[%swap3A_473], %swap3A_476 {strides = array<i32>} : memref<2304xf32, #tpu.memory_space<vmem>>, vector<16xf32>,
      %swap3A_477 = arith.constant 1776 : index
      %swap3A_478 = tpu.vector_load %arg7[%swap3A_477] {strides = array<i32>} : memref<2304xf32, #tpu.memory_space<vmem>>, vector<16xf32>,
      %swap3A_479 = vector.shape_cast %swap3A_478 : vector<16xf32> to vector<16xf32>
      %swap3A_480 = vector.shape_cast %gather3A_11 : vector<16xf32> to vector<16xf32>
      tpu.vector_store %arg7[%swap3A_477], %swap3A_480 {strides = array<i32>} : memref<2304xf32, #tpu.memory_space<vmem>>, vector<16xf32>,
      %swap3A_481 = arith.constant 1792 : index
      %swap3A_482 = tpu.vector_load %arg7[%swap3A_481] {strides = array<i32>} : memref<2304xf32, #tpu.memory_space<vmem>>, vector<16xf32>,
      %swap3A_483 = vector.shape_cast %swap3A_482 : vector<16xf32> to vector<16xf32>
      %swap3A_484 = vector.shape_cast %gather3A_11 : vector<16xf32> to vector<16xf32>
      tpu.vector_store %arg7[%swap3A_481], %swap3A_484 {strides = array<i32>} : memref<2304xf32, #tpu.memory_space<vmem>>, vector<16xf32>,
      %swap3A_485 = arith.constant 1808 : index
      %swap3A_486 = tpu.vector_load %arg7[%swap3A_485] {strides = array<i32>} : memref<2304xf32, #tpu.memory_space<vmem>>, vector<16xf32>,
      %swap3A_487 = vector.shape_cast %swap3A_486 : vector<16xf32> to vector<16xf32>
      %swap3A_488 = vector.shape_cast %gather3A_11 : vector<16xf32> to vector<16xf32>
      tpu.vector_store %arg7[%swap3A_485], %swap3A_488 {strides = array<i32>} : memref<2304xf32, #tpu.memory_space<vmem>>, vector<16xf32>,
      %swap3A_489 = arith.constant 1824 : index
      %swap3A_490 = tpu.vector_load %arg7[%swap3A_489] {strides = array<i32>} : memref<2304xf32, #tpu.memory_space<vmem>>, vector<16xf32>,
      %swap3A_491 = vector.shape_cast %swap3A_490 : vector<16xf32> to vector<16xf32>
      %swap3A_492 = vector.shape_cast %gather3A_11 : vector<16xf32> to vector<16xf32>
      tpu.vector_store %arg7[%swap3A_489], %swap3A_492 {strides = array<i32>} : memref<2304xf32, #tpu.memory_space<vmem>>, vector<16xf32>,
      %swap3A_493 = arith.constant 1840 : index
      %swap3A_494 = tpu.vector_load %arg7[%swap3A_493] {strides = array<i32>} : memref<2304xf32, #tpu.memory_space<vmem>>, vector<16xf32>,
      %swap3A_495 = vector.shape_cast %swap3A_494 : vector<16xf32> to vector<16xf32>
      %swap3A_496 = vector.shape_cast %gather3A_11 : vector<16xf32> to vector<16xf32>
      tpu.vector_store %arg7[%swap3A_493], %swap3A_496 {strides = array<i32>} : memref<2304xf32, #tpu.memory_space<vmem>>, vector<16xf32>,
      %swap3A_497 = arith.constant 1856 : index
      %swap3A_498 = tpu.vector_load %arg7[%swap3A_497] {strides = array<i32>} : memref<2304xf32, #tpu.memory_space<vmem>>, vector<16xf32>,
      %swap3A_499 = vector.shape_cast %swap3A_498 : vector<16xf32> to vector<16xf32>
      %swap3A_500 = vector.shape_cast %gather3A_11 : vector<16xf32> to vector<16xf32>
      tpu.vector_store %arg7[%swap3A_497], %swap3A_500 {strides = array<i32>} : memref<2304xf32, #tpu.memory_space<vmem>>, vector<16xf32>,
      %swap3A_501 = arith.constant 1872 : index
      %swap3A_502 = tpu.vector_load %arg7[%swap3A_501] {strides = array<i32>} : memref<2304xf32, #tpu.memory_space<vmem>>, vector<16xf32>,
      %swap3A_503 = vector.shape_cast %swap3A_502 : vector<16xf32> to vector<16xf32>
      %swap3A_504 = vector.shape_cast %gather3A_11 : vector<16xf32> to vector<16xf32>
      tpu.vector_store %arg7[%swap3A_501], %swap3A_504 {strides = array<i32>} : memref<2304xf32, #tpu.memory_space<vmem>>, vector<16xf32>,
      %swap3A_505 = arith.constant 1888 : index
      %swap3A_506 = tpu.vector_load %arg7[%swap3A_505] {strides = array<i32>} : memref<2304xf32, #tpu.memory_space<vmem>>, vector<16xf32>,
      %swap3A_507 = vector.shape_cast %swap3A_506 : vector<16xf32> to vector<16xf32>
      %swap3A_508 = vector.shape_cast %gather3A_11 : vector<16xf32> to vector<16xf32>
      tpu.vector_store %arg7[%swap3A_505], %swap3A_508 {strides = array<i32>} : memref<2304xf32, #tpu.memory_space<vmem>>, vector<16xf32>,
      %swap3A_509 = arith.constant 1904 : index
      %swap3A_510 = tpu.vector_load %arg7[%swap3A_509] {strides = array<i32>} : memref<2304xf32, #tpu.memory_space<vmem>>, vector<16xf32>,
      %swap3A_511 = vector.shape_cast %swap3A_510 : vector<16xf32> to vector<16xf32>
      %swap3A_512 = vector.shape_cast %gather3A_11 : vector<16xf32> to vector<16xf32>
      tpu.vector_store %arg7[%swap3A_509], %swap3A_512 {strides = array<i32>} : memref<2304xf32, #tpu.memory_space<vmem>>, vector<16xf32>,
      %swap3A_513 = arith.constant 1920 : index
      %swap3A_514 = tpu.vector_load %arg7[%swap3A_513] {strides = array<i32>} : memref<2304xf32, #tpu.memory_space<vmem>>, vector<16xf32>,
      %swap3A_515 = vector.shape_cast %swap3A_514 : vector<16xf32> to vector<16xf32>
      %swap3A_516 = vector.shape_cast %gather3A_11 : vector<16xf32> to vector<16xf32>
      tpu.vector_store %arg7[%swap3A_513], %swap3A_516 {strides = array<i32>} : memref<2304xf32, #tpu.memory_space<vmem>>, vector<16xf32>,
      %swap3A_517 = arith.constant 1936 : index
      %swap3A_518 = tpu.vector_load %arg7[%swap3A_517] {strides = array<i32>} : memref<2304xf32, #tpu.memory_space<vmem>>, vector<16xf32>,
      %swap3A_519 = vector.shape_cast %swap3A_518 : vector<16xf32> to vector<16xf32>
      %swap3A_520 = vector.shape_cast %gather3A_11 : vector<16xf32> to vector<16xf32>
      tpu.vector_store %arg7[%swap3A_517], %swap3A_520 {strides = array<i32>} : memref<2304xf32, #tpu.memory_space<vmem>>, vector<16xf32>,
      %swap3A_521 = arith.constant 1952 : index
      %swap3A_522 = tpu.vector_load %arg7[%swap3A_521] {strides = array<i32>} : memref<2304xf32, #tpu.memory_space<vmem>>, vector<16xf32>,
      %swap3A_523 = vector.shape_cast %swap3A_522 : vector<16xf32> to vector<16xf32>
      %swap3A_524 = vector.shape_cast %gather3A_11 : vector<16xf32> to vector<16xf32>
      tpu.vector_store %arg7[%swap3A_521], %swap3A_524 {strides = array<i32>} : memref<2304xf32, #tpu.memory_space<vmem>>, vector<16xf32>,
      %swap3A_525 = arith.constant 1968 : index
      %swap3A_526 = tpu.vector_load %arg7[%swap3A_525] {strides = array<i32>} : memref<2304xf32, #tpu.memory_space<vmem>>, vector<16xf32>,
      %swap3A_527 = vector.shape_cast %swap3A_526 : vector<16xf32> to vector<16xf32>
      %swap3A_528 = vector.shape_cast %gather3A_11 : vector<16xf32> to vector<16xf32>
      tpu.vector_store %arg7[%swap3A_525], %swap3A_528 {strides = array<i32>} : memref<2304xf32, #tpu.memory_space<vmem>>, vector<16xf32>,
      %swap3A_529 = arith.constant 1984 : index
      %swap3A_530 = tpu.vector_load %arg7[%swap3A_529] {strides = array<i32>} : memref<2304xf32, #tpu.memory_space<vmem>>, vector<16xf32>,
      %swap3A_531 = vector.shape_cast %swap3A_530 : vector<16xf32> to vector<16xf32>
      %swap3A_532 = vector.shape_cast %gather3A_11 : vector<16xf32> to vector<16xf32>
      tpu.vector_store %arg7[%swap3A_529], %swap3A_532 {strides = array<i32>} : memref<2304xf32, #tpu.memory_space<vmem>>, vector<16xf32>,
      %swap3A_533 = arith.constant 2000 : index
      %swap3A_534 = tpu.vector_load %arg7[%swap3A_533] {strides = array<i32>} : memref<2304xf32, #tpu.memory_space<vmem>>, vector<16xf32>,
      %swap3A_535 = vector.shape_cast %swap3A_534 : vector<16xf32> to vector<16xf32>
      %swap3A_536 = vector.shape_cast %gather3A_11 : vector<16xf32> to vector<16xf32>
      tpu.vector_store %arg7[%swap3A_533], %swap3A_536 {strides = array<i32>} : memref<2304xf32, #tpu.memory_space<vmem>>, vector<16xf32>,
      %swap3A_537 = arith.constant 2016 : index
      %swap3A_538 = tpu.vector_load %arg7[%swap3A_537] {strides = array<i32>} : memref<2304xf32, #tpu.memory_space<vmem>>, vector<16xf32>,
      %swap3A_539 = vector.shape_cast %swap3A_538 : vector<16xf32> to vector<16xf32>
      %swap3A_540 = vector.shape_cast %gather3A_11 : vector<16xf32> to vector<16xf32>
      tpu.vector_store %arg7[%swap3A_537], %swap3A_540 {strides = array<i32>} : memref<2304xf32, #tpu.memory_space<vmem>>, vector<16xf32>,
      %swap3A_541 = arith.constant 2032 : index
      %swap3A_542 = tpu.vector_load %arg7[%swap3A_541] {strides = array<i32>} : memref<2304xf32, #tpu.memory_space<vmem>>, vector<16xf32>,
      %swap3A_543 = vector.shape_cast %swap3A_542 : vector<16xf32> to vector<16xf32>
      %swap3A_544 = vector.shape_cast %gather3A_11 : vector<16xf32> to vector<16xf32>
      tpu.vector_store %arg7[%swap3A_541], %swap3A_544 {strides = array<i32>} : memref<2304xf32, #tpu.memory_space<vmem>>, vector<16xf32>,
      %swap3A_545 = arith.constant 2048 : index
      %swap3A_546 = tpu.vector_load %arg7[%swap3A_545] {strides = array<i32>} : memref<2304xf32, #tpu.memory_space<vmem>>, vector<16xf32>,
      %swap3A_547 = vector.shape_cast %swap3A_546 : vector<16xf32> to vector<16xf32>
      %swap3A_548 = vector.shape_cast %gather3A_11 : vector<16xf32> to vector<16xf32>
      tpu.vector_store %arg7[%swap3A_545], %swap3A_548 {strides = array<i32>} : memref<2304xf32, #tpu.memory_space<vmem>>, vector<16xf32>,
      %swap3A_549 = arith.constant 2064 : index
      %swap3A_550 = tpu.vector_load %arg7[%swap3A_549] {strides = array<i32>} : memref<2304xf32, #tpu.memory_space<vmem>>, vector<16xf32>,
      %swap3A_551 = vector.shape_cast %swap3A_550 : vector<16xf32> to vector<16xf32>
      %swap3A_552 = vector.shape_cast %gather3A_11 : vector<16xf32> to vector<16xf32>
      tpu.vector_store %arg7[%swap3A_549], %swap3A_552 {strides = array<i32>} : memref<2304xf32, #tpu.memory_space<vmem>>, vector<16xf32>,
      %swap3A_553 = arith.constant 2080 : index
      %swap3A_554 = tpu.vector_load %arg7[%swap3A_553] {strides = array<i32>} : memref<2304xf32, #tpu.memory_space<vmem>>, vector<16xf32>,
      %swap3A_555 = vector.shape_cast %swap3A_554 : vector<16xf32> to vector<16xf32>
      %swap3A_556 = vector.shape_cast %gather3A_11 : vector<16xf32> to vector<16xf32>
      tpu.vector_store %arg7[%swap3A_553], %swap3A_556 {strides = array<i32>} : memref<2304xf32, #tpu.memory_space<vmem>>, vector<16xf32>,
      %swap3A_557 = arith.constant 2096 : index
      %swap3A_558 = tpu.vector_load %arg7[%swap3A_557] {strides = array<i32>} : memref<2304xf32, #tpu.memory_space<vmem>>, vector<16xf32>,
      %swap3A_559 = vector.shape_cast %swap3A_558 : vector<16xf32> to vector<16xf32>
      %swap3A_560 = vector.shape_cast %gather3A_11 : vector<16xf32> to vector<16xf32>
      tpu.vector_store %arg7[%swap3A_557], %swap3A_560 {strides = array<i32>} : memref<2304xf32, #tpu.memory_space<vmem>>, vector<16xf32>,
      %swap3A_561 = arith.constant 2112 : index
      %swap3A_562 = tpu.vector_load %arg7[%swap3A_561] {strides = array<i32>} : memref<2304xf32, #tpu.memory_space<vmem>>, vector<16xf32>,
      %swap3A_563 = vector.shape_cast %swap3A_562 : vector<16xf32> to vector<16xf32>
      %swap3A_564 = vector.shape_cast %gather3A_11 : vector<16xf32> to vector<16xf32>
      tpu.vector_store %arg7[%swap3A_561], %swap3A_564 {strides = array<i32>} : memref<2304xf32, #tpu.memory_space<vmem>>, vector<16xf32>,
      %swap3A_565 = arith.constant 2128 : index
      %swap3A_566 = tpu.vector_load %arg7[%swap3A_565] {strides = array<i32>} : memref<2304xf32, #tpu.memory_space<vmem>>, vector<16xf32>,
      %swap3A_567 = vector.shape_cast %swap3A_566 : vector<16xf32> to vector<16xf32>
      %swap3A_568 = vector.shape_cast %gather3A_11 : vector<16xf32> to vector<16xf32>
      tpu.vector_store %arg7[%swap3A_565], %swap3A_568 {strides = array<i32>} : memref<2304xf32, #tpu.memory_space<vmem>>, vector<16xf32>,
      %swap3A_569 = arith.constant 2144 : index
      %swap3A_570 = tpu.vector_load %arg7[%swap3A_569] {strides = array<i32>} : memref<2304xf32, #tpu.memory_space<vmem>>, vector<16xf32>,
      %swap3A_571 = vector.shape_cast %swap3A_570 : vector<16xf32> to vector<16xf32>
      %swap3A_572 = vector.shape_cast %gather3A_11 : vector<16xf32> to vector<16xf32>
      tpu.vector_store %arg7[%swap3A_569], %swap3A_572 {strides = array<i32>} : memref<2304xf32, #tpu.memory_space<vmem>>, vector<16xf32>,
      %swap3A_573 = arith.constant 2160 : index
      %swap3A_574 = tpu.vector_load %arg7[%swap3A_573] {strides = array<i32>} : memref<2304xf32, #tpu.memory_space<vmem>>, vector<16xf32>,
      %swap3A_575 = vector.shape_cast %swap3A_574 : vector<16xf32> to vector<16xf32>
      %swap3A_576 = vector.shape_cast %gather3A_11 : vector<16xf32> to vector<16xf32>
      tpu.vector_store %arg7[%swap3A_573], %swap3A_576 {strides = array<i32>} : memref<2304xf32, #tpu.memory_space<vmem>>, vector<16xf32>,
      %swap3A_577 = arith.constant 2176 : index
      %swap3A_578 = tpu.vector_load %arg7[%swap3A_577] {strides = array<i32>} : memref<2304xf32, #tpu.memory_space<vmem>>, vector<16xf32>,
      %swap3A_579 = vector.shape_cast %swap3A_578 : vector<16xf32> to vector<16xf32>
      %swap3A_580 = vector.shape_cast %gather3A_11 : vector<16xf32> to vector<16xf32>
      tpu.vector_store %arg7[%swap3A_577], %swap3A_580 {strides = array<i32>} : memref<2304xf32, #tpu.memory_space<vmem>>, vector<16xf32>,
      %swap3A_581 = arith.constant 2192 : index
      %swap3A_582 = tpu.vector_load %arg7[%swap3A_581] {strides = array<i32>} : memref<2304xf32, #tpu.memory_space<vmem>>, vector<16xf32>,
      %swap3A_583 = vector.shape_cast %swap3A_582 : vector<16xf32> to vector<16xf32>
      %swap3A_584 = vector.shape_cast %gather3A_11 : vector<16xf32> to vector<16xf32>
      tpu.vector_store %arg7[%swap3A_581], %swap3A_584 {strides = array<i32>} : memref<2304xf32, #tpu.memory_space<vmem>>, vector<16xf32>,
      %swap3A_585 = arith.constant 2208 : index
      %swap3A_586 = tpu.vector_load %arg7[%swap3A_585] {strides = array<i32>} : memref<2304xf32, #tpu.memory_space<vmem>>, vector<16xf32>,
      %swap3A_587 = vector.shape_cast %swap3A_586 : vector<16xf32> to vector<16xf32>
      %swap3A_588 = vector.shape_cast %gather3A_11 : vector<16xf32> to vector<16xf32>
      tpu.vector_store %arg7[%swap3A_585], %swap3A_588 {strides = array<i32>} : memref<2304xf32, #tpu.memory_space<vmem>>, vector<16xf32>,
      %swap3A_589 = arith.constant 2224 : index
      %swap3A_590 = tpu.vector_load %arg7[%swap3A_589] {strides = array<i32>} : memref<2304xf32, #tpu.memory_space<vmem>>, vector<16xf32>,
      %swap3A_591 = vector.shape_cast %swap3A_590 : vector<16xf32> to vector<16xf32>
      %swap3A_592 = vector.shape_cast %gather3A_11 : vector<16xf32> to vector<16xf32>
      tpu.vector_store %arg7[%swap3A_589], %swap3A_592 {strides = array<i32>} : memref<2304xf32, #tpu.memory_space<vmem>>, vector<16xf32>,
      %swap3A_593 = arith.constant 2240 : index
      %swap3A_594 = tpu.vector_load %arg7[%swap3A_593] {strides = array<i32>} : memref<2304xf32, #tpu.memory_space<vmem>>, vector<16xf32>,
      %swap3A_595 = vector.shape_cast %swap3A_594 : vector<16xf32> to vector<16xf32>
      %swap3A_596 = vector.shape_cast %gather3A_11 : vector<16xf32> to vector<16xf32>
      tpu.vector_store %arg7[%swap3A_593], %swap3A_596 {strides = array<i32>} : memref<2304xf32, #tpu.memory_space<vmem>>, vector<16xf32>,
      %swap3A_597 = arith.constant 2256 : index
      %swap3A_598 = tpu.vector_load %arg7[%swap3A_597] {strides = array<i32>} : memref<2304xf32, #tpu.memory_space<vmem>>, vector<16xf32>,
      %swap3A_599 = vector.shape_cast %swap3A_598 : vector<16xf32> to vector<16xf32>
      %swap3A_600 = vector.shape_cast %gather3A_11 : vector<16xf32> to vector<16xf32>
      tpu.vector_store %arg7[%swap3A_597], %swap3A_600 {strides = array<i32>} : memref<2304xf32, #tpu.memory_space<vmem>>, vector<16xf32>,
      %swap3A_601 = arith.constant 2272 : index
      %swap3A_602 = tpu.vector_load %arg7[%swap3A_601] {strides = array<i32>} : memref<2304xf32, #tpu.memory_space<vmem>>, vector<16xf32>,
      %swap3A_603 = vector.shape_cast %swap3A_602 : vector<16xf32> to vector<16xf32>
      %swap3A_604 = vector.shape_cast %gather3A_11 : vector<16xf32> to vector<16xf32>
      tpu.vector_store %arg7[%swap3A_601], %swap3A_604 {strides = array<i32>} : memref<2304xf32, #tpu.memory_space<vmem>>, vector<16xf32>,
      %swap3A_605 = arith.constant 2288 : index
      %swap3A_606 = tpu.vector_load %arg7[%swap3A_605] {strides = array<i32>} : memref<2304xf32, #tpu.memory_space<vmem>>, vector<16xf32>,
      %swap3A_607 = vector.shape_cast %swap3A_606 : vector<16xf32> to vector<16xf32>
      %swap3A_608 = vector.shape_cast %gather3A_11 : vector<16xf32> to vector<16xf32>
      tpu.vector_store %arg7[%swap3A_605], %swap3A_608 {strides = array<i32>} : memref<2304xf32, #tpu.memory_space<vmem>>, vector<16xf32>,
    } else {
    }
    %mul3A_32 = arith.constant 2304 : i32
    %mul3A_33 = arith.muli %arg0, %mul3A_32 : i32
    "tpu.region"() ({
      %run_scoped3A = tpu.sem_alloc : memref<!tpu.dma_semaphore, #tpu.memory_space<semaphore_mem>>
      %dma_start3A = tpu.memref_slice %arg4[%arg1, %mul3A_33] : memref<16x4608xf32, #tpu.memory_space<hbm>> -> memref<1x2304xf32, #tpu.memory_space<hbm>>
      %dma_start3A_34 = tpu.memref_squeeze %dma_start3A : memref<1x2304xf32, #tpu.memory_space<hbm>> -> memref<2304xf32, #tpu.memory_space<hbm>>
      %dma_start3A_35 = tpu.memref_slice %arg4[%arg1, %mul3A_33] : memref<16x4608xf32, #tpu.memory_space<hbm>> -> memref<1x2304xf32, #tpu.memory_space<hbm>>
      %dma_start3A_36 = tpu.memref_squeeze %dma_start3A_35 : memref<1x2304xf32, #tpu.memory_space<hbm>> -> memref<2304xf32, #tpu.memory_space<hbm>>
      tpu.enqueue_dma source(%arg7 : memref<2304xf32, #tpu.memory_space<vmem>>) target(%dma_start3A_36 : memref<2304xf32, #tpu.memory_space<hbm>>) target_semaphore(%run_scoped3A : memref<!tpu.dma_semaphore, #tpu.memory_space<semaphore_mem>>)
      %dma_wait3A = tpu.memref_slice %arg4[%arg1, %mul3A_33] : memref<16x4608xf32, #tpu.memory_space<hbm>> -> memref<1x2304xf32, #tpu.memory_space<hbm>>
      %dma_wait3A_37 = tpu.memref_squeeze %dma_wait3A : memref<1x2304xf32, #tpu.memory_space<hbm>> -> memref<2304xf32, #tpu.memory_space<hbm>>
      %dma_wait3A_38 = tpu.memref_slice %arg4[%arg1, %mul3A_33] : memref<16x4608xf32, #tpu.memory_space<hbm>> -> memref<1x2304xf32, #tpu.memory_space<hbm>>
      %dma_wait3A_39 = tpu.memref_squeeze %dma_wait3A_38 : memref<1x2304xf32, #tpu.memory_space<hbm>> -> memref<2304xf32, #tpu.memory_space<hbm>>
      tpu.wait_dma2 semaphore(%run_scoped3A : memref<!tpu.dma_semaphore, #tpu.memory_space<semaphore_mem>>) src(%arg7 : memref<2304xf32, #tpu.memory_space<vmem>>) dst(%dma_wait3A_39 : memref<2304xf32, #tpu.memory_space<hbm>>)
      tpu.yield
    }) : () -> ()
    return
  }
}

module attributes {stable_mosaic.version = 14 : i64} {
  func.func @_general_tile_kernel(%arg0: i32, %arg1: i32, %arg2: memref<1xi32, #tpu.memory_space<smem>>, %arg3: memref<32x16xf32, #tpu.memory_space<smem>>, %arg4: memref<1x1x128x2048xf32, #tpu.memory_space<vmem>>, %arg5: memref<1x4608xf32, #tpu.memory_space<vmem>>, %arg6: memref<8x4608xf32, #tpu.memory_space<vmem>>) attributes {dimension_semantics = [#tpu.dimension_semantics<arbitrary>, #tpu.dimension_semantics<arbitrary>], iteration_bounds = array<i64: 16, 16>, scalar_prefetch = 0 : i64, scratch_operands = 2 : i64, tpu.core_type = #tpu.core_type<tc>, window_params = [{transform_indices = @transform_0, window_bounds = array<i64: 1>}, {transform_indices = @transform_1, window_bounds = array<i64: 32, 16>}, {transform_indices = @transform_2, window_bounds = array<i64: 1, 1, 128, 2048>}]} {
    %mul3A = arith.constant 128 : i32
    %mul3A_0 = arith.muli %arg1, %mul3A : i32
    %sub3A = arith.constant 1920 : i32
    %sub3A_1 = arith.subi %sub3A, %mul3A_0 : i32
    %get3A = arith.constant 0 : index
    %get3A_2 = memref.load %arg2[%get3A] : memref<1xi32, #tpu.memory_space<smem>>
    %eq3A = arith.constant 0 : i32
    %eq3A_3 = arith.cmpi eq, %arg1, %eq3A : i32
    %convert_element_type3A = arith.extui %eq3A_3 : i1 to i32
    %cond3A = arith.constant 0 : i32
    %cond3A_4 = arith.cmpi ne, %convert_element_type3A, %cond3A : i32
    scf.if %cond3A_4 {
      %iota3A = tpu.iota {dimensions = array<i32: 1>} : vector<1x4352xi32>
      %add3A_135 = arith.constant 0 : i32
      %add3A_136 = vector.broadcast %add3A_135 : i32 to vector<1x4352xi32>
      %add3A_137 = arith.addi %add3A_136, %iota3A : vector<1x4352xi32>
      %add3A_138 = arith.constant 2047 : i32
      %add3A_139 = arith.addi %add3A_138, %get3A_2 : i32
      %sub3A_140 = vector.broadcast %add3A_139 : i32 to vector<1x4352xi32>
      %sub3A_141 = arith.subi %sub3A_140, %add3A_137 : vector<1x4352xi32>
      %max3A = arith.constant 0 : i32
      %max3A_142 = vector.broadcast %max3A : i32 to vector<1x4352xi32>
      %max3A_143 = arith.maxsi %sub3A_141, %max3A_142 : vector<1x4352xi32>
      %lt3A = arith.constant 16 : i32
      %lt3A_144 = vector.broadcast %lt3A : i32 to vector<1x4352xi32>
      %lt3A_145 = arith.cmpi slt, %max3A_143, %lt3A_144 : vector<1x4352xi32>
      %convert_element_type3A_146 = arith.sitofp %max3A_143 : vector<1x4352xi32> to vector<1x4352xf32>
      %div3A = arith.constant 1.600000e+01 : f32
      %div3A_147 = vector.broadcast %div3A : f32 to vector<1x4352xf32>
      %div3A_148 = arith.divf %convert_element_type3A_146, %div3A_147 : vector<1x4352xf32>
      %log3A = math.log %div3A_148 : vector<1x4352xf32>
      %div3A_149 = arith.constant 2.07944155 : f32
      %div3A_150 = vector.broadcast %div3A_149 : f32 to vector<1x4352xf32>
      %div3A_151 = arith.divf %log3A, %div3A_150 : vector<1x4352xf32>
      %mul3A_152 = arith.constant 1.600000e+01 : f32
      %mul3A_153 = vector.broadcast %mul3A_152 : f32 to vector<1x4352xf32>
      %mul3A_154 = arith.mulf %div3A_151, %mul3A_153 : vector<1x4352xf32>
      %convert_element_type3A_155 = arith.fptosi %mul3A_154 : vector<1x4352xf32> to vector<1x4352xi32>
      %add3A_156 = arith.constant 16 : i32
      %add3A_157 = vector.broadcast %add3A_156 : i32 to vector<1x4352xi32>
      %add3A_158 = arith.addi %add3A_157, %convert_element_type3A_155 : vector<1x4352xi32>
      %min3A = arith.constant 31 : i32
      %min3A_159 = vector.broadcast %min3A : i32 to vector<1x4352xi32>
      %min3A_160 = arith.minsi %add3A_158, %min3A_159 : vector<1x4352xi32>
      %select_n3A = arith.select %lt3A_145, %max3A_143, %min3A_160 : vector<1x4352xi1>, vector<1x4352xi32>
      %broadcast_in_dim3A = arith.constant 0.000000e+00 : f32
      %broadcast_in_dim3A_161 = vector.broadcast %broadcast_in_dim3A : f32 to vector<1x4352xf32>
      %eq3A_162 = arith.constant 0 : i32
      %eq3A_163 = vector.broadcast %eq3A_162 : i32 to vector<1x4352xi32>
      %eq3A_164 = arith.cmpi eq, %select_n3A, %eq3A_163 : vector<1x4352xi32>
      %get3A_165 = arith.constant 0 : index
      %get3A_166 = arith.index_cast %arg0 : i32 to index
      %get3A_167 = memref.load %arg3[%get3A_165, %get3A_166] : memref<32x16xf32, #tpu.memory_space<smem>>
      %broadcast_in_dim3A_168 = vector.broadcast %get3A_167 : f32 to vector<1x4352xf32>
      %select_n3A_169 = arith.select %eq3A_164, %broadcast_in_dim3A_168, %broadcast_in_dim3A_161 : vector<1x4352xi1>, vector<1x4352xf32>
      %eq3A_170 = arith.constant 1 : i32
      %eq3A_171 = vector.broadcast %eq3A_170 : i32 to vector<1x4352xi32>
      %eq3A_172 = arith.cmpi eq, %select_n3A, %eq3A_171 : vector<1x4352xi32>
      %get3A_173 = arith.constant 1 : index
      %get3A_174 = arith.index_cast %arg0 : i32 to index
      %get3A_175 = memref.load %arg3[%get3A_173, %get3A_174] : memref<32x16xf32, #tpu.memory_space<smem>>
      %broadcast_in_dim3A_176 = vector.broadcast %get3A_175 : f32 to vector<1x4352xf32>
      %select_n3A_177 = arith.select %eq3A_172, %broadcast_in_dim3A_176, %select_n3A_169 : vector<1x4352xi1>, vector<1x4352xf32>
      %eq3A_178 = arith.constant 2 : i32
      %eq3A_179 = vector.broadcast %eq3A_178 : i32 to vector<1x4352xi32>
      %eq3A_180 = arith.cmpi eq, %select_n3A, %eq3A_179 : vector<1x4352xi32>
      %get3A_181 = arith.constant 2 : index
      %get3A_182 = arith.index_cast %arg0 : i32 to index
      %get3A_183 = memref.load %arg3[%get3A_181, %get3A_182] : memref<32x16xf32, #tpu.memory_space<smem>>
      %broadcast_in_dim3A_184 = vector.broadcast %get3A_183 : f32 to vector<1x4352xf32>
      %select_n3A_185 = arith.select %eq3A_180, %broadcast_in_dim3A_184, %select_n3A_177 : vector<1x4352xi1>, vector<1x4352xf32>
      %eq3A_186 = arith.constant 3 : i32
      %eq3A_187 = vector.broadcast %eq3A_186 : i32 to vector<1x4352xi32>
      %eq3A_188 = arith.cmpi eq, %select_n3A, %eq3A_187 : vector<1x4352xi32>
      %get3A_189 = arith.constant 3 : index
      %get3A_190 = arith.index_cast %arg0 : i32 to index
      %get3A_191 = memref.load %arg3[%get3A_189, %get3A_190] : memref<32x16xf32, #tpu.memory_space<smem>>
      %broadcast_in_dim3A_192 = vector.broadcast %get3A_191 : f32 to vector<1x4352xf32>
      %select_n3A_193 = arith.select %eq3A_188, %broadcast_in_dim3A_192, %select_n3A_185 : vector<1x4352xi1>, vector<1x4352xf32>
      %eq3A_194 = arith.constant 4 : i32
      %eq3A_195 = vector.broadcast %eq3A_194 : i32 to vector<1x4352xi32>
      %eq3A_196 = arith.cmpi eq, %select_n3A, %eq3A_195 : vector<1x4352xi32>
      %get3A_197 = arith.constant 4 : index
      %get3A_198 = arith.index_cast %arg0 : i32 to index
      %get3A_199 = memref.load %arg3[%get3A_197, %get3A_198] : memref<32x16xf32, #tpu.memory_space<smem>>
      %broadcast_in_dim3A_200 = vector.broadcast %get3A_199 : f32 to vector<1x4352xf32>
      %select_n3A_201 = arith.select %eq3A_196, %broadcast_in_dim3A_200, %select_n3A_193 : vector<1x4352xi1>, vector<1x4352xf32>
      %eq3A_202 = arith.constant 5 : i32
      %eq3A_203 = vector.broadcast %eq3A_202 : i32 to vector<1x4352xi32>
      %eq3A_204 = arith.cmpi eq, %select_n3A, %eq3A_203 : vector<1x4352xi32>
      %get3A_205 = arith.constant 5 : index
      %get3A_206 = arith.index_cast %arg0 : i32 to index
      %get3A_207 = memref.load %arg3[%get3A_205, %get3A_206] : memref<32x16xf32, #tpu.memory_space<smem>>
      %broadcast_in_dim3A_208 = vector.broadcast %get3A_207 : f32 to vector<1x4352xf32>
      %select_n3A_209 = arith.select %eq3A_204, %broadcast_in_dim3A_208, %select_n3A_201 : vector<1x4352xi1>, vector<1x4352xf32>
      %eq3A_210 = arith.constant 6 : i32
      %eq3A_211 = vector.broadcast %eq3A_210 : i32 to vector<1x4352xi32>
      %eq3A_212 = arith.cmpi eq, %select_n3A, %eq3A_211 : vector<1x4352xi32>
      %get3A_213 = arith.constant 6 : index
      %get3A_214 = arith.index_cast %arg0 : i32 to index
      %get3A_215 = memref.load %arg3[%get3A_213, %get3A_214] : memref<32x16xf32, #tpu.memory_space<smem>>
      %broadcast_in_dim3A_216 = vector.broadcast %get3A_215 : f32 to vector<1x4352xf32>
      %select_n3A_217 = arith.select %eq3A_212, %broadcast_in_dim3A_216, %select_n3A_209 : vector<1x4352xi1>, vector<1x4352xf32>
      %eq3A_218 = arith.constant 7 : i32
      %eq3A_219 = vector.broadcast %eq3A_218 : i32 to vector<1x4352xi32>
      %eq3A_220 = arith.cmpi eq, %select_n3A, %eq3A_219 : vector<1x4352xi32>
      %get3A_221 = arith.constant 7 : index
      %get3A_222 = arith.index_cast %arg0 : i32 to index
      %get3A_223 = memref.load %arg3[%get3A_221, %get3A_222] : memref<32x16xf32, #tpu.memory_space<smem>>
      %broadcast_in_dim3A_224 = vector.broadcast %get3A_223 : f32 to vector<1x4352xf32>
      %select_n3A_225 = arith.select %eq3A_220, %broadcast_in_dim3A_224, %select_n3A_217 : vector<1x4352xi1>, vector<1x4352xf32>
      %eq3A_226 = arith.constant 8 : i32
      %eq3A_227 = vector.broadcast %eq3A_226 : i32 to vector<1x4352xi32>
      %eq3A_228 = arith.cmpi eq, %select_n3A, %eq3A_227 : vector<1x4352xi32>
      %get3A_229 = arith.constant 8 : index
      %get3A_230 = arith.index_cast %arg0 : i32 to index
      %get3A_231 = memref.load %arg3[%get3A_229, %get3A_230] : memref<32x16xf32, #tpu.memory_space<smem>>
      %broadcast_in_dim3A_232 = vector.broadcast %get3A_231 : f32 to vector<1x4352xf32>
      %select_n3A_233 = arith.select %eq3A_228, %broadcast_in_dim3A_232, %select_n3A_225 : vector<1x4352xi1>, vector<1x4352xf32>
      %eq3A_234 = arith.constant 9 : i32
      %eq3A_235 = vector.broadcast %eq3A_234 : i32 to vector<1x4352xi32>
      %eq3A_236 = arith.cmpi eq, %select_n3A, %eq3A_235 : vector<1x4352xi32>
      %get3A_237 = arith.constant 9 : index
      %get3A_238 = arith.index_cast %arg0 : i32 to index
      %get3A_239 = memref.load %arg3[%get3A_237, %get3A_238] : memref<32x16xf32, #tpu.memory_space<smem>>
      %broadcast_in_dim3A_240 = vector.broadcast %get3A_239 : f32 to vector<1x4352xf32>
      %select_n3A_241 = arith.select %eq3A_236, %broadcast_in_dim3A_240, %select_n3A_233 : vector<1x4352xi1>, vector<1x4352xf32>
      %eq3A_242 = arith.constant 10 : i32
      %eq3A_243 = vector.broadcast %eq3A_242 : i32 to vector<1x4352xi32>
      %eq3A_244 = arith.cmpi eq, %select_n3A, %eq3A_243 : vector<1x4352xi32>
      %get3A_245 = arith.constant 10 : index
      %get3A_246 = arith.index_cast %arg0 : i32 to index
      %get3A_247 = memref.load %arg3[%get3A_245, %get3A_246] : memref<32x16xf32, #tpu.memory_space<smem>>
      %broadcast_in_dim3A_248 = vector.broadcast %get3A_247 : f32 to vector<1x4352xf32>
      %select_n3A_249 = arith.select %eq3A_244, %broadcast_in_dim3A_248, %select_n3A_241 : vector<1x4352xi1>, vector<1x4352xf32>
      %eq3A_250 = arith.constant 11 : i32
      %eq3A_251 = vector.broadcast %eq3A_250 : i32 to vector<1x4352xi32>
      %eq3A_252 = arith.cmpi eq, %select_n3A, %eq3A_251 : vector<1x4352xi32>
      %get3A_253 = arith.constant 11 : index
      %get3A_254 = arith.index_cast %arg0 : i32 to index
      %get3A_255 = memref.load %arg3[%get3A_253, %get3A_254] : memref<32x16xf32, #tpu.memory_space<smem>>
      %broadcast_in_dim3A_256 = vector.broadcast %get3A_255 : f32 to vector<1x4352xf32>
      %select_n3A_257 = arith.select %eq3A_252, %broadcast_in_dim3A_256, %select_n3A_249 : vector<1x4352xi1>, vector<1x4352xf32>
      %eq3A_258 = arith.constant 12 : i32
      %eq3A_259 = vector.broadcast %eq3A_258 : i32 to vector<1x4352xi32>
      %eq3A_260 = arith.cmpi eq, %select_n3A, %eq3A_259 : vector<1x4352xi32>
      %get3A_261 = arith.constant 12 : index
      %get3A_262 = arith.index_cast %arg0 : i32 to index
      %get3A_263 = memref.load %arg3[%get3A_261, %get3A_262] : memref<32x16xf32, #tpu.memory_space<smem>>
      %broadcast_in_dim3A_264 = vector.broadcast %get3A_263 : f32 to vector<1x4352xf32>
      %select_n3A_265 = arith.select %eq3A_260, %broadcast_in_dim3A_264, %select_n3A_257 : vector<1x4352xi1>, vector<1x4352xf32>
      %eq3A_266 = arith.constant 13 : i32
      %eq3A_267 = vector.broadcast %eq3A_266 : i32 to vector<1x4352xi32>
      %eq3A_268 = arith.cmpi eq, %select_n3A, %eq3A_267 : vector<1x4352xi32>
      %get3A_269 = arith.constant 13 : index
      %get3A_270 = arith.index_cast %arg0 : i32 to index
      %get3A_271 = memref.load %arg3[%get3A_269, %get3A_270] : memref<32x16xf32, #tpu.memory_space<smem>>
      %broadcast_in_dim3A_272 = vector.broadcast %get3A_271 : f32 to vector<1x4352xf32>
      %select_n3A_273 = arith.select %eq3A_268, %broadcast_in_dim3A_272, %select_n3A_265 : vector<1x4352xi1>, vector<1x4352xf32>
      %eq3A_274 = arith.constant 14 : i32
      %eq3A_275 = vector.broadcast %eq3A_274 : i32 to vector<1x4352xi32>
      %eq3A_276 = arith.cmpi eq, %select_n3A, %eq3A_275 : vector<1x4352xi32>
      %get3A_277 = arith.constant 14 : index
      %get3A_278 = arith.index_cast %arg0 : i32 to index
      %get3A_279 = memref.load %arg3[%get3A_277, %get3A_278] : memref<32x16xf32, #tpu.memory_space<smem>>
      %broadcast_in_dim3A_280 = vector.broadcast %get3A_279 : f32 to vector<1x4352xf32>
      %select_n3A_281 = arith.select %eq3A_276, %broadcast_in_dim3A_280, %select_n3A_273 : vector<1x4352xi1>, vector<1x4352xf32>
      %eq3A_282 = arith.constant 15 : i32
      %eq3A_283 = vector.broadcast %eq3A_282 : i32 to vector<1x4352xi32>
      %eq3A_284 = arith.cmpi eq, %select_n3A, %eq3A_283 : vector<1x4352xi32>
      %get3A_285 = arith.constant 15 : index
      %get3A_286 = arith.index_cast %arg0 : i32 to index
      %get3A_287 = memref.load %arg3[%get3A_285, %get3A_286] : memref<32x16xf32, #tpu.memory_space<smem>>
      %broadcast_in_dim3A_288 = vector.broadcast %get3A_287 : f32 to vector<1x4352xf32>
      %select_n3A_289 = arith.select %eq3A_284, %broadcast_in_dim3A_288, %select_n3A_281 : vector<1x4352xi1>, vector<1x4352xf32>
      %eq3A_290 = arith.constant 16 : i32
      %eq3A_291 = vector.broadcast %eq3A_290 : i32 to vector<1x4352xi32>
      %eq3A_292 = arith.cmpi eq, %select_n3A, %eq3A_291 : vector<1x4352xi32>
      %get3A_293 = arith.constant 16 : index
      %get3A_294 = arith.index_cast %arg0 : i32 to index
      %get3A_295 = memref.load %arg3[%get3A_293, %get3A_294] : memref<32x16xf32, #tpu.memory_space<smem>>
      %broadcast_in_dim3A_296 = vector.broadcast %get3A_295 : f32 to vector<1x4352xf32>
      %select_n3A_297 = arith.select %eq3A_292, %broadcast_in_dim3A_296, %select_n3A_289 : vector<1x4352xi1>, vector<1x4352xf32>
      %eq3A_298 = arith.constant 17 : i32
      %eq3A_299 = vector.broadcast %eq3A_298 : i32 to vector<1x4352xi32>
      %eq3A_300 = arith.cmpi eq, %select_n3A, %eq3A_299 : vector<1x4352xi32>
      %get3A_301 = arith.constant 17 : index
      %get3A_302 = arith.index_cast %arg0 : i32 to index
      %get3A_303 = memref.load %arg3[%get3A_301, %get3A_302] : memref<32x16xf32, #tpu.memory_space<smem>>
      %broadcast_in_dim3A_304 = vector.broadcast %get3A_303 : f32 to vector<1x4352xf32>
      %select_n3A_305 = arith.select %eq3A_300, %broadcast_in_dim3A_304, %select_n3A_297 : vector<1x4352xi1>, vector<1x4352xf32>
      %eq3A_306 = arith.constant 18 : i32
      %eq3A_307 = vector.broadcast %eq3A_306 : i32 to vector<1x4352xi32>
      %eq3A_308 = arith.cmpi eq, %select_n3A, %eq3A_307 : vector<1x4352xi32>
      %get3A_309 = arith.constant 18 : index
      %get3A_310 = arith.index_cast %arg0 : i32 to index
      %get3A_311 = memref.load %arg3[%get3A_309, %get3A_310] : memref<32x16xf32, #tpu.memory_space<smem>>
      %broadcast_in_dim3A_312 = vector.broadcast %get3A_311 : f32 to vector<1x4352xf32>
      %select_n3A_313 = arith.select %eq3A_308, %broadcast_in_dim3A_312, %select_n3A_305 : vector<1x4352xi1>, vector<1x4352xf32>
      %eq3A_314 = arith.constant 19 : i32
      %eq3A_315 = vector.broadcast %eq3A_314 : i32 to vector<1x4352xi32>
      %eq3A_316 = arith.cmpi eq, %select_n3A, %eq3A_315 : vector<1x4352xi32>
      %get3A_317 = arith.constant 19 : index
      %get3A_318 = arith.index_cast %arg0 : i32 to index
      %get3A_319 = memref.load %arg3[%get3A_317, %get3A_318] : memref<32x16xf32, #tpu.memory_space<smem>>
      %broadcast_in_dim3A_320 = vector.broadcast %get3A_319 : f32 to vector<1x4352xf32>
      %select_n3A_321 = arith.select %eq3A_316, %broadcast_in_dim3A_320, %select_n3A_313 : vector<1x4352xi1>, vector<1x4352xf32>
      %eq3A_322 = arith.constant 20 : i32
      %eq3A_323 = vector.broadcast %eq3A_322 : i32 to vector<1x4352xi32>
      %eq3A_324 = arith.cmpi eq, %select_n3A, %eq3A_323 : vector<1x4352xi32>
      %get3A_325 = arith.constant 20 : index
      %get3A_326 = arith.index_cast %arg0 : i32 to index
      %get3A_327 = memref.load %arg3[%get3A_325, %get3A_326] : memref<32x16xf32, #tpu.memory_space<smem>>
      %broadcast_in_dim3A_328 = vector.broadcast %get3A_327 : f32 to vector<1x4352xf32>
      %select_n3A_329 = arith.select %eq3A_324, %broadcast_in_dim3A_328, %select_n3A_321 : vector<1x4352xi1>, vector<1x4352xf32>
      %eq3A_330 = arith.constant 21 : i32
      %eq3A_331 = vector.broadcast %eq3A_330 : i32 to vector<1x4352xi32>
      %eq3A_332 = arith.cmpi eq, %select_n3A, %eq3A_331 : vector<1x4352xi32>
      %get3A_333 = arith.constant 21 : index
      %get3A_334 = arith.index_cast %arg0 : i32 to index
      %get3A_335 = memref.load %arg3[%get3A_333, %get3A_334] : memref<32x16xf32, #tpu.memory_space<smem>>
      %broadcast_in_dim3A_336 = vector.broadcast %get3A_335 : f32 to vector<1x4352xf32>
      %select_n3A_337 = arith.select %eq3A_332, %broadcast_in_dim3A_336, %select_n3A_329 : vector<1x4352xi1>, vector<1x4352xf32>
      %eq3A_338 = arith.constant 22 : i32
      %eq3A_339 = vector.broadcast %eq3A_338 : i32 to vector<1x4352xi32>
      %eq3A_340 = arith.cmpi eq, %select_n3A, %eq3A_339 : vector<1x4352xi32>
      %get3A_341 = arith.constant 22 : index
      %get3A_342 = arith.index_cast %arg0 : i32 to index
      %get3A_343 = memref.load %arg3[%get3A_341, %get3A_342] : memref<32x16xf32, #tpu.memory_space<smem>>
      %broadcast_in_dim3A_344 = vector.broadcast %get3A_343 : f32 to vector<1x4352xf32>
      %select_n3A_345 = arith.select %eq3A_340, %broadcast_in_dim3A_344, %select_n3A_337 : vector<1x4352xi1>, vector<1x4352xf32>
      %eq3A_346 = arith.constant 23 : i32
      %eq3A_347 = vector.broadcast %eq3A_346 : i32 to vector<1x4352xi32>
      %eq3A_348 = arith.cmpi eq, %select_n3A, %eq3A_347 : vector<1x4352xi32>
      %get3A_349 = arith.constant 23 : index
      %get3A_350 = arith.index_cast %arg0 : i32 to index
      %get3A_351 = memref.load %arg3[%get3A_349, %get3A_350] : memref<32x16xf32, #tpu.memory_space<smem>>
      %broadcast_in_dim3A_352 = vector.broadcast %get3A_351 : f32 to vector<1x4352xf32>
      %select_n3A_353 = arith.select %eq3A_348, %broadcast_in_dim3A_352, %select_n3A_345 : vector<1x4352xi1>, vector<1x4352xf32>
      %eq3A_354 = arith.constant 24 : i32
      %eq3A_355 = vector.broadcast %eq3A_354 : i32 to vector<1x4352xi32>
      %eq3A_356 = arith.cmpi eq, %select_n3A, %eq3A_355 : vector<1x4352xi32>
      %get3A_357 = arith.constant 24 : index
      %get3A_358 = arith.index_cast %arg0 : i32 to index
      %get3A_359 = memref.load %arg3[%get3A_357, %get3A_358] : memref<32x16xf32, #tpu.memory_space<smem>>
      %broadcast_in_dim3A_360 = vector.broadcast %get3A_359 : f32 to vector<1x4352xf32>
      %select_n3A_361 = arith.select %eq3A_356, %broadcast_in_dim3A_360, %select_n3A_353 : vector<1x4352xi1>, vector<1x4352xf32>
      %eq3A_362 = arith.constant 25 : i32
      %eq3A_363 = vector.broadcast %eq3A_362 : i32 to vector<1x4352xi32>
      %eq3A_364 = arith.cmpi eq, %select_n3A, %eq3A_363 : vector<1x4352xi32>
      %get3A_365 = arith.constant 25 : index
      %get3A_366 = arith.index_cast %arg0 : i32 to index
      %get3A_367 = memref.load %arg3[%get3A_365, %get3A_366] : memref<32x16xf32, #tpu.memory_space<smem>>
      %broadcast_in_dim3A_368 = vector.broadcast %get3A_367 : f32 to vector<1x4352xf32>
      %select_n3A_369 = arith.select %eq3A_364, %broadcast_in_dim3A_368, %select_n3A_361 : vector<1x4352xi1>, vector<1x4352xf32>
      %eq3A_370 = arith.constant 26 : i32
      %eq3A_371 = vector.broadcast %eq3A_370 : i32 to vector<1x4352xi32>
      %eq3A_372 = arith.cmpi eq, %select_n3A, %eq3A_371 : vector<1x4352xi32>
      %get3A_373 = arith.constant 26 : index
      %get3A_374 = arith.index_cast %arg0 : i32 to index
      %get3A_375 = memref.load %arg3[%get3A_373, %get3A_374] : memref<32x16xf32, #tpu.memory_space<smem>>
      %broadcast_in_dim3A_376 = vector.broadcast %get3A_375 : f32 to vector<1x4352xf32>
      %select_n3A_377 = arith.select %eq3A_372, %broadcast_in_dim3A_376, %select_n3A_369 : vector<1x4352xi1>, vector<1x4352xf32>
      %eq3A_378 = arith.constant 27 : i32
      %eq3A_379 = vector.broadcast %eq3A_378 : i32 to vector<1x4352xi32>
      %eq3A_380 = arith.cmpi eq, %select_n3A, %eq3A_379 : vector<1x4352xi32>
      %get3A_381 = arith.constant 27 : index
      %get3A_382 = arith.index_cast %arg0 : i32 to index
      %get3A_383 = memref.load %arg3[%get3A_381, %get3A_382] : memref<32x16xf32, #tpu.memory_space<smem>>
      %broadcast_in_dim3A_384 = vector.broadcast %get3A_383 : f32 to vector<1x4352xf32>
      %select_n3A_385 = arith.select %eq3A_380, %broadcast_in_dim3A_384, %select_n3A_377 : vector<1x4352xi1>, vector<1x4352xf32>
      %eq3A_386 = arith.constant 28 : i32
      %eq3A_387 = vector.broadcast %eq3A_386 : i32 to vector<1x4352xi32>
      %eq3A_388 = arith.cmpi eq, %select_n3A, %eq3A_387 : vector<1x4352xi32>
      %get3A_389 = arith.constant 28 : index
      %get3A_390 = arith.index_cast %arg0 : i32 to index
      %get3A_391 = memref.load %arg3[%get3A_389, %get3A_390] : memref<32x16xf32, #tpu.memory_space<smem>>
      %broadcast_in_dim3A_392 = vector.broadcast %get3A_391 : f32 to vector<1x4352xf32>
      %select_n3A_393 = arith.select %eq3A_388, %broadcast_in_dim3A_392, %select_n3A_385 : vector<1x4352xi1>, vector<1x4352xf32>
      %eq3A_394 = arith.constant 29 : i32
      %eq3A_395 = vector.broadcast %eq3A_394 : i32 to vector<1x4352xi32>
      %eq3A_396 = arith.cmpi eq, %select_n3A, %eq3A_395 : vector<1x4352xi32>
      %get3A_397 = arith.constant 29 : index
      %get3A_398 = arith.index_cast %arg0 : i32 to index
      %get3A_399 = memref.load %arg3[%get3A_397, %get3A_398] : memref<32x16xf32, #tpu.memory_space<smem>>
      %broadcast_in_dim3A_400 = vector.broadcast %get3A_399 : f32 to vector<1x4352xf32>
      %select_n3A_401 = arith.select %eq3A_396, %broadcast_in_dim3A_400, %select_n3A_393 : vector<1x4352xi1>, vector<1x4352xf32>
      %eq3A_402 = arith.constant 30 : i32
      %eq3A_403 = vector.broadcast %eq3A_402 : i32 to vector<1x4352xi32>
      %eq3A_404 = arith.cmpi eq, %select_n3A, %eq3A_403 : vector<1x4352xi32>
      %get3A_405 = arith.constant 30 : index
      %get3A_406 = arith.index_cast %arg0 : i32 to index
      %get3A_407 = memref.load %arg3[%get3A_405, %get3A_406] : memref<32x16xf32, #tpu.memory_space<smem>>
      %broadcast_in_dim3A_408 = vector.broadcast %get3A_407 : f32 to vector<1x4352xf32>
      %select_n3A_409 = arith.select %eq3A_404, %broadcast_in_dim3A_408, %select_n3A_401 : vector<1x4352xi1>, vector<1x4352xf32>
      %eq3A_410 = arith.constant 31 : i32
      %eq3A_411 = vector.broadcast %eq3A_410 : i32 to vector<1x4352xi32>
      %eq3A_412 = arith.cmpi eq, %select_n3A, %eq3A_411 : vector<1x4352xi32>
      %get3A_413 = arith.constant 31 : index
      %get3A_414 = arith.index_cast %arg0 : i32 to index
      %get3A_415 = memref.load %arg3[%get3A_413, %get3A_414] : memref<32x16xf32, #tpu.memory_space<smem>>
      %broadcast_in_dim3A_416 = vector.broadcast %get3A_415 : f32 to vector<1x4352xf32>
      %select_n3A_417 = arith.select %eq3A_412, %broadcast_in_dim3A_416, %select_n3A_409 : vector<1x4352xi1>, vector<1x4352xf32>
      %swap3A_418 = arith.constant 0 : index
      %swap3A_419 = arith.constant 128 : index
      %swap3A_420 = vector.load %arg5[%swap3A_418, %swap3A_419] : memref<1x4608xf32, #tpu.memory_space<vmem>>, vector<1x4352xf32>
      tpu.vector_store %arg5[%swap3A_418, %swap3A_419], %select_n3A_417 {strides = array<i32>} : memref<1x4608xf32, #tpu.memory_space<vmem>>, vector<1x4352xf32>,
      %get3A_421 = arith.constant 0 : index
      %get3A_422 = arith.constant 128 : index
      %get3A_423 = vector.load %arg5[%get3A_421, %get3A_422] : memref<1x4608xf32, #tpu.memory_space<vmem>>, vector<1x4352xf32>
      %slice3A_424 = vector.extract_strided_slice %get3A_423 {offsets = [0, 7], sizes = [1, 4224], strides = [1, 1]} : vector<1x4352xf32> to vector<1x4224xf32>
      %swap3A_425 = arith.constant 0 : index
      %swap3A_426 = arith.constant 128 : index
      %swap3A_427 = vector.load %arg6[%swap3A_425, %swap3A_426] : memref<8x4608xf32, #tpu.memory_space<vmem>>, vector<1x4224xf32>
      tpu.vector_store %arg6[%swap3A_425, %swap3A_426], %slice3A_424 {strides = array<i32>} : memref<8x4608xf32, #tpu.memory_space<vmem>>, vector<1x4224xf32>,
      %slice3A_428 = vector.extract_strided_slice %get3A_423 {offsets = [0, 6], sizes = [1, 4224], strides = [1, 1]} : vector<1x4352xf32> to vector<1x4224xf32>
      %swap3A_429 = arith.constant 1 : index
      %swap3A_430 = arith.constant 128 : index
      %swap3A_431 = vector.load %arg6[%swap3A_429, %swap3A_430] : memref<8x4608xf32, #tpu.memory_space<vmem>>, vector<1x4224xf32>
      tpu.vector_store %arg6[%swap3A_429, %swap3A_430], %slice3A_428 {strides = array<i32>} : memref<8x4608xf32, #tpu.memory_space<vmem>>, vector<1x4224xf32>,
      %slice3A_432 = vector.extract_strided_slice %get3A_423 {offsets = [0, 5], sizes = [1, 4224], strides = [1, 1]} : vector<1x4352xf32> to vector<1x4224xf32>
      %swap3A_433 = arith.constant 2 : index
      %swap3A_434 = arith.constant 128 : index
      %swap3A_435 = vector.load %arg6[%swap3A_433, %swap3A_434] : memref<8x4608xf32, #tpu.memory_space<vmem>>, vector<1x4224xf32>
      tpu.vector_store %arg6[%swap3A_433, %swap3A_434], %slice3A_432 {strides = array<i32>} : memref<8x4608xf32, #tpu.memory_space<vmem>>, vector<1x4224xf32>,
      %slice3A_436 = vector.extract_strided_slice %get3A_423 {offsets = [0, 4], sizes = [1, 4224], strides = [1, 1]} : vector<1x4352xf32> to vector<1x4224xf32>
      %swap3A_437 = arith.constant 3 : index
      %swap3A_438 = arith.constant 128 : index
      %swap3A_439 = vector.load %arg6[%swap3A_437, %swap3A_438] : memref<8x4608xf32, #tpu.memory_space<vmem>>, vector<1x4224xf32>
      tpu.vector_store %arg6[%swap3A_437, %swap3A_438], %slice3A_436 {strides = array<i32>} : memref<8x4608xf32, #tpu.memory_space<vmem>>, vector<1x4224xf32>,
      %slice3A_440 = vector.extract_strided_slice %get3A_423 {offsets = [0, 3], sizes = [1, 4224], strides = [1, 1]} : vector<1x4352xf32> to vector<1x4224xf32>
      %swap3A_441 = arith.constant 4 : index
      %swap3A_442 = arith.constant 128 : index
      %swap3A_443 = vector.load %arg6[%swap3A_441, %swap3A_442] : memref<8x4608xf32, #tpu.memory_space<vmem>>, vector<1x4224xf32>
      tpu.vector_store %arg6[%swap3A_441, %swap3A_442], %slice3A_440 {strides = array<i32>} : memref<8x4608xf32, #tpu.memory_space<vmem>>, vector<1x4224xf32>,
      %slice3A_444 = vector.extract_strided_slice %get3A_423 {offsets = [0, 2], sizes = [1, 4224], strides = [1, 1]} : vector<1x4352xf32> to vector<1x4224xf32>
      %swap3A_445 = arith.constant 5 : index
      %swap3A_446 = arith.constant 128 : index
      %swap3A_447 = vector.load %arg6[%swap3A_445, %swap3A_446] : memref<8x4608xf32, #tpu.memory_space<vmem>>, vector<1x4224xf32>
      tpu.vector_store %arg6[%swap3A_445, %swap3A_446], %slice3A_444 {strides = array<i32>} : memref<8x4608xf32, #tpu.memory_space<vmem>>, vector<1x4224xf32>,
      %slice3A_448 = vector.extract_strided_slice %get3A_423 {offsets = [0, 1], sizes = [1, 4224], strides = [1, 1]} : vector<1x4352xf32> to vector<1x4224xf32>
      %swap3A_449 = arith.constant 6 : index
      %swap3A_450 = arith.constant 128 : index
      %swap3A_451 = vector.load %arg6[%swap3A_449, %swap3A_450] : memref<8x4608xf32, #tpu.memory_space<vmem>>, vector<1x4224xf32>
      tpu.vector_store %arg6[%swap3A_449, %swap3A_450], %slice3A_448 {strides = array<i32>} : memref<8x4608xf32, #tpu.memory_space<vmem>>, vector<1x4224xf32>,
      %slice3A_452 = vector.extract_strided_slice %get3A_423 {offsets = [0, 0], sizes = [1, 4224], strides = [1, 1]} : vector<1x4352xf32> to vector<1x4224xf32>
      %swap3A_453 = arith.constant 7 : index
      %swap3A_454 = arith.constant 128 : index
      %swap3A_455 = vector.load %arg6[%swap3A_453, %swap3A_454] : memref<8x4608xf32, #tpu.memory_space<vmem>>, vector<1x4224xf32>
      tpu.vector_store %arg6[%swap3A_453, %swap3A_454], %slice3A_452 {strides = array<i32>} : memref<8x4608xf32, #tpu.memory_space<vmem>>, vector<1x4224xf32>,
    } else {
    }
    %add3A = arith.constant 128 : i32
    %add3A_5 = arith.addi %sub3A_1, %add3A : i32
    %get3A_6 = arith.constant 0 : index
    %get3A_7 = arith.index_cast %add3A_5 : i32 to index
    %get3A_8 = vector.load %arg6[%get3A_6, %get3A_7] : memref<8x4608xf32, #tpu.memory_space<vmem>>, vector<8x2176xf32>
    %slice3A = vector.extract_strided_slice %get3A_8 {offsets = [0, 120], sizes = [8, 2048], strides = [1, 1]} : vector<8x2176xf32> to vector<8x2048xf32>
    %swap3A = arith.constant 0 : index
    %swap3A_9 = arith.constant 0 : index
    %swap3A_10 = arith.constant 0 : index
    %swap3A_11 = arith.constant 0 : index
    %swap3A_12 = vector.load %arg4[%swap3A, %swap3A_9, %swap3A_10, %swap3A_11] : memref<1x1x128x2048xf32, #tpu.memory_space<vmem>>, vector<1x1x8x2048xf32>
    %swap3A_13 = vector.shape_cast %swap3A_12 : vector<1x1x8x2048xf32> to vector<8x2048xf32>
    %swap3A_14 = vector.shape_cast %slice3A : vector<8x2048xf32> to vector<1x1x8x2048xf32>
    tpu.vector_store %arg4[%swap3A, %swap3A_9, %swap3A_10, %swap3A_11], %swap3A_14 {strides = array<i32>} : memref<1x1x128x2048xf32, #tpu.memory_space<vmem>>, vector<1x1x8x2048xf32>,
    %slice3A_15 = vector.extract_strided_slice %get3A_8 {offsets = [0, 112], sizes = [8, 2048], strides = [1, 1]} : vector<8x2176xf32> to vector<8x2048xf32>
    %swap3A_16 = arith.constant 0 : index
    %swap3A_17 = arith.constant 0 : index
    %swap3A_18 = arith.constant 8 : index
    %swap3A_19 = arith.constant 0 : index
    %swap3A_20 = vector.load %arg4[%swap3A_16, %swap3A_17, %swap3A_18, %swap3A_19] : memref<1x1x128x2048xf32, #tpu.memory_space<vmem>>, vector<1x1x8x2048xf32>
    %swap3A_21 = vector.shape_cast %swap3A_20 : vector<1x1x8x2048xf32> to vector<8x2048xf32>
    %swap3A_22 = vector.shape_cast %slice3A_15 : vector<8x2048xf32> to vector<1x1x8x2048xf32>
    tpu.vector_store %arg4[%swap3A_16, %swap3A_17, %swap3A_18, %swap3A_19], %swap3A_22 {strides = array<i32>} : memref<1x1x128x2048xf32, #tpu.memory_space<vmem>>, vector<1x1x8x2048xf32>,
    %slice3A_23 = vector.extract_strided_slice %get3A_8 {offsets = [0, 104], sizes = [8, 2048], strides = [1, 1]} : vector<8x2176xf32> to vector<8x2048xf32>
    %swap3A_24 = arith.constant 0 : index
    %swap3A_25 = arith.constant 0 : index
    %swap3A_26 = arith.constant 16 : index
    %swap3A_27 = arith.constant 0 : index
    %swap3A_28 = vector.load %arg4[%swap3A_24, %swap3A_25, %swap3A_26, %swap3A_27] : memref<1x1x128x2048xf32, #tpu.memory_space<vmem>>, vector<1x1x8x2048xf32>
    %swap3A_29 = vector.shape_cast %swap3A_28 : vector<1x1x8x2048xf32> to vector<8x2048xf32>
    %swap3A_30 = vector.shape_cast %slice3A_23 : vector<8x2048xf32> to vector<1x1x8x2048xf32>
    tpu.vector_store %arg4[%swap3A_24, %swap3A_25, %swap3A_26, %swap3A_27], %swap3A_30 {strides = array<i32>} : memref<1x1x128x2048xf32, #tpu.memory_space<vmem>>, vector<1x1x8x2048xf32>,
    %slice3A_31 = vector.extract_strided_slice %get3A_8 {offsets = [0, 96], sizes = [8, 2048], strides = [1, 1]} : vector<8x2176xf32> to vector<8x2048xf32>
    %swap3A_32 = arith.constant 0 : index
    %swap3A_33 = arith.constant 0 : index
    %swap3A_34 = arith.constant 24 : index
    %swap3A_35 = arith.constant 0 : index
    %swap3A_36 = vector.load %arg4[%swap3A_32, %swap3A_33, %swap3A_34, %swap3A_35] : memref<1x1x128x2048xf32, #tpu.memory_space<vmem>>, vector<1x1x8x2048xf32>
    %swap3A_37 = vector.shape_cast %swap3A_36 : vector<1x1x8x2048xf32> to vector<8x2048xf32>
    %swap3A_38 = vector.shape_cast %slice3A_31 : vector<8x2048xf32> to vector<1x1x8x2048xf32>
    tpu.vector_store %arg4[%swap3A_32, %swap3A_33, %swap3A_34, %swap3A_35], %swap3A_38 {strides = array<i32>} : memref<1x1x128x2048xf32, #tpu.memory_space<vmem>>, vector<1x1x8x2048xf32>,
    %slice3A_39 = vector.extract_strided_slice %get3A_8 {offsets = [0, 88], sizes = [8, 2048], strides = [1, 1]} : vector<8x2176xf32> to vector<8x2048xf32>
    %swap3A_40 = arith.constant 0 : index
    %swap3A_41 = arith.constant 0 : index
    %swap3A_42 = arith.constant 32 : index
    %swap3A_43 = arith.constant 0 : index
    %swap3A_44 = vector.load %arg4[%swap3A_40, %swap3A_41, %swap3A_42, %swap3A_43] : memref<1x1x128x2048xf32, #tpu.memory_space<vmem>>, vector<1x1x8x2048xf32>
    %swap3A_45 = vector.shape_cast %swap3A_44 : vector<1x1x8x2048xf32> to vector<8x2048xf32>
    %swap3A_46 = vector.shape_cast %slice3A_39 : vector<8x2048xf32> to vector<1x1x8x2048xf32>
    tpu.vector_store %arg4[%swap3A_40, %swap3A_41, %swap3A_42, %swap3A_43], %swap3A_46 {strides = array<i32>} : memref<1x1x128x2048xf32, #tpu.memory_space<vmem>>, vector<1x1x8x2048xf32>,
    %slice3A_47 = vector.extract_strided_slice %get3A_8 {offsets = [0, 80], sizes = [8, 2048], strides = [1, 1]} : vector<8x2176xf32> to vector<8x2048xf32>
    %swap3A_48 = arith.constant 0 : index
    %swap3A_49 = arith.constant 0 : index
    %swap3A_50 = arith.constant 40 : index
    %swap3A_51 = arith.constant 0 : index
    %swap3A_52 = vector.load %arg4[%swap3A_48, %swap3A_49, %swap3A_50, %swap3A_51] : memref<1x1x128x2048xf32, #tpu.memory_space<vmem>>, vector<1x1x8x2048xf32>
    %swap3A_53 = vector.shape_cast %swap3A_52 : vector<1x1x8x2048xf32> to vector<8x2048xf32>
    %swap3A_54 = vector.shape_cast %slice3A_47 : vector<8x2048xf32> to vector<1x1x8x2048xf32>
    tpu.vector_store %arg4[%swap3A_48, %swap3A_49, %swap3A_50, %swap3A_51], %swap3A_54 {strides = array<i32>} : memref<1x1x128x2048xf32, #tpu.memory_space<vmem>>, vector<1x1x8x2048xf32>,
    %slice3A_55 = vector.extract_strided_slice %get3A_8 {offsets = [0, 72], sizes = [8, 2048], strides = [1, 1]} : vector<8x2176xf32> to vector<8x2048xf32>
    %swap3A_56 = arith.constant 0 : index
    %swap3A_57 = arith.constant 0 : index
    %swap3A_58 = arith.constant 48 : index
    %swap3A_59 = arith.constant 0 : index
    %swap3A_60 = vector.load %arg4[%swap3A_56, %swap3A_57, %swap3A_58, %swap3A_59] : memref<1x1x128x2048xf32, #tpu.memory_space<vmem>>, vector<1x1x8x2048xf32>
    %swap3A_61 = vector.shape_cast %swap3A_60 : vector<1x1x8x2048xf32> to vector<8x2048xf32>
    %swap3A_62 = vector.shape_cast %slice3A_55 : vector<8x2048xf32> to vector<1x1x8x2048xf32>
    tpu.vector_store %arg4[%swap3A_56, %swap3A_57, %swap3A_58, %swap3A_59], %swap3A_62 {strides = array<i32>} : memref<1x1x128x2048xf32, #tpu.memory_space<vmem>>, vector<1x1x8x2048xf32>,
    %slice3A_63 = vector.extract_strided_slice %get3A_8 {offsets = [0, 64], sizes = [8, 2048], strides = [1, 1]} : vector<8x2176xf32> to vector<8x2048xf32>
    %swap3A_64 = arith.constant 0 : index
    %swap3A_65 = arith.constant 0 : index
    %swap3A_66 = arith.constant 56 : index
    %swap3A_67 = arith.constant 0 : index
    %swap3A_68 = vector.load %arg4[%swap3A_64, %swap3A_65, %swap3A_66, %swap3A_67] : memref<1x1x128x2048xf32, #tpu.memory_space<vmem>>, vector<1x1x8x2048xf32>
    %swap3A_69 = vector.shape_cast %swap3A_68 : vector<1x1x8x2048xf32> to vector<8x2048xf32>
    %swap3A_70 = vector.shape_cast %slice3A_63 : vector<8x2048xf32> to vector<1x1x8x2048xf32>
    tpu.vector_store %arg4[%swap3A_64, %swap3A_65, %swap3A_66, %swap3A_67], %swap3A_70 {strides = array<i32>} : memref<1x1x128x2048xf32, #tpu.memory_space<vmem>>, vector<1x1x8x2048xf32>,
    %slice3A_71 = vector.extract_strided_slice %get3A_8 {offsets = [0, 56], sizes = [8, 2048], strides = [1, 1]} : vector<8x2176xf32> to vector<8x2048xf32>
    %swap3A_72 = arith.constant 0 : index
    %swap3A_73 = arith.constant 0 : index
    %swap3A_74 = arith.constant 64 : index
    %swap3A_75 = arith.constant 0 : index
    %swap3A_76 = vector.load %arg4[%swap3A_72, %swap3A_73, %swap3A_74, %swap3A_75] : memref<1x1x128x2048xf32, #tpu.memory_space<vmem>>, vector<1x1x8x2048xf32>
    %swap3A_77 = vector.shape_cast %swap3A_76 : vector<1x1x8x2048xf32> to vector<8x2048xf32>
    %swap3A_78 = vector.shape_cast %slice3A_71 : vector<8x2048xf32> to vector<1x1x8x2048xf32>
    tpu.vector_store %arg4[%swap3A_72, %swap3A_73, %swap3A_74, %swap3A_75], %swap3A_78 {strides = array<i32>} : memref<1x1x128x2048xf32, #tpu.memory_space<vmem>>, vector<1x1x8x2048xf32>,
    %slice3A_79 = vector.extract_strided_slice %get3A_8 {offsets = [0, 48], sizes = [8, 2048], strides = [1, 1]} : vector<8x2176xf32> to vector<8x2048xf32>
    %swap3A_80 = arith.constant 0 : index
    %swap3A_81 = arith.constant 0 : index
    %swap3A_82 = arith.constant 72 : index
    %swap3A_83 = arith.constant 0 : index
    %swap3A_84 = vector.load %arg4[%swap3A_80, %swap3A_81, %swap3A_82, %swap3A_83] : memref<1x1x128x2048xf32, #tpu.memory_space<vmem>>, vector<1x1x8x2048xf32>
    %swap3A_85 = vector.shape_cast %swap3A_84 : vector<1x1x8x2048xf32> to vector<8x2048xf32>
    %swap3A_86 = vector.shape_cast %slice3A_79 : vector<8x2048xf32> to vector<1x1x8x2048xf32>
    tpu.vector_store %arg4[%swap3A_80, %swap3A_81, %swap3A_82, %swap3A_83], %swap3A_86 {strides = array<i32>} : memref<1x1x128x2048xf32, #tpu.memory_space<vmem>>, vector<1x1x8x2048xf32>,
    %slice3A_87 = vector.extract_strided_slice %get3A_8 {offsets = [0, 40], sizes = [8, 2048], strides = [1, 1]} : vector<8x2176xf32> to vector<8x2048xf32>
    %swap3A_88 = arith.constant 0 : index
    %swap3A_89 = arith.constant 0 : index
    %swap3A_90 = arith.constant 80 : index
    %swap3A_91 = arith.constant 0 : index
    %swap3A_92 = vector.load %arg4[%swap3A_88, %swap3A_89, %swap3A_90, %swap3A_91] : memref<1x1x128x2048xf32, #tpu.memory_space<vmem>>, vector<1x1x8x2048xf32>
    %swap3A_93 = vector.shape_cast %swap3A_92 : vector<1x1x8x2048xf32> to vector<8x2048xf32>
    %swap3A_94 = vector.shape_cast %slice3A_87 : vector<8x2048xf32> to vector<1x1x8x2048xf32>
    tpu.vector_store %arg4[%swap3A_88, %swap3A_89, %swap3A_90, %swap3A_91], %swap3A_94 {strides = array<i32>} : memref<1x1x128x2048xf32, #tpu.memory_space<vmem>>, vector<1x1x8x2048xf32>,
    %slice3A_95 = vector.extract_strided_slice %get3A_8 {offsets = [0, 32], sizes = [8, 2048], strides = [1, 1]} : vector<8x2176xf32> to vector<8x2048xf32>
    %swap3A_96 = arith.constant 0 : index
    %swap3A_97 = arith.constant 0 : index
    %swap3A_98 = arith.constant 88 : index
    %swap3A_99 = arith.constant 0 : index
    %swap3A_100 = vector.load %arg4[%swap3A_96, %swap3A_97, %swap3A_98, %swap3A_99] : memref<1x1x128x2048xf32, #tpu.memory_space<vmem>>, vector<1x1x8x2048xf32>
    %swap3A_101 = vector.shape_cast %swap3A_100 : vector<1x1x8x2048xf32> to vector<8x2048xf32>
    %swap3A_102 = vector.shape_cast %slice3A_95 : vector<8x2048xf32> to vector<1x1x8x2048xf32>
    tpu.vector_store %arg4[%swap3A_96, %swap3A_97, %swap3A_98, %swap3A_99], %swap3A_102 {strides = array<i32>} : memref<1x1x128x2048xf32, #tpu.memory_space<vmem>>, vector<1x1x8x2048xf32>,
    %slice3A_103 = vector.extract_strided_slice %get3A_8 {offsets = [0, 24], sizes = [8, 2048], strides = [1, 1]} : vector<8x2176xf32> to vector<8x2048xf32>
    %swap3A_104 = arith.constant 0 : index
    %swap3A_105 = arith.constant 0 : index
    %swap3A_106 = arith.constant 96 : index
    %swap3A_107 = arith.constant 0 : index
    %swap3A_108 = vector.load %arg4[%swap3A_104, %swap3A_105, %swap3A_106, %swap3A_107] : memref<1x1x128x2048xf32, #tpu.memory_space<vmem>>, vector<1x1x8x2048xf32>
    %swap3A_109 = vector.shape_cast %swap3A_108 : vector<1x1x8x2048xf32> to vector<8x2048xf32>
    %swap3A_110 = vector.shape_cast %slice3A_103 : vector<8x2048xf32> to vector<1x1x8x2048xf32>
    tpu.vector_store %arg4[%swap3A_104, %swap3A_105, %swap3A_106, %swap3A_107], %swap3A_110 {strides = array<i32>} : memref<1x1x128x2048xf32, #tpu.memory_space<vmem>>, vector<1x1x8x2048xf32>,
    %slice3A_111 = vector.extract_strided_slice %get3A_8 {offsets = [0, 16], sizes = [8, 2048], strides = [1, 1]} : vector<8x2176xf32> to vector<8x2048xf32>
    %swap3A_112 = arith.constant 0 : index
    %swap3A_113 = arith.constant 0 : index
    %swap3A_114 = arith.constant 104 : index
    %swap3A_115 = arith.constant 0 : index
    %swap3A_116 = vector.load %arg4[%swap3A_112, %swap3A_113, %swap3A_114, %swap3A_115] : memref<1x1x128x2048xf32, #tpu.memory_space<vmem>>, vector<1x1x8x2048xf32>
    %swap3A_117 = vector.shape_cast %swap3A_116 : vector<1x1x8x2048xf32> to vector<8x2048xf32>
    %swap3A_118 = vector.shape_cast %slice3A_111 : vector<8x2048xf32> to vector<1x1x8x2048xf32>
    tpu.vector_store %arg4[%swap3A_112, %swap3A_113, %swap3A_114, %swap3A_115], %swap3A_118 {strides = array<i32>} : memref<1x1x128x2048xf32, #tpu.memory_space<vmem>>, vector<1x1x8x2048xf32>,
    %slice3A_119 = vector.extract_strided_slice %get3A_8 {offsets = [0, 8], sizes = [8, 2048], strides = [1, 1]} : vector<8x2176xf32> to vector<8x2048xf32>
    %swap3A_120 = arith.constant 0 : index
    %swap3A_121 = arith.constant 0 : index
    %swap3A_122 = arith.constant 112 : index
    %swap3A_123 = arith.constant 0 : index
    %swap3A_124 = vector.load %arg4[%swap3A_120, %swap3A_121, %swap3A_122, %swap3A_123] : memref<1x1x128x2048xf32, #tpu.memory_space<vmem>>, vector<1x1x8x2048xf32>
    %swap3A_125 = vector.shape_cast %swap3A_124 : vector<1x1x8x2048xf32> to vector<8x2048xf32>
    %swap3A_126 = vector.shape_cast %slice3A_119 : vector<8x2048xf32> to vector<1x1x8x2048xf32>
    tpu.vector_store %arg4[%swap3A_120, %swap3A_121, %swap3A_122, %swap3A_123], %swap3A_126 {strides = array<i32>} : memref<1x1x128x2048xf32, #tpu.memory_space<vmem>>, vector<1x1x8x2048xf32>,
    %slice3A_127 = vector.extract_strided_slice %get3A_8 {offsets = [0, 0], sizes = [8, 2048], strides = [1, 1]} : vector<8x2176xf32> to vector<8x2048xf32>
    %swap3A_128 = arith.constant 0 : index
    %swap3A_129 = arith.constant 0 : index
    %swap3A_130 = arith.constant 120 : index
    %swap3A_131 = arith.constant 0 : index
    %swap3A_132 = vector.load %arg4[%swap3A_128, %swap3A_129, %swap3A_130, %swap3A_131] : memref<1x1x128x2048xf32, #tpu.memory_space<vmem>>, vector<1x1x8x2048xf32>
    %swap3A_133 = vector.shape_cast %swap3A_132 : vector<1x1x8x2048xf32> to vector<8x2048xf32>
    %swap3A_134 = vector.shape_cast %slice3A_127 : vector<8x2048xf32> to vector<1x1x8x2048xf32>
    tpu.vector_store %arg4[%swap3A_128, %swap3A_129, %swap3A_130, %swap3A_131], %swap3A_134 {strides = array<i32>} : memref<1x1x128x2048xf32, #tpu.memory_space<vmem>>, vector<1x1x8x2048xf32>,
    return
  }
  func.func @transform_0(%arg0: i32, %arg1: i32) -> i32 {
    %c0_i32 = arith.constant 0 : i32
    %c0_i32_0 = arith.constant 0 : i32
    return %c0_i32 : i32
  }
  func.func @transform_1(%arg0: i32, %arg1: i32) -> (i32, i32) {
    %c0_i32 = arith.constant 0 : i32
    %c0_i32_0 = arith.constant 0 : i32
    %c0_i32_1 = arith.constant 0 : i32
    return %c0_i32, %c0_i32_0 : i32, i32
  }
  func.func @transform_2(%arg0: i32, %arg1: i32) -> (i32, i32, i32, i32) {
    %c0_i32 = arith.constant 0 : i32
    %c0_i32_0 = arith.constant 0 : i32
    %c0_i32_1 = arith.constant 0 : i32
    return %c0_i32, %arg0, %arg1, %c0_i32_0 : i32, i32, i32, i32
  }
}

module attributes {stable_mosaic.version = 14 : i64} {
  func.func @_expand_tile_kernel(%arg0: i32, %arg1: i32, %arg2: memref<1x1x4608xf32, #tpu.memory_space<vmem>>, %arg3: memref<1x1x128x2048xf32, #tpu.memory_space<vmem>>, %arg4: memref<8x4608xf32, #tpu.memory_space<vmem>>) attributes {dimension_semantics = [#tpu.dimension_semantics<arbitrary>, #tpu.dimension_semantics<arbitrary>], iteration_bounds = array<i64: 16, 16>, scalar_prefetch = 0 : i64, scratch_operands = 1 : i64, tpu.core_type = #tpu.core_type<tc>, window_params = [{transform_indices = @transform_0, window_bounds = array<i64: 1, 1, 4608>}, {transform_indices = @transform_1, window_bounds = array<i64: 1, 1, 128, 2048>}]} {
    %mul3A = arith.constant 128 : i32
    %mul3A_0 = arith.muli %arg1, %mul3A : i32
    %sub3A = arith.constant 1920 : i32
    %sub3A_1 = arith.subi %sub3A, %mul3A_0 : i32
    %eq3A = arith.constant 0 : i32
    %eq3A_2 = arith.cmpi eq, %arg1, %eq3A : i32
    %convert_element_type3A = arith.extui %eq3A_2 : i1 to i32
    %cond3A = arith.constant 0 : i32
    %cond3A_3 = arith.cmpi ne, %convert_element_type3A, %cond3A : i32
    scf.if %cond3A_3 {
      %get3A_133 = arith.constant 0 : index
      %get3A_134 = arith.constant 0 : index
      %get3A_135 = arith.constant 128 : index
      %get3A_136 = vector.load %arg2[%get3A_133, %get3A_134, %get3A_135] : memref<1x1x4608xf32, #tpu.memory_space<vmem>>, vector<1x1x4352xf32>
      %get3A_137 = vector.shape_cast %get3A_136 : vector<1x1x4352xf32> to vector<1x4352xf32>
      %slice3A_138 = vector.extract_strided_slice %get3A_137 {offsets = [0, 7], sizes = [1, 4224], strides = [1, 1]} : vector<1x4352xf32> to vector<1x4224xf32>
      %swap3A_139 = arith.constant 0 : index
      %swap3A_140 = arith.constant 128 : index
      %swap3A_141 = vector.load %arg4[%swap3A_139, %swap3A_140] : memref<8x4608xf32, #tpu.memory_space<vmem>>, vector<1x4224xf32>
      tpu.vector_store %arg4[%swap3A_139, %swap3A_140], %slice3A_138 {strides = array<i32>} : memref<8x4608xf32, #tpu.memory_space<vmem>>, vector<1x4224xf32>,
      %slice3A_142 = vector.extract_strided_slice %get3A_137 {offsets = [0, 6], sizes = [1, 4224], strides = [1, 1]} : vector<1x4352xf32> to vector<1x4224xf32>
      %swap3A_143 = arith.constant 1 : index
      %swap3A_144 = arith.constant 128 : index
      %swap3A_145 = vector.load %arg4[%swap3A_143, %swap3A_144] : memref<8x4608xf32, #tpu.memory_space<vmem>>, vector<1x4224xf32>
      tpu.vector_store %arg4[%swap3A_143, %swap3A_144], %slice3A_142 {strides = array<i32>} : memref<8x4608xf32, #tpu.memory_space<vmem>>, vector<1x4224xf32>,
      %slice3A_146 = vector.extract_strided_slice %get3A_137 {offsets = [0, 5], sizes = [1, 4224], strides = [1, 1]} : vector<1x4352xf32> to vector<1x4224xf32>
      %swap3A_147 = arith.constant 2 : index
      %swap3A_148 = arith.constant 128 : index
      %swap3A_149 = vector.load %arg4[%swap3A_147, %swap3A_148] : memref<8x4608xf32, #tpu.memory_space<vmem>>, vector<1x4224xf32>
      tpu.vector_store %arg4[%swap3A_147, %swap3A_148], %slice3A_146 {strides = array<i32>} : memref<8x4608xf32, #tpu.memory_space<vmem>>, vector<1x4224xf32>,
      %slice3A_150 = vector.extract_strided_slice %get3A_137 {offsets = [0, 4], sizes = [1, 4224], strides = [1, 1]} : vector<1x4352xf32> to vector<1x4224xf32>
      %swap3A_151 = arith.constant 3 : index
      %swap3A_152 = arith.constant 128 : index
      %swap3A_153 = vector.load %arg4[%swap3A_151, %swap3A_152] : memref<8x4608xf32, #tpu.memory_space<vmem>>, vector<1x4224xf32>
      tpu.vector_store %arg4[%swap3A_151, %swap3A_152], %slice3A_150 {strides = array<i32>} : memref<8x4608xf32, #tpu.memory_space<vmem>>, vector<1x4224xf32>,
      %slice3A_154 = vector.extract_strided_slice %get3A_137 {offsets = [0, 3], sizes = [1, 4224], strides = [1, 1]} : vector<1x4352xf32> to vector<1x4224xf32>
      %swap3A_155 = arith.constant 4 : index
      %swap3A_156 = arith.constant 128 : index
      %swap3A_157 = vector.load %arg4[%swap3A_155, %swap3A_156] : memref<8x4608xf32, #tpu.memory_space<vmem>>, vector<1x4224xf32>
      tpu.vector_store %arg4[%swap3A_155, %swap3A_156], %slice3A_154 {strides = array<i32>} : memref<8x4608xf32, #tpu.memory_space<vmem>>, vector<1x4224xf32>,
      %slice3A_158 = vector.extract_strided_slice %get3A_137 {offsets = [0, 2], sizes = [1, 4224], strides = [1, 1]} : vector<1x4352xf32> to vector<1x4224xf32>
      %swap3A_159 = arith.constant 5 : index
      %swap3A_160 = arith.constant 128 : index
      %swap3A_161 = vector.load %arg4[%swap3A_159, %swap3A_160] : memref<8x4608xf32, #tpu.memory_space<vmem>>, vector<1x4224xf32>
      tpu.vector_store %arg4[%swap3A_159, %swap3A_160], %slice3A_158 {strides = array<i32>} : memref<8x4608xf32, #tpu.memory_space<vmem>>, vector<1x4224xf32>,
      %slice3A_162 = vector.extract_strided_slice %get3A_137 {offsets = [0, 1], sizes = [1, 4224], strides = [1, 1]} : vector<1x4352xf32> to vector<1x4224xf32>
      %swap3A_163 = arith.constant 6 : index
      %swap3A_164 = arith.constant 128 : index
      %swap3A_165 = vector.load %arg4[%swap3A_163, %swap3A_164] : memref<8x4608xf32, #tpu.memory_space<vmem>>, vector<1x4224xf32>
      tpu.vector_store %arg4[%swap3A_163, %swap3A_164], %slice3A_162 {strides = array<i32>} : memref<8x4608xf32, #tpu.memory_space<vmem>>, vector<1x4224xf32>,
      %slice3A_166 = vector.extract_strided_slice %get3A_137 {offsets = [0, 0], sizes = [1, 4224], strides = [1, 1]} : vector<1x4352xf32> to vector<1x4224xf32>
      %swap3A_167 = arith.constant 7 : index
      %swap3A_168 = arith.constant 128 : index
      %swap3A_169 = vector.load %arg4[%swap3A_167, %swap3A_168] : memref<8x4608xf32, #tpu.memory_space<vmem>>, vector<1x4224xf32>
      tpu.vector_store %arg4[%swap3A_167, %swap3A_168], %slice3A_166 {strides = array<i32>} : memref<8x4608xf32, #tpu.memory_space<vmem>>, vector<1x4224xf32>,
    } else {
    }
    %add3A = arith.constant 128 : i32
    %add3A_4 = arith.addi %sub3A_1, %add3A : i32
    %get3A = arith.constant 0 : index
    %get3A_5 = arith.index_cast %add3A_4 : i32 to index
    %get3A_6 = vector.load %arg4[%get3A, %get3A_5] : memref<8x4608xf32, #tpu.memory_space<vmem>>, vector<8x2176xf32>
    %slice3A = vector.extract_strided_slice %get3A_6 {offsets = [0, 120], sizes = [8, 2048], strides = [1, 1]} : vector<8x2176xf32> to vector<8x2048xf32>
    %swap3A = arith.constant 0 : index
    %swap3A_7 = arith.constant 0 : index
    %swap3A_8 = arith.constant 0 : index
    %swap3A_9 = arith.constant 0 : index
    %swap3A_10 = vector.load %arg3[%swap3A, %swap3A_7, %swap3A_8, %swap3A_9] : memref<1x1x128x2048xf32, #tpu.memory_space<vmem>>, vector<1x1x8x2048xf32>
    %swap3A_11 = vector.shape_cast %swap3A_10 : vector<1x1x8x2048xf32> to vector<8x2048xf32>
    %swap3A_12 = vector.shape_cast %slice3A : vector<8x2048xf32> to vector<1x1x8x2048xf32>
    tpu.vector_store %arg3[%swap3A, %swap3A_7, %swap3A_8, %swap3A_9], %swap3A_12 {strides = array<i32>} : memref<1x1x128x2048xf32, #tpu.memory_space<vmem>>, vector<1x1x8x2048xf32>,
    %slice3A_13 = vector.extract_strided_slice %get3A_6 {offsets = [0, 112], sizes = [8, 2048], strides = [1, 1]} : vector<8x2176xf32> to vector<8x2048xf32>
    %swap3A_14 = arith.constant 0 : index
    %swap3A_15 = arith.constant 0 : index
    %swap3A_16 = arith.constant 8 : index
    %swap3A_17 = arith.constant 0 : index
    %swap3A_18 = vector.load %arg3[%swap3A_14, %swap3A_15, %swap3A_16, %swap3A_17] : memref<1x1x128x2048xf32, #tpu.memory_space<vmem>>, vector<1x1x8x2048xf32>
    %swap3A_19 = vector.shape_cast %swap3A_18 : vector<1x1x8x2048xf32> to vector<8x2048xf32>
    %swap3A_20 = vector.shape_cast %slice3A_13 : vector<8x2048xf32> to vector<1x1x8x2048xf32>
    tpu.vector_store %arg3[%swap3A_14, %swap3A_15, %swap3A_16, %swap3A_17], %swap3A_20 {strides = array<i32>} : memref<1x1x128x2048xf32, #tpu.memory_space<vmem>>, vector<1x1x8x2048xf32>,
    %slice3A_21 = vector.extract_strided_slice %get3A_6 {offsets = [0, 104], sizes = [8, 2048], strides = [1, 1]} : vector<8x2176xf32> to vector<8x2048xf32>
    %swap3A_22 = arith.constant 0 : index
    %swap3A_23 = arith.constant 0 : index
    %swap3A_24 = arith.constant 16 : index
    %swap3A_25 = arith.constant 0 : index
    %swap3A_26 = vector.load %arg3[%swap3A_22, %swap3A_23, %swap3A_24, %swap3A_25] : memref<1x1x128x2048xf32, #tpu.memory_space<vmem>>, vector<1x1x8x2048xf32>
    %swap3A_27 = vector.shape_cast %swap3A_26 : vector<1x1x8x2048xf32> to vector<8x2048xf32>
    %swap3A_28 = vector.shape_cast %slice3A_21 : vector<8x2048xf32> to vector<1x1x8x2048xf32>
    tpu.vector_store %arg3[%swap3A_22, %swap3A_23, %swap3A_24, %swap3A_25], %swap3A_28 {strides = array<i32>} : memref<1x1x128x2048xf32, #tpu.memory_space<vmem>>, vector<1x1x8x2048xf32>,
    %slice3A_29 = vector.extract_strided_slice %get3A_6 {offsets = [0, 96], sizes = [8, 2048], strides = [1, 1]} : vector<8x2176xf32> to vector<8x2048xf32>
    %swap3A_30 = arith.constant 0 : index
    %swap3A_31 = arith.constant 0 : index
    %swap3A_32 = arith.constant 24 : index
    %swap3A_33 = arith.constant 0 : index
    %swap3A_34 = vector.load %arg3[%swap3A_30, %swap3A_31, %swap3A_32, %swap3A_33] : memref<1x1x128x2048xf32, #tpu.memory_space<vmem>>, vector<1x1x8x2048xf32>
    %swap3A_35 = vector.shape_cast %swap3A_34 : vector<1x1x8x2048xf32> to vector<8x2048xf32>
    %swap3A_36 = vector.shape_cast %slice3A_29 : vector<8x2048xf32> to vector<1x1x8x2048xf32>
    tpu.vector_store %arg3[%swap3A_30, %swap3A_31, %swap3A_32, %swap3A_33], %swap3A_36 {strides = array<i32>} : memref<1x1x128x2048xf32, #tpu.memory_space<vmem>>, vector<1x1x8x2048xf32>,
    %slice3A_37 = vector.extract_strided_slice %get3A_6 {offsets = [0, 88], sizes = [8, 2048], strides = [1, 1]} : vector<8x2176xf32> to vector<8x2048xf32>
    %swap3A_38 = arith.constant 0 : index
    %swap3A_39 = arith.constant 0 : index
    %swap3A_40 = arith.constant 32 : index
    %swap3A_41 = arith.constant 0 : index
    %swap3A_42 = vector.load %arg3[%swap3A_38, %swap3A_39, %swap3A_40, %swap3A_41] : memref<1x1x128x2048xf32, #tpu.memory_space<vmem>>, vector<1x1x8x2048xf32>
    %swap3A_43 = vector.shape_cast %swap3A_42 : vector<1x1x8x2048xf32> to vector<8x2048xf32>
    %swap3A_44 = vector.shape_cast %slice3A_37 : vector<8x2048xf32> to vector<1x1x8x2048xf32>
    tpu.vector_store %arg3[%swap3A_38, %swap3A_39, %swap3A_40, %swap3A_41], %swap3A_44 {strides = array<i32>} : memref<1x1x128x2048xf32, #tpu.memory_space<vmem>>, vector<1x1x8x2048xf32>,
    %slice3A_45 = vector.extract_strided_slice %get3A_6 {offsets = [0, 80], sizes = [8, 2048], strides = [1, 1]} : vector<8x2176xf32> to vector<8x2048xf32>
    %swap3A_46 = arith.constant 0 : index
    %swap3A_47 = arith.constant 0 : index
    %swap3A_48 = arith.constant 40 : index
    %swap3A_49 = arith.constant 0 : index
    %swap3A_50 = vector.load %arg3[%swap3A_46, %swap3A_47, %swap3A_48, %swap3A_49] : memref<1x1x128x2048xf32, #tpu.memory_space<vmem>>, vector<1x1x8x2048xf32>
    %swap3A_51 = vector.shape_cast %swap3A_50 : vector<1x1x8x2048xf32> to vector<8x2048xf32>
    %swap3A_52 = vector.shape_cast %slice3A_45 : vector<8x2048xf32> to vector<1x1x8x2048xf32>
    tpu.vector_store %arg3[%swap3A_46, %swap3A_47, %swap3A_48, %swap3A_49], %swap3A_52 {strides = array<i32>} : memref<1x1x128x2048xf32, #tpu.memory_space<vmem>>, vector<1x1x8x2048xf32>,
    %slice3A_53 = vector.extract_strided_slice %get3A_6 {offsets = [0, 72], sizes = [8, 2048], strides = [1, 1]} : vector<8x2176xf32> to vector<8x2048xf32>
    %swap3A_54 = arith.constant 0 : index
    %swap3A_55 = arith.constant 0 : index
    %swap3A_56 = arith.constant 48 : index
    %swap3A_57 = arith.constant 0 : index
    %swap3A_58 = vector.load %arg3[%swap3A_54, %swap3A_55, %swap3A_56, %swap3A_57] : memref<1x1x128x2048xf32, #tpu.memory_space<vmem>>, vector<1x1x8x2048xf32>
    %swap3A_59 = vector.shape_cast %swap3A_58 : vector<1x1x8x2048xf32> to vector<8x2048xf32>
    %swap3A_60 = vector.shape_cast %slice3A_53 : vector<8x2048xf32> to vector<1x1x8x2048xf32>
    tpu.vector_store %arg3[%swap3A_54, %swap3A_55, %swap3A_56, %swap3A_57], %swap3A_60 {strides = array<i32>} : memref<1x1x128x2048xf32, #tpu.memory_space<vmem>>, vector<1x1x8x2048xf32>,
    %slice3A_61 = vector.extract_strided_slice %get3A_6 {offsets = [0, 64], sizes = [8, 2048], strides = [1, 1]} : vector<8x2176xf32> to vector<8x2048xf32>
    %swap3A_62 = arith.constant 0 : index
    %swap3A_63 = arith.constant 0 : index
    %swap3A_64 = arith.constant 56 : index
    %swap3A_65 = arith.constant 0 : index
    %swap3A_66 = vector.load %arg3[%swap3A_62, %swap3A_63, %swap3A_64, %swap3A_65] : memref<1x1x128x2048xf32, #tpu.memory_space<vmem>>, vector<1x1x8x2048xf32>
    %swap3A_67 = vector.shape_cast %swap3A_66 : vector<1x1x8x2048xf32> to vector<8x2048xf32>
    %swap3A_68 = vector.shape_cast %slice3A_61 : vector<8x2048xf32> to vector<1x1x8x2048xf32>
    tpu.vector_store %arg3[%swap3A_62, %swap3A_63, %swap3A_64, %swap3A_65], %swap3A_68 {strides = array<i32>} : memref<1x1x128x2048xf32, #tpu.memory_space<vmem>>, vector<1x1x8x2048xf32>,
    %slice3A_69 = vector.extract_strided_slice %get3A_6 {offsets = [0, 56], sizes = [8, 2048], strides = [1, 1]} : vector<8x2176xf32> to vector<8x2048xf32>
    %swap3A_70 = arith.constant 0 : index
    %swap3A_71 = arith.constant 0 : index
    %swap3A_72 = arith.constant 64 : index
    %swap3A_73 = arith.constant 0 : index
    %swap3A_74 = vector.load %arg3[%swap3A_70, %swap3A_71, %swap3A_72, %swap3A_73] : memref<1x1x128x2048xf32, #tpu.memory_space<vmem>>, vector<1x1x8x2048xf32>
    %swap3A_75 = vector.shape_cast %swap3A_74 : vector<1x1x8x2048xf32> to vector<8x2048xf32>
    %swap3A_76 = vector.shape_cast %slice3A_69 : vector<8x2048xf32> to vector<1x1x8x2048xf32>
    tpu.vector_store %arg3[%swap3A_70, %swap3A_71, %swap3A_72, %swap3A_73], %swap3A_76 {strides = array<i32>} : memref<1x1x128x2048xf32, #tpu.memory_space<vmem>>, vector<1x1x8x2048xf32>,
    %slice3A_77 = vector.extract_strided_slice %get3A_6 {offsets = [0, 48], sizes = [8, 2048], strides = [1, 1]} : vector<8x2176xf32> to vector<8x2048xf32>
    %swap3A_78 = arith.constant 0 : index
    %swap3A_79 = arith.constant 0 : index
    %swap3A_80 = arith.constant 72 : index
    %swap3A_81 = arith.constant 0 : index
    %swap3A_82 = vector.load %arg3[%swap3A_78, %swap3A_79, %swap3A_80, %swap3A_81] : memref<1x1x128x2048xf32, #tpu.memory_space<vmem>>, vector<1x1x8x2048xf32>
    %swap3A_83 = vector.shape_cast %swap3A_82 : vector<1x1x8x2048xf32> to vector<8x2048xf32>
    %swap3A_84 = vector.shape_cast %slice3A_77 : vector<8x2048xf32> to vector<1x1x8x2048xf32>
    tpu.vector_store %arg3[%swap3A_78, %swap3A_79, %swap3A_80, %swap3A_81], %swap3A_84 {strides = array<i32>} : memref<1x1x128x2048xf32, #tpu.memory_space<vmem>>, vector<1x1x8x2048xf32>,
    %slice3A_85 = vector.extract_strided_slice %get3A_6 {offsets = [0, 40], sizes = [8, 2048], strides = [1, 1]} : vector<8x2176xf32> to vector<8x2048xf32>
    %swap3A_86 = arith.constant 0 : index
    %swap3A_87 = arith.constant 0 : index
    %swap3A_88 = arith.constant 80 : index
    %swap3A_89 = arith.constant 0 : index
    %swap3A_90 = vector.load %arg3[%swap3A_86, %swap3A_87, %swap3A_88, %swap3A_89] : memref<1x1x128x2048xf32, #tpu.memory_space<vmem>>, vector<1x1x8x2048xf32>
    %swap3A_91 = vector.shape_cast %swap3A_90 : vector<1x1x8x2048xf32> to vector<8x2048xf32>
    %swap3A_92 = vector.shape_cast %slice3A_85 : vector<8x2048xf32> to vector<1x1x8x2048xf32>
    tpu.vector_store %arg3[%swap3A_86, %swap3A_87, %swap3A_88, %swap3A_89], %swap3A_92 {strides = array<i32>} : memref<1x1x128x2048xf32, #tpu.memory_space<vmem>>, vector<1x1x8x2048xf32>,
    %slice3A_93 = vector.extract_strided_slice %get3A_6 {offsets = [0, 32], sizes = [8, 2048], strides = [1, 1]} : vector<8x2176xf32> to vector<8x2048xf32>
    %swap3A_94 = arith.constant 0 : index
    %swap3A_95 = arith.constant 0 : index
    %swap3A_96 = arith.constant 88 : index
    %swap3A_97 = arith.constant 0 : index
    %swap3A_98 = vector.load %arg3[%swap3A_94, %swap3A_95, %swap3A_96, %swap3A_97] : memref<1x1x128x2048xf32, #tpu.memory_space<vmem>>, vector<1x1x8x2048xf32>
    %swap3A_99 = vector.shape_cast %swap3A_98 : vector<1x1x8x2048xf32> to vector<8x2048xf32>
    %swap3A_100 = vector.shape_cast %slice3A_93 : vector<8x2048xf32> to vector<1x1x8x2048xf32>
    tpu.vector_store %arg3[%swap3A_94, %swap3A_95, %swap3A_96, %swap3A_97], %swap3A_100 {strides = array<i32>} : memref<1x1x128x2048xf32, #tpu.memory_space<vmem>>, vector<1x1x8x2048xf32>,
    %slice3A_101 = vector.extract_strided_slice %get3A_6 {offsets = [0, 24], sizes = [8, 2048], strides = [1, 1]} : vector<8x2176xf32> to vector<8x2048xf32>
    %swap3A_102 = arith.constant 0 : index
    %swap3A_103 = arith.constant 0 : index
    %swap3A_104 = arith.constant 96 : index
    %swap3A_105 = arith.constant 0 : index
    %swap3A_106 = vector.load %arg3[%swap3A_102, %swap3A_103, %swap3A_104, %swap3A_105] : memref<1x1x128x2048xf32, #tpu.memory_space<vmem>>, vector<1x1x8x2048xf32>
    %swap3A_107 = vector.shape_cast %swap3A_106 : vector<1x1x8x2048xf32> to vector<8x2048xf32>
    %swap3A_108 = vector.shape_cast %slice3A_101 : vector<8x2048xf32> to vector<1x1x8x2048xf32>
    tpu.vector_store %arg3[%swap3A_102, %swap3A_103, %swap3A_104, %swap3A_105], %swap3A_108 {strides = array<i32>} : memref<1x1x128x2048xf32, #tpu.memory_space<vmem>>, vector<1x1x8x2048xf32>,
    %slice3A_109 = vector.extract_strided_slice %get3A_6 {offsets = [0, 16], sizes = [8, 2048], strides = [1, 1]} : vector<8x2176xf32> to vector<8x2048xf32>
    %swap3A_110 = arith.constant 0 : index
    %swap3A_111 = arith.constant 0 : index
    %swap3A_112 = arith.constant 104 : index
    %swap3A_113 = arith.constant 0 : index
    %swap3A_114 = vector.load %arg3[%swap3A_110, %swap3A_111, %swap3A_112, %swap3A_113] : memref<1x1x128x2048xf32, #tpu.memory_space<vmem>>, vector<1x1x8x2048xf32>
    %swap3A_115 = vector.shape_cast %swap3A_114 : vector<1x1x8x2048xf32> to vector<8x2048xf32>
    %swap3A_116 = vector.shape_cast %slice3A_109 : vector<8x2048xf32> to vector<1x1x8x2048xf32>
    tpu.vector_store %arg3[%swap3A_110, %swap3A_111, %swap3A_112, %swap3A_113], %swap3A_116 {strides = array<i32>} : memref<1x1x128x2048xf32, #tpu.memory_space<vmem>>, vector<1x1x8x2048xf32>,
    %slice3A_117 = vector.extract_strided_slice %get3A_6 {offsets = [0, 8], sizes = [8, 2048], strides = [1, 1]} : vector<8x2176xf32> to vector<8x2048xf32>
    %swap3A_118 = arith.constant 0 : index
    %swap3A_119 = arith.constant 0 : index
    %swap3A_120 = arith.constant 112 : index
    %swap3A_121 = arith.constant 0 : index
    %swap3A_122 = vector.load %arg3[%swap3A_118, %swap3A_119, %swap3A_120, %swap3A_121] : memref<1x1x128x2048xf32, #tpu.memory_space<vmem>>, vector<1x1x8x2048xf32>
    %swap3A_123 = vector.shape_cast %swap3A_122 : vector<1x1x8x2048xf32> to vector<8x2048xf32>
    %swap3A_124 = vector.shape_cast %slice3A_117 : vector<8x2048xf32> to vector<1x1x8x2048xf32>
    tpu.vector_store %arg3[%swap3A_118, %swap3A_119, %swap3A_120, %swap3A_121], %swap3A_124 {strides = array<i32>} : memref<1x1x128x2048xf32, #tpu.memory_space<vmem>>, vector<1x1x8x2048xf32>,
    %slice3A_125 = vector.extract_strided_slice %get3A_6 {offsets = [0, 0], sizes = [8, 2048], strides = [1, 1]} : vector<8x2176xf32> to vector<8x2048xf32>
    %swap3A_126 = arith.constant 0 : index
    %swap3A_127 = arith.constant 0 : index
    %swap3A_128 = arith.constant 120 : index
    %swap3A_129 = arith.constant 0 : index
    %swap3A_130 = vector.load %arg3[%swap3A_126, %swap3A_127, %swap3A_128, %swap3A_129] : memref<1x1x128x2048xf32, #tpu.memory_space<vmem>>, vector<1x1x8x2048xf32>
    %swap3A_131 = vector.shape_cast %swap3A_130 : vector<1x1x8x2048xf32> to vector<8x2048xf32>
    %swap3A_132 = vector.shape_cast %slice3A_125 : vector<8x2048xf32> to vector<1x1x8x2048xf32>
    tpu.vector_store %arg3[%swap3A_126, %swap3A_127, %swap3A_128, %swap3A_129], %swap3A_132 {strides = array<i32>} : memref<1x1x128x2048xf32, #tpu.memory_space<vmem>>, vector<1x1x8x2048xf32>,
    return
  }
  func.func @transform_0(%arg0: i32, %arg1: i32) -> (i32, i32, i32) {
    %c0_i32 = arith.constant 0 : i32
    %c0_i32_0 = arith.constant 0 : i32
    %c0_i32_1 = arith.constant 0 : i32
    return %arg0, %c0_i32, %c0_i32_0 : i32, i32, i32
  }
  func.func @transform_1(%arg0: i32, %arg1: i32) -> (i32, i32, i32, i32) {
    %c0_i32 = arith.constant 0 : i32
    %c0_i32_0 = arith.constant 0 : i32
    %c0_i32_1 = arith.constant 0 : i32
    return %c0_i32, %arg0, %arg1, %c0_i32_0 : i32, i32, i32, i32
  }
}

</mosaic_0001>

<sc_bundles>
// kernel: branch_1_fun.4.cloned.1.call-start
scs
__scs_entry_jumppad:
0x0: {  	(pc) =	sbr.rel $0x88, $3  }
0x1: {  	(tag) =	ssettag $0x0;
	lr =	simm.s32 $0x1  }
0x2: {  	[smem:$0x3F9F] =	sst lr;
	_ =	strace $0xD0000000  }
0x3: {  	_ = 	snop  }
0x4: {  	_ = 	snop  }
0x5: {  	_ = 	snop  }
0x6: {  	_ = 	snop  }
0x7: {  	_ = 	snop  }
__scs_overlays_trampoline_lowered:
0x8: {  	[smem:$0x3FAE] =	sst s0  }
0x9: {  	[smem:$0x3FAF] =	sst s1  }
0xa: {  	[smem:$0x3FB0] =	sst s2  }
0xb: {  	[smem:$0x3FB1] =	sst s3  }
0xc: {  	[smem:$0x3FB2] =	sst s4  }
0xd: {  	[smem:$0x3FB3] =	sst s5  }
0xe: {  	[smem:$0x3FB4] =	sst s6  }
0xf: {  	[smem:$0x3FB5] =	sst s7  }
0x10: {  	[smem:$0x3FB6] =	sst s8  }
0x11: {  	[smem:$0x3FB7] =	sst s9;
	s0 =	simm.s32 @!p0 $0x0  }
0x12: {  	s1 =	sld [smem:$0x3F9D];
	s0 =	simm.s32 @p0 $0x1  }
0x13: {  	[smem:$0x3FB8] =	sst s0;
	s0 =	simm.s32 @!p1 $0x0  }
0x14: {  	s2 =	sld [smem:$0x3F9C];
	s0 =	simm.s32 @p1 $0x1  }
0x15: {  	[smem:$0x3FB9] =	sst s0;
	s0 =	simm.s32 @!p2 $0x0  }
0x16: {  	s3 =	sld [smem:$0x3FDB];
	s0 =	simm.s32 @p2 $0x1  }
0x17: {  	s4 =	simm.s32 $0x1BF5;
	[smem:$0x3FBB] =	sst s0  }
0x18: {  	s0 =	sld [smem:$0x3F9E];
	_ =	swait.ge [sflag:s4], $0x0  }
0x19: {  	s7 =	sld [smem:$0x3F9F]  }
0x1a: {  	s8 =	sadd.s32 $0xFFFFE003, lr  }
0x1b: {  	s9 =	sadd.s32 $0xFFFFFEF7, lr;
	s5 =	simm.s32 $0xFFFFFFFF;
	p2 =	slt.u32 s8, $0xFFFFF086  }
0x1c: {  	p1 =	slt.u32 s9, $0xF7A;
	s5 =	simm.s32 @!p2 $0x0  }
0x1d: {  	s5 =	simm.s32 @p1 $0x1;
	p0 =	seq.s32 s7, s2  }
0x1e: {  	s7 =	smul.u32 @!p0 $0xF7A, s2;
	p2 =	seq.s32 @!p0 s5, $0x0  }
0x1f: {  	s9 =	smul.u32 $0xF7A, s1;
	s8 =	simm.s32 @!p0 $0x1BF5;
	p2 =	por !p2, p0  }
0x20: {  	[sflag:s8] =	ssyncset.s32 @!p0 $0xFFFFF086;
	s6 =	sadd.s32 @!p0 s3, s7;
	s7 =	simm.s32 @!p0 $0x108  }
0x21: {  	s3 =	sadd.s32 s3, s9;
	s6 =	sadd.s32 @!p0 $0x88, s6;
	s7 =	simm.s32 @p2 $0x1082  }
0x22: {  	[simem:s7], [sflag:s8] =	dma.local @!p0 [hbm:s6], $0xF7A  }
0x23: {  	s9 =	sor.u32 $0xD0000000, s2;
	s6 =	simm.s32 $0x108;
	_ =	swait.ge @!p0 [sflag:s8], $0x0  }
0x24: {  	s3 =	sadd.s32 $0x88, s3;
	s6 =	simm.s32 @!p1 $0x1082;
	[sflag:s4] =	ssyncset.s32 $0xFFFFF086  }
0x25: {  	[simem:s6], [sflag:s4] =	dma.local [hbm:s3], $0xF7A  }
0x26: {  	[smem:$0x3F9F] =	sst s1;
	(tag) =	ssettag s2;
	_ =	strace s9  }
0x27: {  	s1 =	sld [smem:$0x3FAF]  }
0x28: {  	s2 =	sld [smem:$0x3FB0]  }
0x29: {  	s4 =	sld [smem:$0x3FB2]  }
0x2a: {  	p0 =	seq.s32 s5, $0x0;
	s5 =	sld [smem:$0x3FB3]  }
0x2b: {  	s6 =	sld [smem:$0x3FB4]  }
0x2c: {  	s7 =	sld [smem:$0x3FB5]  }
0x2d: {  	s3 =	simm.s32 $0x108;
	s8 =	sld [smem:$0x3FB6]  }
0x2e: {  	s3 =	simm.s32 @!p0 $0x1082;
	s9 =	sld [smem:$0x3FB7]  }
0x2f: {  	lr =	sadd.s32 s0, s3;
	s0 =	sld [smem:$0x3FAE]  }
0x30: {  	s3 =	sld [smem:$0x3FB1]  }
0x31: {  	[smem:$0x3FBA] =	sst s10  }
0x32: {  	s10 =	sld [smem:$0x3FB8];
	_ =	sdelay $0x3  }
0x33: {  	p0 =	seq.s32 s10, $0x1;
	s10 =	sld [smem:$0x3FBA];
	_ =	sdelay $0x3  }
0x34: {  	[smem:$0x3FBA] =	sst s10  }
0x35: {  	s10 =	sld [smem:$0x3FB9];
	_ =	sdelay $0x3  }
0x36: {  	p1 =	seq.s32 s10, $0x1;
	s10 =	sld [smem:$0x3FBA];
	_ =	sdelay $0x3  }
0x37: {  	[smem:$0x3FBA] =	sst s10  }
0x38: {  	s10 =	sld [smem:$0x3FBB]  }
0x39: {  	_ = 	snop;
	(pc) =	sbr.ind lr, $3  }
0x3a: {  	_ = 	snop  }
0x3b: {  	_ = 	snop  }
0x3c: {  	p2 =	seq.s32 s10, $0x1;
	s10 =	sld [smem:$0x3FBA]  }
0x3d: {  	_ =	shalt  }
0x3e: {  	_ =	shalt  }
0x3f: {  	_ =	shalt  }
0x40: {  	_ =	shalt  }
0x41: {  	_ =	shalt  }
0x42: {  	_ =	shalt  }
0x43: {  	_ =	shalt  }
0x44: {  	_ =	shalt  }
0x45: {  	_ =	shalt  }
0x46: {  	_ =	shalt  }
0x47: {  	_ =	shalt  }
0x48: {  	_ =	shalt  }
0x49: {  	_ =	shalt  }
0x4a: {  	_ =	shalt  }
0x4b: {  	_ =	shalt  }
0x4c: {  	_ =	shalt  }
0x4d: {  	_ =	shalt  }
0x4e: {  	_ =	shalt  }
0x4f: {  	_ =	shalt  }
0x50: {  	_ =	shalt  }
0x51: {  	_ =	shalt  }
0x52: {  	_ =	shalt  }
0x53: {  	_ =	shalt  }
0x54: {  	_ =	shalt  }
0x55: {  	_ =	shalt  }
0x56: {  	_ =	shalt  }
0x57: {  	_ =	shalt  }
0x58: {  	_ =	shalt  }
0x59: {  	_ =	shalt  }
0x5a: {  	_ =	shalt  }
0x5b: {  	_ =	shalt  }
0x5c: {  	_ =	shalt  }
0x5d: {  	_ =	shalt  }
0x5e: {  	_ =	shalt  }
0x5f: {  	_ =	shalt  }
0x60: {  	_ =	shalt  }
0x61: {  	_ =	shalt  }
0x62: {  	_ =	shalt  }
0x63: {  	_ =	shalt  }
0x64: {  	_ =	shalt  }
0x65: {  	_ =	shalt  }
0x66: {  	_ =	shalt  }
0x67: {  	_ =	shalt  }
0x68: {  	_ =	shalt  }
0x69: {  	_ =	shalt  }
0x6a: {  	_ =	shalt  }
0x6b: {  	_ =	shalt  }
0x6c: {  	_ =	shalt  }
0x6d: {  	_ =	shalt  }
0x6e: {  	_ =	shalt  }
0x6f: {  	_ =	shalt  }
0x70: {  	_ =	shalt  }
0x71: {  	_ =	shalt  }
0x72: {  	_ =	shalt  }
0x73: {  	_ =	shalt  }
0x74: {  	_ =	shalt  }
0x75: {  	_ =	shalt  }
0x76: {  	_ =	shalt  }
0x77: {  	_ =	shalt  }
0x78: {  	_ =	shalt  }
0x79: {  	_ =	shalt  }
0x7a: {  	_ =	shalt  }
0x7b: {  	_ =	shalt  }
0x7c: {  	_ =	shalt  }
0x7d: {  	_ =	shalt  }
0x7e: {  	_ =	shalt  }
0x7f: {  	_ =	shalt  }
0x80: {  	_ =	shalt  }
0x81: {  	_ =	shalt  }
0x82: {  	_ =	shalt  }
0x83: {  	_ =	shalt  }
0x84: {  	_ =	shalt  }
0x85: {  	_ =	shalt  }
0x86: {  	_ =	shalt  }
0x87: {  	_ =	shalt  }
.Lfunc_end0:
.L_simem_size_0:
called_computation_lowered:
.L_overlay_start_0:
0x88: {  	s2 =	sld [smem:$0x3FD9]  }
0x89: {  	s3 =	sld [smem:$0x3FFE];
	_ =	sdelay $0x1  }
0x8a: {  	s1 =	srdreg.scid  }
0x8b: {  	s0 =	sand.u32 $0x1, s1  }
0x8c: {  	s17 =	sshll.u32 s0, $0xA;
	s2 =	sadd.s32 s3, s2  }
0x8d: {  	s2 =	sadd.s32 s2, s17  }
0x8e: {  	[smem:$0x3FC6] =	sst s2  }
0x8f: {  	_ = 	snop  }
0x90: {  	s2 =	sld [smem:$0x3FC8]  }
0x91: {  	s18 =	sld [smem:$0x3FD0];
	(tm) =	ssettm $0x1  }
0x92: {  	s4 =	sld [smem:$0x3FFB];
	_ =	sdelay $0x3  }
0x93: {  	_ =	strace s4  }
0x94: {  	s4 =	sld [smem:$0x3FFC];
	_ =	sdelay $0x3  }
0x95: {  	_ =	strace s4  }
0x96: {  	s4 =	sld [smem:$0x3FFD];
	_ =	sdelay $0x3  }
0x97: {  	_ =	strace s4  }
0x98: {  	_ =	strace $0x8FFFFFFF  }
0x99: {  	s19 =	sld [smem:$0x3FDB];
	_ =	sdelay $0x1  }
0x9a: {  	s5 =	simm.s32 $_scs_section_size  }
0x9b: {  	s6 =	simm.s32 $_size__tile_overlayer_lowered;
	s7 =	simm.s32 $_tile_overlayer_lowered  }
0x9c: {  	s22 =	simm.s32 $0x1BFF;
	s21 =	sshll.u32 s7, $0x1;
	s4 =	sadd.s32 s5, s19  }
0x9d: {  	s8 =	simm.s32 $0x0;
	s20 =	sshll.u32 s6, $0x1;
	s6 =	sadd.s32 s21, s4  }
0x9e: {  	[timem:s8], [sflag:s22] =	dma.local [hbm:s6], s20  }
0x9f: {  	_ =	swait.ge [sflag:s22], s20  }
0xa0: {  	s5 =	ssub.s32 $0x0, s20;
	[sflag:s22] =	ssyncset.done $0x0  }
0xa1: {  	[sflag:s22] =	ssyncadd.s32 s5;
	_ =	sdelay $0x1  }
0xa2: {  	s23 =	simm.s32 $0x1B8B  }
0xa3: {  	_ =	swait.ge [sflag:s23], $0x1  }
0xa4: {  	[sflag:s23] =	ssyncset.done $0x0  }
0xa5: {  	s25 =	simm.s32 $0x1B8E;
	s24 =	sld [smem:$0x3FFE];
	[sflag:s23] =	ssyncadd.s32 $0xFFFFFFFF  }
0xa6: {  	s26 =	simm.s32 $execute0_lowered;
	[smem:$0x3FD2] =	sst s25  }
0xa7: {  	s6 =	sshll.u32 s26, $0x1;
	_ =	strace $0x80000046;
	[dreg:$0x1] =	wrdreg $0xFFFFFFFF  }
0xa8: {  	s28 =	simm.s32 $_size_execute0_lowered;
	s4 =	sadd.s32 s4, s6;
	[dreg:$0x0] =	wrdreg $0x0  }
0xa9: {  	s6 =	sshll.u32 s28, $0x1;
	[dreg:$0x2] =	wrdreg s4  }
0xaa: {  	[dreg:$0x3] =	wrdreg s6  }
0xab: {  	[dreg:$0x4] =	wrdreg $0xC0  }
0xac: {  	_ =	task [dreg:s8], $0x5FFFF  }
0xad: {  	[dreg:$0x1] =	wrdreg $0xFFFFFFFF  }
0xae: {  	[dreg:$0x0] =	wrdreg $0x60  }
0xaf: {  	[dreg:$0x2] =	wrdreg s2  }
0xb0: {  	[dreg:$0x3] =	wrdreg s24  }
0xb1: {  	[dreg:$0x4] =	wrdreg s18  }
0xb2: {  	[dreg:$0x5] =	wrdreg $0x9  }
0xb3: {  	_ =	task.clear_ibuf [dreg:s8], $0x6FFFF;
	_ =	strace $0x90000046  }
0xb4: {  	s29 =	simm.s32 $0x9;
	_ =	strace $0x80000048  }
0xb5: {  	_ =	swait.ge [sflag:s29], $0x1  }
0xb6: {  	[sflag:s29] =	ssyncadd.s32 $0xFFFFFFFF  }
0xb7: {  	_ =	strace $0x90000048  }
0xb8: {  	_ =	sfence  }
0xb9: {  	s30 =	sld [smem:$0x0];
	_ =	sdelay $0x2  }
0xba: {  	s31 =	sshll.u32 s1, $0xD;
	s1 =	sshrl.u32 s1, $0x2  }
0xbb: {  	s3 =	sand.u32 $0x4000, s31;
	s1 =	sadd.s32 s1, s30  }
0xbc: {  	s0 =	sor.u32 s3, s0;
	s1 =	sshll.u32 s1, $0x11  }
0xbd: {  	s0 =	sor.u32 s1, s0  }
0xbe: {  	s0 =	sadd.s32 $0x8F2B, s0  }
0xbf: {  	[sflag:s0] =	ssyncadd.remote.s32 $0x1  }
0xc0: {  	_ =	sfence.sel $0xFFFF  }
0xc1: {  	[dreg:$0x0] =	wrdreg $0xFFFFFFFF;
	(pc) =	sbr.abs _section_cstart, $3  }
0xc2: {  	[dreg:$0x1] =	wrdreg $0xFFFFFFFF  }
0xc3: {  	_ =	task.clear_ibuf [dreg:s8], $0x2FFFF;
	_ =	strace $0x9FFFFFFF  }
0xc4: {  	(tm) =	ssettm $0x7FFFFFFF  }
0xc5: {  	_ =	shalt  }
tec
execute0_lowered:
.L_overlay_start_1:
0x0: {  	(tag) =	ssettag $0x1  }
0x1: {  	s4 =	rddreg [dreg:$0x0]  }
0x2: {  	s3 =	rddreg [dreg:$0x1]  }
0x3: {  	s0 =	srdreg.scid;
	s5 =	rddreg [dreg:$0x2]  }
0x4: {  	s1 =	stileid.u32;
	s2 =	simm.s32 $0x0;
	s6 =	sand.u32 $0x1, s0  }
0x5: {  	s0 =	rddreg [dreg:$0x3];
	s8 =	sshrl.u32 s1, $0x3;
	s30 =	sshll.u32 s1, $0x7  }
0x6: {  	[smem:$0x7FF] =	sst s2;
	s7 =	ssub.s32 $0x2, s6;
	s10 =	smul.u32 $0x9000, s8  }
0x7: {  	s3 =	sadd.s32 $0xC00, s3;
	s11 =	smul.u32 $0x4800, s6;
	s9 =	sshrl.u32 s7, $0x1  }
0x8: {  	s8 =	sshll.u32 s8, $0xA;
	_ =	strace $0x80000047;
	s7 =	ssub.s32 s7, s9  }
.Ltmp0:
0x9: {  	s9 =	sand.u32 $0x380, s30;
	s10 =	sadd.s32 s11, s10;
	(pc) =	sbr.rel .LBB2_1-.Ltmp0, $4  }
0xa: {  	p0 =	seq.s32 s6, $0x1;
	s8 =	sor.u32 s9, s8;
	s9 =	sor.u32 s9, s10  }
0xb: {  	s6 =	smax.u32 s7, $0x1;
	s7 =	simm.s32 $0x1;
	s10 =	simm.s32 $0x200  }
0xc: {  	s8 =	sshrl.u32 s8, $0x3;
	s31 =	sshrl.u32 s9, $0x3;
	s9 =	simm.s32 $0x400  }
0xd: {  	v0 =	vimm.s32 $0x0;
	v1 =	vimm.s32 $0xF;
	s4 =	sadd.s32 s4, s8;
	s5 =	sadd.s32 s5, s31;
	s8 =	simm.s32 $0x80  }
.LBB2_3:
0xe: {  	[tilespmem:$0x200] =	vst v2  }
0xf: {  	[tilespmem:$0x210] =	vst v2  }
0x10: {  	[tilespmem:$0x220] =	vst v2  }
0x11: {  	[tilespmem:$0x230] =	vst v2  }
0x12: {  	[tilespmem:$0x240] =	vst v2  }
0x13: {  	[tilespmem:$0x250] =	vst v2  }
0x14: {  	[tilespmem:$0x260] =	vst v2  }
0x15: {  	[tilespmem:$0x270] =	vst v2  }
0x16: {  	[tilespmem:$0x280] =	vst v2  }
0x17: {  	[tilespmem:$0x290] =	vst v2  }
0x18: {  	[tilespmem:$0x2A0] =	vst v2  }
0x19: {  	[tilespmem:$0x2B0] =	vst v2  }
0x1a: {  	[tilespmem:$0x2C0] =	vst v2  }
0x1b: {  	[tilespmem:$0x2D0] =	vst v2  }
0x1c: {  	[tilespmem:$0x2E0] =	vst v2  }
0x1d: {  	[tilespmem:$0x2F0] =	vst v2  }
0x1e: {  	[tilespmem:$0x300] =	vst v2  }
0x1f: {  	[tilespmem:$0x310] =	vst v2  }
0x20: {  	[tilespmem:$0x320] =	vst v2  }
0x21: {  	[tilespmem:$0x330] =	vst v2  }
0x22: {  	[tilespmem:$0x340] =	vst v2  }
0x23: {  	[tilespmem:$0x350] =	vst v2  }
0x24: {  	[tilespmem:$0x360] =	vst v2  }
0x25: {  	[tilespmem:$0x370] =	vst v2  }
0x26: {  	[tilespmem:$0x380] =	vst v2  }
0x27: {  	[tilespmem:$0x390] =	vst v2  }
0x28: {  	[tilespmem:$0x3A0] =	vst v2  }
0x29: {  	[tilespmem:$0x3B0] =	vst v2  }
0x2a: {  	[tilespmem:$0x3C0] =	vst v2  }
0x2b: {  	[tilespmem:$0x3D0] =	vst v2  }
0x2c: {  	[tilespmem:$0x3E0] =	vst v2  }
0x2d: {  	[tilespmem:$0x3F0] =	vst v2  }
0x2e: {  	[tilespmem:$0x400] =	vst v2  }
0x2f: {  	[tilespmem:$0x410] =	vst v2  }
0x30: {  	[tilespmem:$0x420] =	vst v2  }
0x31: {  	[tilespmem:$0x430] =	vst v2  }
0x32: {  	[tilespmem:$0x440] =	vst v2  }
0x33: {  	[tilespmem:$0x450] =	vst v2  }
0x34: {  	[tilespmem:$0x460] =	vst v2  }
0x35: {  	[tilespmem:$0x470] =	vst v2  }
0x36: {  	[tilespmem:$0x480] =	vst v2  }
0x37: {  	[tilespmem:$0x490] =	vst v2  }
0x38: {  	[tilespmem:$0x4A0] =	vst v2  }
0x39: {  	[tilespmem:$0x4B0] =	vst v2  }
0x3a: {  	[tilespmem:$0x4C0] =	vst v2  }
0x3b: {  	[tilespmem:$0x4D0] =	vst v2  }
0x3c: {  	[tilespmem:$0x4E0] =	vst v2  }
0x3d: {  	[tilespmem:$0x4F0] =	vst v2  }
0x3e: {  	[tilespmem:$0x500] =	vst v2  }
0x3f: {  	[tilespmem:$0x510] =	vst v2  }
0x40: {  	[tilespmem:$0x520] =	vst v2  }
0x41: {  	[tilespmem:$0x530] =	vst v2  }
0x42: {  	[tilespmem:$0x540] =	vst v2  }
0x43: {  	[tilespmem:$0x550] =	vst v2  }
0x44: {  	[tilespmem:$0x560] =	vst v2  }
0x45: {  	[tilespmem:$0x570] =	vst v2  }
0x46: {  	[tilespmem:$0x580] =	vst v2  }
0x47: {  	[tilespmem:$0x590] =	vst v2  }
0x48: {  	[tilespmem:$0x5A0] =	vst v2  }
0x49: {  	[tilespmem:$0x5B0] =	vst v2  }
0x4a: {  	[tilespmem:$0x5C0] =	vst v2  }
0x4b: {  	[tilespmem:$0x5D0] =	vst v2  }
0x4c: {  	[tilespmem:$0x5E0] =	vst v2  }
0x4d: {  	[tilespmem:$0x5F0] =	vst v2  }
0x4e: {  	[tilespmem:$0x600] =	vst v2  }
0x4f: {  	[tilespmem:$0x610] =	vst v2  }
0x50: {  	[tilespmem:$0x620] =	vst v2  }
0x51: {  	[tilespmem:$0x630] =	vst v2  }
0x52: {  	[tilespmem:$0x640] =	vst v2  }
0x53: {  	[tilespmem:$0x650] =	vst v2  }
0x54: {  	[tilespmem:$0x660] =	vst v2  }
0x55: {  	[tilespmem:$0x670] =	vst v2  }
0x56: {  	[tilespmem:$0x680] =	vst v2  }
0x57: {  	[tilespmem:$0x690] =	vst v2  }
0x58: {  	[tilespmem:$0x6A0] =	vst v2  }
0x59: {  	[tilespmem:$0x6B0] =	vst v2  }
0x5a: {  	[tilespmem:$0x6C0] =	vst v2  }
0x5b: {  	[tilespmem:$0x6D0] =	vst v2  }
0x5c: {  	[tilespmem:$0x6E0] =	vst v2  }
0x5d: {  	[tilespmem:$0x6F0] =	vst v2  }
0x5e: {  	[tilespmem:$0x700] =	vst v2  }
0x5f: {  	[tilespmem:$0x710] =	vst v2  }
0x60: {  	[tilespmem:$0x720] =	vst v2  }
0x61: {  	[tilespmem:$0x730] =	vst v2  }
0x62: {  	[tilespmem:$0x740] =	vst v2  }
0x63: {  	[tilespmem:$0x750] =	vst v2  }
0x64: {  	[tilespmem:$0x760] =	vst v2  }
0x65: {  	[tilespmem:$0x770] =	vst v2  }
0x66: {  	[tilespmem:$0x780] =	vst v2  }
0x67: {  	[tilespmem:$0x790] =	vst v2  }
0x68: {  	[tilespmem:$0x7A0] =	vst v2  }
0x69: {  	[tilespmem:$0x7B0] =	vst v2  }
0x6a: {  	[tilespmem:$0x7C0] =	vst v2  }
0x6b: {  	[tilespmem:$0x7D0] =	vst v2  }
0x6c: {  	[tilespmem:$0x7E0] =	vst v2  }
0x6d: {  	[tilespmem:$0x7F0] =	vst v2  }
0x6e: {  	[tilespmem:$0x800] =	vst v2  }
0x6f: {  	[tilespmem:$0x810] =	vst v2  }
0x70: {  	[tilespmem:$0x820] =	vst v2  }
0x71: {  	[tilespmem:$0x830] =	vst v2  }
0x72: {  	[tilespmem:$0x840] =	vst v2  }
0x73: {  	[tilespmem:$0x850] =	vst v2  }
0x74: {  	[tilespmem:$0x860] =	vst v2  }
0x75: {  	[tilespmem:$0x870] =	vst v2  }
0x76: {  	[tilespmem:$0x880] =	vst v2  }
0x77: {  	[tilespmem:$0x890] =	vst v2  }
0x78: {  	[tilespmem:$0x8A0] =	vst v2  }
0x79: {  	[tilespmem:$0x8B0] =	vst v2  }
0x7a: {  	[tilespmem:$0x8C0] =	vst v2  }
0x7b: {  	[tilespmem:$0x8D0] =	vst v2  }
0x7c: {  	[tilespmem:$0x8E0] =	vst v2  }
0x7d: {  	[tilespmem:$0x8F0] =	vst v2  }
0x7e: {  	[tilespmem:$0x900] =	vst v2  }
0x7f: {  	[tilespmem:$0x910] =	vst v2  }
0x80: {  	[tilespmem:$0x920] =	vst v2  }
0x81: {  	[tilespmem:$0x930] =	vst v2  }
0x82: {  	[tilespmem:$0x940] =	vst v2  }
0x83: {  	[tilespmem:$0x950] =	vst v2  }
0x84: {  	[tilespmem:$0x960] =	vst v2  }
0x85: {  	[tilespmem:$0x970] =	vst v2  }
0x86: {  	[tilespmem:$0x980] =	vst v2  }
0x87: {  	[tilespmem:$0x990] =	vst v2  }
0x88: {  	[tilespmem:$0x9A0] =	vst v2  }
0x89: {  	[tilespmem:$0x9B0] =	vst v2  }
0x8a: {  	[tilespmem:$0x9C0] =	vst v2  }
0x8b: {  	[tilespmem:$0x9D0] =	vst v2  }
0x8c: {  	[tilespmem:$0x9E0] =	vst v2  }
0x8d: {  	[tilespmem:$0x9F0] =	vst v2  }
0x8e: {  	[tilespmem:$0xA00] =	vst v2  }
0x8f: {  	[tilespmem:$0xA10] =	vst v2  }
0x90: {  	[tilespmem:$0xA20] =	vst v2  }
0x91: {  	[tilespmem:$0xA30] =	vst v2  }
0x92: {  	[tilespmem:$0xA40] =	vst v2  }
0x93: {  	[tilespmem:$0xA50] =	vst v2  }
0x94: {  	[tilespmem:$0xA60] =	vst v2;
	v3 =	vmov v2  }
.LBB2_4:
0x95: {  	[tilespmem:$0xA70] =	vst v3  }
0x96: {  	[tilespmem:$0xA80] =	vst v2  }
0x97: {  	[tilespmem:$0xA90] =	vst v2  }
0x98: {  	[tilespmem:$0xAA0] =	vst v2  }
0x99: {  	[tilespmem:$0xAB0] =	vst v2  }
0x9a: {  	[tilespmem:$0xAC0] =	vst v2  }
0x9b: {  	[tilespmem:$0xAD0] =	vst v2;
	s6 =	sadd.s32 $0xFFFFFFFF, s6  }
0x9c: {  	[tilespmem:$0xAE0] =	vst v2;
	p1 =	sne.s32 s6, $0x0  }
.Ltmp1:
0x9d: {  	[tilespmem:$0xAF0] =	vst v2;
	(pc) =	sbr.rel @!p1 .LBB2_5-.Ltmp1, $4  }
0x9e: {  	[hbm4b:s5+s8] =	stream.strided.scatter [tilespmem:s10], [sflag:$0x1], $0x900, s9, s8, $0x38;
	[tilespmem:$0xB00] =	vst v63  }
0x9f: {  	_ =	swait.ge [sflag:s7], $0x900  }
0xa0: {  	[sflag:s7] =	ssyncset.done $0x0  }
0xa1: {  	[sflag:s7] =	ssyncadd.s32 $0xFFFFF700  }
.LBB2_1:
0xa2: {  	[tilespmem:s2], [sflag:$0x1] =	stream.linear.gather [hbm4b:s4+s2], $0x80, $0x38;
	[tilespmem:$0xB00] =	vst v63  }
0xa3: {  	_ =	swait.ge [sflag:s7], $0x80  }
0xa4: {  	[sflag:s7] =	ssyncset.done $0x0  }
0xa5: {  	[sflag:s7] =	ssyncadd.s32 $0xFFFFFF80  }
0xa6: {  	[tilespmem:s8], [sflag:$0x1] =	stream.linear.gather [hbm4b:s3+s2], $0x180, $0x38;
	[tilespmem:$0xB00] =	vst v63  }
0xa7: {  	_ =	swait.ge [sflag:s7], $0x180  }
0xa8: {  	[sflag:s7] =	ssyncset.done $0x0  }
0xa9: {  	[sflag:s7] =	ssyncadd.s32 $0xFFFFFE80  }
0xaa: {  	v3 =	vld [tilespmem:$0x0];
	_ =	sdelay $0x1  }
.Ltmp2:
0xab: {  	_ = 	snop;
	(pc) =	sbr.rel @p0 .LBB2_3-.Ltmp2, $2  }
0xac: {  	_ =	sdelay $0x1  }
0xad: {  	v2 =	vperm.xlane v3, v0;
	_ =	sdelay $0x1  }
0xae: {  	v4 =	vld [tilespmem:$0x10];
	_ =	sdelay $0x4  }
0xaf: {  	v5 =	vperm.xlane v4, v1;
	_ =	sdelay $0x1  }
0xb0: {  	[tilespmem:$0x200] =	vst v5  }
0xb1: {  	[tilespmem:$0x210] =	vst v5  }
0xb2: {  	[tilespmem:$0x220] =	vst v5  }
0xb3: {  	[tilespmem:$0x230] =	vst v5  }
0xb4: {  	[tilespmem:$0x240] =	vst v5  }
0xb5: {  	[tilespmem:$0x250] =	vst v5  }
0xb6: {  	[tilespmem:$0x260] =	vst v5  }
0xb7: {  	[tilespmem:$0x270] =	vst v5  }
0xb8: {  	[tilespmem:$0x280] =	vst v5  }
0xb9: {  	[tilespmem:$0x290] =	vst v5  }
0xba: {  	[tilespmem:$0x2A0] =	vst v5  }
0xbb: {  	[tilespmem:$0x2B0] =	vst v5  }
0xbc: {  	[tilespmem:$0x2C0] =	vst v5  }
0xbd: {  	[tilespmem:$0x2D0] =	vst v5  }
0xbe: {  	[tilespmem:$0x2E0] =	vst v5  }
0xbf: {  	[tilespmem:$0x2F0] =	vst v5  }
0xc0: {  	[tilespmem:$0x300] =	vst v5  }
0xc1: {  	[tilespmem:$0x310] =	vst v5  }
0xc2: {  	[tilespmem:$0x320] =	vst v5  }
0xc3: {  	[tilespmem:$0x330] =	vst v5  }
0xc4: {  	[tilespmem:$0x340] =	vst v5  }
0xc5: {  	[tilespmem:$0x350] =	vst v5  }
0xc6: {  	[tilespmem:$0x360] =	vst v5  }
0xc7: {  	[tilespmem:$0x370] =	vst v5  }
0xc8: {  	[tilespmem:$0x380] =	vst v5  }
0xc9: {  	[tilespmem:$0x390] =	vst v5  }
0xca: {  	[tilespmem:$0x3A0] =	vst v5  }
0xcb: {  	[tilespmem:$0x3B0] =	vst v5  }
0xcc: {  	[tilespmem:$0x3C0] =	vst v5  }
0xcd: {  	[tilespmem:$0x3D0] =	vst v5  }
0xce: {  	[tilespmem:$0x3E0] =	vst v5  }
0xcf: {  	[tilespmem:$0x3F0] =	vst v5  }
0xd0: {  	[tilespmem:$0x400] =	vst v5  }
0xd1: {  	[tilespmem:$0x410] =	vst v5  }
0xd2: {  	[tilespmem:$0x420] =	vst v5  }
0xd3: {  	[tilespmem:$0x430] =	vst v5  }
0xd4: {  	[tilespmem:$0x440] =	vst v5  }
0xd5: {  	[tilespmem:$0x450] =	vst v5  }
0xd6: {  	[tilespmem:$0x460] =	vst v5  }
0xd7: {  	[tilespmem:$0x470] =	vst v5  }
0xd8: {  	[tilespmem:$0x480] =	vst v5  }
0xd9: {  	[tilespmem:$0x490] =	vst v5  }
0xda: {  	[tilespmem:$0x4A0] =	vst v5  }
0xdb: {  	[tilespmem:$0x4B0] =	vst v5  }
0xdc: {  	[tilespmem:$0x4C0] =	vst v5  }
0xdd: {  	[tilespmem:$0x4D0] =	vst v5  }
0xde: {  	[tilespmem:$0x4E0] =	vst v5  }
0xdf: {  	[tilespmem:$0x4F0] =	vst v5  }
0xe0: {  	[tilespmem:$0x500] =	vst v5  }
0xe1: {  	[tilespmem:$0x510] =	vst v5  }
0xe2: {  	[tilespmem:$0x520] =	vst v5  }
0xe3: {  	[tilespmem:$0x530] =	vst v5  }
0xe4: {  	[tilespmem:$0x540] =	vst v5  }
0xe5: {  	[tilespmem:$0x550] =	vst v5  }
0xe6: {  	[tilespmem:$0x560] =	vst v5  }
0xe7: {  	[tilespmem:$0x570] =	vst v5  }
0xe8: {  	[tilespmem:$0x580] =	vst v5  }
0xe9: {  	[tilespmem:$0x590] =	vst v5  }
0xea: {  	[tilespmem:$0x5A0] =	vst v5  }
0xeb: {  	[tilespmem:$0x5B0] =	vst v5  }
0xec: {  	[tilespmem:$0x5C0] =	vst v5  }
0xed: {  	[tilespmem:$0x5D0] =	vst v5  }
0xee: {  	[tilespmem:$0x5E0] =	vst v5  }
0xef: {  	[tilespmem:$0x5F0] =	vst v5  }
0xf0: {  	[tilespmem:$0x600] =	vst v5  }
0xf1: {  	[tilespmem:$0x610] =	vst v5  }
0xf2: {  	[tilespmem:$0x620] =	vst v5  }
0xf3: {  	[tilespmem:$0x630] =	vst v5  }
0xf4: {  	[tilespmem:$0x640] =	vst v5  }
0xf5: {  	[tilespmem:$0x650] =	vst v5  }
0xf6: {  	[tilespmem:$0x660] =	vst v5  }
0xf7: {  	[tilespmem:$0x670] =	vst v5  }
0xf8: {  	[tilespmem:$0x680] =	vst v5  }
0xf9: {  	[tilespmem:$0x690] =	vst v5  }
0xfa: {  	[tilespmem:$0x6A0] =	vst v5  }
0xfb: {  	[tilespmem:$0x6B0] =	vst v5  }
0xfc: {  	[tilespmem:$0x6C0] =	vst v5  }
0xfd: {  	[tilespmem:$0x6D0] =	vst v5  }
0xfe: {  	[tilespmem:$0x6E0] =	vst v5  }
0xff: {  	[tilespmem:$0x6F0] =	vst v5  }
0x100: {  	[tilespmem:$0x700] =	vst v5  }
0x101: {  	[tilespmem:$0x710] =	vst v5  }
0x102: {  	[tilespmem:$0x720] =	vst v5  }
0x103: {  	[tilespmem:$0x730] =	vst v5  }
0x104: {  	[tilespmem:$0x740] =	vst v5  }
0x105: {  	[tilespmem:$0x750] =	vst v5  }
0x106: {  	[tilespmem:$0x760] =	vst v5  }
0x107: {  	[tilespmem:$0x770] =	vst v5  }
0x108: {  	[tilespmem:$0x780] =	vst v5  }
0x109: {  	[tilespmem:$0x790] =	vst v5  }
0x10a: {  	[tilespmem:$0x7A0] =	vst v5  }
0x10b: {  	[tilespmem:$0x7B0] =	vst v5  }
0x10c: {  	[tilespmem:$0x7C0] =	vst v5  }
0x10d: {  	[tilespmem:$0x7D0] =	vst v5  }
0x10e: {  	[tilespmem:$0x7E0] =	vst v5  }
0x10f: {  	[tilespmem:$0x7F0] =	vst v5  }
0x110: {  	[tilespmem:$0x800] =	vst v5  }
0x111: {  	[tilespmem:$0x810] =	vst v5  }
0x112: {  	[tilespmem:$0x820] =	vst v5  }
0x113: {  	[tilespmem:$0x830] =	vst v5  }
0x114: {  	[tilespmem:$0x840] =	vst v5  }
0x115: {  	[tilespmem:$0x850] =	vst v5  }
0x116: {  	[tilespmem:$0x860] =	vst v5  }
0x117: {  	[tilespmem:$0x870] =	vst v5  }
0x118: {  	[tilespmem:$0x880] =	vst v5  }
0x119: {  	v6 =	vld [tilespmem:$0x80];
	[tilespmem:$0x890] =	vst v5  }
0x11a: {  	v7 =	vld [tilespmem:$0x90];
	[tilespmem:$0x8A0] =	vst v5  }
0x11b: {  	v8 =	vld [tilespmem:$0xA0];
	[tilespmem:$0x8B0] =	vst v5  }
0x11c: {  	v9 =	vld [tilespmem:$0xB0];
	[tilespmem:$0x8C0] =	vst v5  }
0x11d: {  	v10 =	vld [tilespmem:$0xC0];
	[tilespmem:$0x8D0] =	vst v5  }
0x11e: {  	v11 =	vld [tilespmem:$0xD0];
	[tilespmem:$0x8E0] =	vst v5  }
0x11f: {  	v12 =	vld [tilespmem:$0xE0];
	[tilespmem:$0x8F0] =	vst v5  }
0x120: {  	v13 =	vld [tilespmem:$0xF0];
	[tilespmem:$0x900] =	vst v5  }
0x121: {  	v14 =	vld [tilespmem:$0x100];
	[tilespmem:$0x910] =	vst v5  }
0x122: {  	v15 =	vld [tilespmem:$0x110];
	[tilespmem:$0x920] =	vst v5  }
0x123: {  	v16 =	vld [tilespmem:$0x120];
	[tilespmem:$0x930] =	vst v5  }
0x124: {  	v17 =	vld [tilespmem:$0x130];
	[tilespmem:$0x940] =	vst v5  }
0x125: {  	v18 =	vld [tilespmem:$0x140];
	[tilespmem:$0x950] =	vst v5  }
0x126: {  	v19 =	vld [tilespmem:$0x150];
	[tilespmem:$0x960] =	vst v5  }
0x127: {  	v20 =	vld [tilespmem:$0x160];
	[tilespmem:$0x970] =	vst v5  }
0x128: {  	v21 =	vld [tilespmem:$0x170];
	[tilespmem:$0x980] =	vst v5  }
0x129: {  	v22 =	vld [tilespmem:$0x180];
	[tilespmem:$0x990] =	vst v5  }
0x12a: {  	v24 =	vld [tilespmem:$0x1A0];
	[tilespmem:$0x9A0] =	vst v5  }
0x12b: {  	v47 =	vld [tilespmem:$0x1B0];
	v6 =	vperm.xlane v3, v6;
	v7 =	vperm.xlane v4, v7;
	[tilespmem:$0x9B0] =	vst v5  }
0x12c: {  	v50 =	vld [tilespmem:$0x1C0];
	vm0 =	veq.s32 v8, $0x1;
	v45 =	vperm.xlane v3, v9;
	v46 =	vperm.xlane v4, v10;
	[tilespmem:$0x9C0] =	vst v5  }
0x12d: {  	v23 =	vld [tilespmem:$0x190];
	vm1 =	veq.s32 v11, $0x1;
	v48 =	vperm.xlane v3, v12;
	v49 =	vperm.xlane v4, v13;
	[tilespmem:$0x9D0] =	vst v5  }
0x12e: {  	v52 =	vld [tilespmem:$0x1D0];
	vm10 =	veq.s32 v14, $0x1;
	v54 =	vperm.xlane v4, v16;
	vm11 =	veq.s32 v17, $0x1;
	[tilespmem:$0x9E0] =	vst v5  }
0x12f: {  	v55 =	vld [tilespmem:$0x1E0];
	v56 =	vperm.xlane v3, v18;
	v57 =	vperm.xlane v4, v19;
	v6 =	vsel vm0, v6, v7;
	[tilespmem:$0x9F0] =	vst v5  }
0x130: {  	v58 =	vld [tilespmem:$0x1F0];
	v61 =	vperm.xlane v3, v24;
	v62 =	vperm.xlane v4, v47;
	v51 =	vsel vm1, v45, v46;
	[tilespmem:$0xA00] =	vst v6  }
0x131: {  	vm12 =	veq.s32 v20, $0x1;
	vm14 =	veq.s32 v50, $0x1;
	v53 =	vsel vm10, v48, v49;
	[tilespmem:$0xA10] =	vst v51  }
.Ltmp3:
0x132: {  	v59 =	vperm.xlane v3, v21;
	v5 =	vperm.xlane v3, v15;
	v63 =	vsel vm14, v61, v62;
	[tilespmem:$0xA20] =	vst v53;
	(pc) =	sbr.rel .LBB2_4-.Ltmp3, $4  }
0x133: {  	v60 =	vperm.xlane v4, v22;
	vm13 =	veq.s32 v23, $0x1;
	v6 =	vsel vm12, v56, v57;
	[tilespmem:$0xA60] =	vst v63  }
0x134: {  	v4 =	vperm.xlane v4, v55;
	v3 =	vperm.xlane v3, v52;
	v5 =	vsel vm11, v5, v54;
	[tilespmem:$0xA40] =	vst v6  }
0x135: {  	vm15 =	veq.s32 v58, $0x1;
	[tilespmem:$0xA30] =	vst v5;
	v5 =	vsel vm13, v59, v60  }
0x136: {  	v3 =	vsel vm15, v3, v4;
	[tilespmem:$0xA50] =	vst v5  }
.LBB2_5:
0x137: {  	_ =	sfence.sel $0x180000  }
0x138: {  	[bflag:$0x0] =	sbarrier.arrive $0xFFFF  }
0x139: {  	p0 =	sne.s32 s1, $0x0;
	_ =	strace $0x90000047  }
0x13a: {  	s0 =	sadd.s32 @!p0 $0x100000, s0;
	[bflag:$0x2] =	sbarrier.arrive $0xFFFF  }
0x13b: {  	[sflag:s0] =	ssyncadd.tile.s32 @!p0 $0x1;
	_ =	shalt  }
.Lfunc_end2:
_tile_overlayer_lowered:
.L_overlay_start_2:
0x13c: {  	(tag) =	ssettag $0x2  }
0x13d: {  	s0 =	rddreg [dreg:$0x0];
	s2 =	stileid.u32  }
0x13e: {  	s1 =	rddreg [dreg:$0x1];
	p0 =	sne.s32 s2, $0x0  }
0x13f: {  	s3 =	rddreg [dreg:$0x2];
	[bflag:$0x3] =	sbarrier.arrive $0xFFFF;
	s2 =	simm.s32 @!p0 $0x1C01  }
0x140: {  	[timem:s3], [sflag:s2] =	dma.local @!p0 [hbm:s0], s1  }
0x141: {  	s0 =	simm.s32 @!p0 $0x1  }
0x142: {  	_ =	swait.ge @!p0 [sflag:s0], s1  }
0x143: {  	s1 =	ssub.s32 @!p0 $0x0, s1;
	[sflag:s0] =	ssyncset.done @!p0 $0x0  }
0x144: {  	[sflag:s0] =	ssyncadd.s32 @!p0 s1  }
0x145: {  	[bflag:$0x3] =	sbarrier.arrive $0xFFFF  }
0x146: {  	_ =	shalt  }

</sc_bundles>
